<compile_context>
chip_gen: v7x
topology: tpu7x:2x2x1
jax: 0.10.2.dev20260603
libtpu: 0.0.44.dev20260713+nightly
codegen_flags: <defaults>
</compile_context>

<pallas_src>
import functools

import jax
import jax.numpy as jnp
from jax import lax
from jax.experimental import pallas as pl
from jax.experimental.pallas import tpu as pltpu
from jax.experimental.pallas import tpu_sc as plsc

B = 16384
F = 26
V = 1000000

NC, NS, L = 2, 16, 16
NW = NC * NS
RPW = B // NW
VP = 1000064

VMAIN = (V // 128) * 128
VTAIL = V - VMAIN

CHUNKS = ((0, 16), (16, 26))



def _detile_body(f_lo, f_hi, tab_hbm, out_hbm, buf_a, buf_b, tails_a, tails_b,
                 sem_in, sem_out, sem_tail):
    nf = f_hi - f_lo
    full_groups = [(f_lo + 8 * g, 8) for g in range(nf // 8)]
    rest = nf % 8

    def in_rows(row0, nrows, buf):
        if nrows == 8:
            return [pltpu.make_async_copy(
                tab_hbm.at[pl.ds(row0, 8)], buf, sem_in)]
        return [pltpu.make_async_copy(tab_hbm.at[row0 + r], buf.at[r], sem_in)
                for r in range(nrows)]

    def outs(buf, tails, nrows, f0):
        cps = []
        for r in range(nrows):
            fo = f0 - f_lo + r
            tails[r, pl.ds(0, VTAIL)] = buf[r, pl.ds(VMAIN, VTAIL)]
            cps.append(pltpu.make_async_copy(
                buf.at[r, pl.ds(0, VMAIN)],
                out_hbm.at[pl.ds(fo * VP, VMAIN)], sem_out))
            cps.append(pltpu.make_async_copy(
                tails.at[r], out_hbm.at[pl.ds(fo * VP + VMAIN, 128)],
                sem_tail))
        for c in cps:
            c.start()
        return cps

    items = full_groups + ([(f_lo + 8 * (nf // 8), rest)] if rest else [])
    bufs = [(buf_a, tails_a), (buf_b, tails_b)]
    inflight = {}
    pending_outs = {}
    for i, (row0, nrows) in enumerate(items[:2]):
        cps = in_rows(row0, nrows, bufs[i % 2][0])
        for c in cps:
            c.start()
        inflight[i] = cps
    for i, (row0, nrows) in enumerate(items):
        for c in inflight.pop(i):
            c.wait()
        buf, tails = bufs[i % 2]
        pending_outs[i] = outs(buf, tails, nrows, row0)
        nxt = i + 2
        if nxt < len(items):
            for c in pending_outs.pop(i):
                c.wait()
            r0, nr = items[nxt]
            cps = in_rows(r0, nr, bufs[nxt % 2][0])
            for c in cps:
                c.start()
            inflight[nxt] = cps
    for cps in pending_outs.values():
        for c in cps:
            c.wait()


def _detile(tables, f_lo, f_hi):
    nf = f_hi - f_lo
    return pl.pallas_call(
        functools.partial(_detile_body, f_lo, f_hi),
        in_specs=[pl.BlockSpec(memory_space=pl.ANY)],
        out_specs=pl.BlockSpec(memory_space=pl.ANY),
        out_shape=jax.ShapeDtypeStruct((nf * VP,), jnp.float32),
        scratch_shapes=[
            pltpu.VMEM((8, V), jnp.float32),
            pltpu.VMEM((8, V), jnp.float32),
            pltpu.VMEM((8, 128), jnp.float32),
            pltpu.VMEM((8, 128), jnp.float32),
            pltpu.SemaphoreType.DMA,
            pltpu.SemaphoreType.DMA,
            pltpu.SemaphoreType.DMA,
        ],
        compiler_params=pltpu.CompilerParams(
            vmem_limit_bytes=100 * 1024 * 1024),
    )(tables)



def _sc_body(f_lo, f_hi, x_hbm, tab_hbm, out_hbm, xrows, idx_v, g_v, o_v, sem):
    nf = f_hi - f_lo
    wid = lax.axis_index("s") * NC + lax.axis_index("c")
    base = wid * RPW

    pltpu.sync_copy(x_hbm.at[pl.ds(base, RPW)], xrows)
    lane = lax.iota(jnp.int32, L)

    def tr_body(j, _):
        rows = lane + j * L
        for fo in range(nf):
            idx_v[pl.ds(fo * RPW + j * L, L)] = plsc.load_gather(
                xrows, [rows, jnp.full((L,), f_lo + fo, jnp.int32)]) + fo * VP
        return 0

    lax.fori_loop(0, RPW // L, tr_body, 0)

    pltpu.async_copy(tab_hbm.at[idx_v], g_v, sem).wait()

    def red_body(j, _):
        acc = g_v[pl.ds(j * L, L)]
        for fo in range(1, nf):
            acc = acc + g_v[pl.ds(fo * RPW + j * L, L)]
        o_v[pl.ds(j * L, L)] = acc
        return 0

    lax.fori_loop(0, RPW // L, red_body, 0)

    pltpu.sync_copy(o_v, out_hbm.at[pl.ds(base, RPW)])


def _sc_chunk(X, tab_flat, f_lo, f_hi):
    nf = f_hi - f_lo
    run = functools.partial(
        pl.kernel,
        out_type=jax.ShapeDtypeStruct((B,), jnp.float32),
        mesh=plsc.VectorSubcoreMesh(core_axis_name="c", subcore_axis_name="s"),
        scratch_types=[
            pltpu.VMEM((RPW, F), jnp.int32),
            pltpu.VMEM((nf * RPW,), jnp.int32),
            pltpu.VMEM((nf * RPW,), jnp.float32),
            pltpu.VMEM((RPW,), jnp.float32),
            pltpu.SemaphoreType.DMA,
        ],
        compiler_params=pltpu.CompilerParams(needs_layout_passes=False),
    )(functools.partial(_sc_body, f_lo, f_hi))
    return run(X, tab_flat)


@jax.jit
def kernel(X, tables):
    partials = []
    for f_lo, f_hi in CHUNKS:
        flat = _detile(tables, f_lo, f_hi)
        partials.append(_sc_chunk(X, flat, f_lo, f_hi))
    out = partials[0] + partials[1]
    return out.reshape(B, 1)

# --- scband reference (transcript-rebuilt; emitter-appended) ---
"""Pipeline reference for scband-base-model-33535104647737 (READ-ONLY COPY).

The authoritative reference and input builder live on the scoring server;
editing this copy changes nothing except your own understanding.
"""

import jax, jax.numpy as jnp
import numpy as np

B = 16384
F = 26
V = 1000000


def setup_inputs(seed: int = 0) -> dict:
    key = jax.random.key(seed)
    kx, kt = jax.random.split(key)
    # X holds the sparse feature ids, one column per field (Criteo-style)
    X = jax.random.randint(kx, (B, F), 0, V, dtype=jnp.int32)
    # Linear part of the model uses embedding_size=1 per sparse field.
    # Stack the 26 per-field tables into one [F, V] array (trailing dim-1 squeezed).
    tables = jax.random.normal(kt, (F, V), dtype=jnp.float32) * 1e-4
    return {"X": X, "tables": tables}


def reference(X, tables):
    # For each field f: emb_f = tables[f][X[:, f]] -> [B, 1]
    # torch.cat(sparse_embedding_list, dim=-1) -> [B, 1, F]
    # torch.sum(..., dim=-1) -> [B, 1]
    field_ids = jnp.arange(tables.shape[0])[None, :]  # [1, F]
    gathered = tables[field_ids, X]  # [B, F] gather from row-major tables
    linear_logit = jnp.sum(gathered, axis=-1, keepdims=True)  # [B, 1]
    return linear_logit

if __name__ == "__main__":
    import jax
    _d = setup_inputs()
    print(jax.jit(kernel)(*tuple(_d.values())))

</pallas_src>

<mosaic_0001>
#map = affine_map<(d0, d1) -> (0, 0)>
#map1 = affine_map<(d0, d1) -> (0)>
module attributes {stable_mosaic.version = 14 : i64} {
  func.func @_sc_body(%arg0: i32, %arg1: i32, %arg2: memref<16384x26xi32, #tpu.memory_space<hbm>>, %arg3: memref<10000640xf32, #tpu.memory_space<hbm>>, %arg4: memref<16384xf32, #tpu.memory_space<hbm>>, %arg5: memref<512x26xi32, #tpu.memory_space<vmem>>, %arg6: memref<5120xi32, #tpu.memory_space<vmem>>, %arg7: memref<5120xf32, #tpu.memory_space<vmem>>, %arg8: memref<512xf32, #tpu.memory_space<vmem>>, %arg9: memref<!tpu.dma_semaphore, #tpu.memory_space<semaphore_mem>>) attributes {dimension_semantics = [#tpu.dimension_semantics<core_parallel>, #tpu.dimension_semantics<subcore_parallel>], iteration_bounds = array<i64: 2, 16>, scalar_prefetch = 0 : i64, scratch_operands = 5 : i64, tpu.core_type = #tpu.core_type<sc_vector_subcore>, window_params = [{transform_indices = #map}, {transform_indices = #map1}, {transform_indices = #map1}]} {
    %mul3A = arith.constant 2 : i32
    %mul3A_0 = arith.muli %arg1, %mul3A : i32
    %add3A = arith.addi %mul3A_0, %arg0 : i32
    %mul3A_1 = arith.constant 512 : i32
    %mul3A_2 = arith.muli %add3A, %mul3A_1 : i32
    "tpu.region"() ({
      %run_scoped3A = tpu.sem_alloc : memref<!tpu.dma_semaphore, #tpu.memory_space<semaphore_mem>>
      %dma_start3A_18 = arith.constant 0 : i32
      %dma_start3A_19 = tpu.memref_slice %arg2[%mul3A_2, %dma_start3A_18] : memref<16384x26xi32, #tpu.memory_space<hbm>> -> memref<512x26xi32, #tpu.memory_space<hbm>>
      %dma_start3A_20 = arith.constant 0 : i32
      %dma_start3A_21 = tpu.memref_slice %arg2[%mul3A_2, %dma_start3A_20] : memref<16384x26xi32, #tpu.memory_space<hbm>> -> memref<512x26xi32, #tpu.memory_space<hbm>>
      tpu.enqueue_dma source(%dma_start3A_21 : memref<512x26xi32, #tpu.memory_space<hbm>>) target(%arg5 : memref<512x26xi32, #tpu.memory_space<vmem>>) target_semaphore(%run_scoped3A : memref<!tpu.dma_semaphore, #tpu.memory_space<semaphore_mem>>)
      %dma_wait3A_22 = arith.constant 0 : i32
      %dma_wait3A_23 = tpu.memref_slice %arg2[%mul3A_2, %dma_wait3A_22] : memref<16384x26xi32, #tpu.memory_space<hbm>> -> memref<512x26xi32, #tpu.memory_space<hbm>>
      %dma_wait3A_24 = arith.constant 0 : i32
      %dma_wait3A_25 = tpu.memref_slice %arg2[%mul3A_2, %dma_wait3A_24] : memref<16384x26xi32, #tpu.memory_space<hbm>> -> memref<512x26xi32, #tpu.memory_space<hbm>>
      tpu.wait_dma2 semaphore(%run_scoped3A : memref<!tpu.dma_semaphore, #tpu.memory_space<semaphore_mem>>) src(%dma_wait3A_25 : memref<512x26xi32, #tpu.memory_space<hbm>>) dst(%arg5 : memref<512x26xi32, #tpu.memory_space<vmem>>)
      tpu.yield
    }) : () -> ()
    %iota3A = tpu.iota {dimensions = array<i32: 0>} : vector<16xi32>
    %scan3A = arith.constant 0 : i32
    %scan3A_3 = arith.constant 0 : i32
    %scan3A_4 = arith.constant 32 : i32
    %scan3A_5 = arith.addi %scan3A_3, %scan3A_4 : i32
    %scan3A_6 = arith.constant 1 : i32
    %scan3A_7 = scf.for %scan3A_18 = %scan3A_3 to %scan3A_5 step %scan3A_6 iter_args(%scan3A_19 = %scan3A) -> (i32)  : i32 {
      %mul3A_20 = arith.constant 16 : i32
      %mul3A_21 = arith.muli %scan3A_18, %mul3A_20 : i32
      %add3A_22 = vector.broadcast %mul3A_21 : i32 to vector<16xi32>
      %add3A_23 = arith.addi %iota3A, %add3A_22 : vector<16xi32>
      %broadcast_in_dim3A = arith.constant 16 : i32
      %broadcast_in_dim3A_24 = vector.broadcast %broadcast_in_dim3A : i32 to vector<16xi32>
      %gather3A = tpu.vector_load_idx %arg5[%add3A_23, %broadcast_in_dim3A_24] : memref<512x26xi32, #tpu.memory_space<vmem>>[vector<16xi32>, vector<16xi32>], vector<16xi32>,
      %add3A_25 = arith.constant 0 : i32
      %add3A_26 = vector.broadcast %add3A_25 : i32 to vector<16xi32>
      %add3A_27 = arith.addi %gather3A, %add3A_26 : vector<16xi32>
      %mul3A_28 = arith.constant 16 : i32
      %mul3A_29 = arith.muli %scan3A_18, %mul3A_28 : i32
      %add3A_30 = arith.constant 0 : i32
      %add3A_31 = arith.addi %add3A_30, %mul3A_29 : i32
      %swap3A = arith.index_cast %add3A_31 : i32 to index
      %swap3A_32 = tpu.vector_load %arg6[%swap3A] {strides = array<i32>} : memref<5120xi32, #tpu.memory_space<vmem>>, vector<16xi32>,
      tpu.vector_store %arg6[%swap3A], %add3A_27 {strides = array<i32>} : memref<5120xi32, #tpu.memory_space<vmem>>, vector<16xi32>,
      %broadcast_in_dim3A_33 = arith.constant 17 : i32
      %broadcast_in_dim3A_34 = vector.broadcast %broadcast_in_dim3A_33 : i32 to vector<16xi32>
      %gather3A_35 = tpu.vector_load_idx %arg5[%add3A_23, %broadcast_in_dim3A_34] : memref<512x26xi32, #tpu.memory_space<vmem>>[vector<16xi32>, vector<16xi32>], vector<16xi32>,
      %add3A_36 = arith.constant 1000064 : i32
      %add3A_37 = vector.broadcast %add3A_36 : i32 to vector<16xi32>
      %add3A_38 = arith.addi %gather3A_35, %add3A_37 : vector<16xi32>
      %mul3A_39 = arith.constant 16 : i32
      %mul3A_40 = arith.muli %scan3A_18, %mul3A_39 : i32
      %add3A_41 = arith.constant 512 : i32
      %add3A_42 = arith.addi %add3A_41, %mul3A_40 : i32
      %swap3A_43 = arith.index_cast %add3A_42 : i32 to index
      %swap3A_44 = tpu.vector_load %arg6[%swap3A_43] {strides = array<i32>} : memref<5120xi32, #tpu.memory_space<vmem>>, vector<16xi32>,
      tpu.vector_store %arg6[%swap3A_43], %add3A_38 {strides = array<i32>} : memref<5120xi32, #tpu.memory_space<vmem>>, vector<16xi32>,
      %broadcast_in_dim3A_45 = arith.constant 18 : i32
      %broadcast_in_dim3A_46 = vector.broadcast %broadcast_in_dim3A_45 : i32 to vector<16xi32>
      %gather3A_47 = tpu.vector_load_idx %arg5[%add3A_23, %broadcast_in_dim3A_46] : memref<512x26xi32, #tpu.memory_space<vmem>>[vector<16xi32>, vector<16xi32>], vector<16xi32>,
      %add3A_48 = arith.constant 2000128 : i32
      %add3A_49 = vector.broadcast %add3A_48 : i32 to vector<16xi32>
      %add3A_50 = arith.addi %gather3A_47, %add3A_49 : vector<16xi32>
      %mul3A_51 = arith.constant 16 : i32
      %mul3A_52 = arith.muli %scan3A_18, %mul3A_51 : i32
      %add3A_53 = arith.constant 1024 : i32
      %add3A_54 = arith.addi %add3A_53, %mul3A_52 : i32
      %swap3A_55 = arith.index_cast %add3A_54 : i32 to index
      %swap3A_56 = tpu.vector_load %arg6[%swap3A_55] {strides = array<i32>} : memref<5120xi32, #tpu.memory_space<vmem>>, vector<16xi32>,
      tpu.vector_store %arg6[%swap3A_55], %add3A_50 {strides = array<i32>} : memref<5120xi32, #tpu.memory_space<vmem>>, vector<16xi32>,
      %broadcast_in_dim3A_57 = arith.constant 19 : i32
      %broadcast_in_dim3A_58 = vector.broadcast %broadcast_in_dim3A_57 : i32 to vector<16xi32>
      %gather3A_59 = tpu.vector_load_idx %arg5[%add3A_23, %broadcast_in_dim3A_58] : memref<512x26xi32, #tpu.memory_space<vmem>>[vector<16xi32>, vector<16xi32>], vector<16xi32>,
      %add3A_60 = arith.constant 3000192 : i32
      %add3A_61 = vector.broadcast %add3A_60 : i32 to vector<16xi32>
      %add3A_62 = arith.addi %gather3A_59, %add3A_61 : vector<16xi32>
      %mul3A_63 = arith.constant 16 : i32
      %mul3A_64 = arith.muli %scan3A_18, %mul3A_63 : i32
      %add3A_65 = arith.constant 1536 : i32
      %add3A_66 = arith.addi %add3A_65, %mul3A_64 : i32
      %swap3A_67 = arith.index_cast %add3A_66 : i32 to index
      %swap3A_68 = tpu.vector_load %arg6[%swap3A_67] {strides = array<i32>} : memref<5120xi32, #tpu.memory_space<vmem>>, vector<16xi32>,
      tpu.vector_store %arg6[%swap3A_67], %add3A_62 {strides = array<i32>} : memref<5120xi32, #tpu.memory_space<vmem>>, vector<16xi32>,
      %broadcast_in_dim3A_69 = arith.constant 20 : i32
      %broadcast_in_dim3A_70 = vector.broadcast %broadcast_in_dim3A_69 : i32 to vector<16xi32>
      %gather3A_71 = tpu.vector_load_idx %arg5[%add3A_23, %broadcast_in_dim3A_70] : memref<512x26xi32, #tpu.memory_space<vmem>>[vector<16xi32>, vector<16xi32>], vector<16xi32>,
      %add3A_72 = arith.constant 4000256 : i32
      %add3A_73 = vector.broadcast %add3A_72 : i32 to vector<16xi32>
      %add3A_74 = arith.addi %gather3A_71, %add3A_73 : vector<16xi32>
      %mul3A_75 = arith.constant 16 : i32
      %mul3A_76 = arith.muli %scan3A_18, %mul3A_75 : i32
      %add3A_77 = arith.constant 2048 : i32
      %add3A_78 = arith.addi %add3A_77, %mul3A_76 : i32
      %swap3A_79 = arith.index_cast %add3A_78 : i32 to index
      %swap3A_80 = tpu.vector_load %arg6[%swap3A_79] {strides = array<i32>} : memref<5120xi32, #tpu.memory_space<vmem>>, vector<16xi32>,
      tpu.vector_store %arg6[%swap3A_79], %add3A_74 {strides = array<i32>} : memref<5120xi32, #tpu.memory_space<vmem>>, vector<16xi32>,
      %broadcast_in_dim3A_81 = arith.constant 21 : i32
      %broadcast_in_dim3A_82 = vector.broadcast %broadcast_in_dim3A_81 : i32 to vector<16xi32>
      %gather3A_83 = tpu.vector_load_idx %arg5[%add3A_23, %broadcast_in_dim3A_82] : memref<512x26xi32, #tpu.memory_space<vmem>>[vector<16xi32>, vector<16xi32>], vector<16xi32>,
      %add3A_84 = arith.constant 5000320 : i32
      %add3A_85 = vector.broadcast %add3A_84 : i32 to vector<16xi32>
      %add3A_86 = arith.addi %gather3A_83, %add3A_85 : vector<16xi32>
      %mul3A_87 = arith.constant 16 : i32
      %mul3A_88 = arith.muli %scan3A_18, %mul3A_87 : i32
      %add3A_89 = arith.constant 2560 : i32
      %add3A_90 = arith.addi %add3A_89, %mul3A_88 : i32
      %swap3A_91 = arith.index_cast %add3A_90 : i32 to index
      %swap3A_92 = tpu.vector_load %arg6[%swap3A_91] {strides = array<i32>} : memref<5120xi32, #tpu.memory_space<vmem>>, vector<16xi32>,
      tpu.vector_store %arg6[%swap3A_91], %add3A_86 {strides = array<i32>} : memref<5120xi32, #tpu.memory_space<vmem>>, vector<16xi32>,
      %broadcast_in_dim3A_93 = arith.constant 22 : i32
      %broadcast_in_dim3A_94 = vector.broadcast %broadcast_in_dim3A_93 : i32 to vector<16xi32>
      %gather3A_95 = tpu.vector_load_idx %arg5[%add3A_23, %broadcast_in_dim3A_94] : memref<512x26xi32, #tpu.memory_space<vmem>>[vector<16xi32>, vector<16xi32>], vector<16xi32>,
      %add3A_96 = arith.constant 6000384 : i32
      %add3A_97 = vector.broadcast %add3A_96 : i32 to vector<16xi32>
      %add3A_98 = arith.addi %gather3A_95, %add3A_97 : vector<16xi32>
      %mul3A_99 = arith.constant 16 : i32
      %mul3A_100 = arith.muli %scan3A_18, %mul3A_99 : i32
      %add3A_101 = arith.constant 3072 : i32
      %add3A_102 = arith.addi %add3A_101, %mul3A_100 : i32
      %swap3A_103 = arith.index_cast %add3A_102 : i32 to index
      %swap3A_104 = tpu.vector_load %arg6[%swap3A_103] {strides = array<i32>} : memref<5120xi32, #tpu.memory_space<vmem>>, vector<16xi32>,
      tpu.vector_store %arg6[%swap3A_103], %add3A_98 {strides = array<i32>} : memref<5120xi32, #tpu.memory_space<vmem>>, vector<16xi32>,
      %broadcast_in_dim3A_105 = arith.constant 23 : i32
      %broadcast_in_dim3A_106 = vector.broadcast %broadcast_in_dim3A_105 : i32 to vector<16xi32>
      %gather3A_107 = tpu.vector_load_idx %arg5[%add3A_23, %broadcast_in_dim3A_106] : memref<512x26xi32, #tpu.memory_space<vmem>>[vector<16xi32>, vector<16xi32>], vector<16xi32>,
      %add3A_108 = arith.constant 7000448 : i32
      %add3A_109 = vector.broadcast %add3A_108 : i32 to vector<16xi32>
      %add3A_110 = arith.addi %gather3A_107, %add3A_109 : vector<16xi32>
      %mul3A_111 = arith.constant 16 : i32
      %mul3A_112 = arith.muli %scan3A_18, %mul3A_111 : i32
      %add3A_113 = arith.constant 3584 : i32
      %add3A_114 = arith.addi %add3A_113, %mul3A_112 : i32
      %swap3A_115 = arith.index_cast %add3A_114 : i32 to index
      %swap3A_116 = tpu.vector_load %arg6[%swap3A_115] {strides = array<i32>} : memref<5120xi32, #tpu.memory_space<vmem>>, vector<16xi32>,
      tpu.vector_store %arg6[%swap3A_115], %add3A_110 {strides = array<i32>} : memref<5120xi32, #tpu.memory_space<vmem>>, vector<16xi32>,
      %broadcast_in_dim3A_117 = arith.constant 24 : i32
      %broadcast_in_dim3A_118 = vector.broadcast %broadcast_in_dim3A_117 : i32 to vector<16xi32>
      %gather3A_119 = tpu.vector_load_idx %arg5[%add3A_23, %broadcast_in_dim3A_118] : memref<512x26xi32, #tpu.memory_space<vmem>>[vector<16xi32>, vector<16xi32>], vector<16xi32>,
      %add3A_120 = arith.constant 8000512 : i32
      %add3A_121 = vector.broadcast %add3A_120 : i32 to vector<16xi32>
      %add3A_122 = arith.addi %gather3A_119, %add3A_121 : vector<16xi32>
      %mul3A_123 = arith.constant 16 : i32
      %mul3A_124 = arith.muli %scan3A_18, %mul3A_123 : i32
      %add3A_125 = arith.constant 4096 : i32
      %add3A_126 = arith.addi %add3A_125, %mul3A_124 : i32
      %swap3A_127 = arith.index_cast %add3A_126 : i32 to index
      %swap3A_128 = tpu.vector_load %arg6[%swap3A_127] {strides = array<i32>} : memref<5120xi32, #tpu.memory_space<vmem>>, vector<16xi32>,
      tpu.vector_store %arg6[%swap3A_127], %add3A_122 {strides = array<i32>} : memref<5120xi32, #tpu.memory_space<vmem>>, vector<16xi32>,
      %broadcast_in_dim3A_129 = arith.constant 25 : i32
      %broadcast_in_dim3A_130 = vector.broadcast %broadcast_in_dim3A_129 : i32 to vector<16xi32>
      %gather3A_131 = tpu.vector_load_idx %arg5[%add3A_23, %broadcast_in_dim3A_130] : memref<512x26xi32, #tpu.memory_space<vmem>>[vector<16xi32>, vector<16xi32>], vector<16xi32>,
      %add3A_132 = arith.constant 9000576 : i32
      %add3A_133 = vector.broadcast %add3A_132 : i32 to vector<16xi32>
      %add3A_134 = arith.addi %gather3A_131, %add3A_133 : vector<16xi32>
      %mul3A_135 = arith.constant 16 : i32
      %mul3A_136 = arith.muli %scan3A_18, %mul3A_135 : i32
      %add3A_137 = arith.constant 4608 : i32
      %add3A_138 = arith.addi %add3A_137, %mul3A_136 : i32
      %swap3A_139 = arith.index_cast %add3A_138 : i32 to index
      %swap3A_140 = tpu.vector_load %arg6[%swap3A_139] {strides = array<i32>} : memref<5120xi32, #tpu.memory_space<vmem>>, vector<16xi32>,
      tpu.vector_store %arg6[%swap3A_139], %add3A_134 {strides = array<i32>} : memref<5120xi32, #tpu.memory_space<vmem>>, vector<16xi32>,
      %scan3A_141 = arith.constant 0 : i32
      scf.yield %scan3A_141 : i32
    }
    %scan3A_8 = arith.constant 32 : i32
    %dma_start3A = arith.constant 0 : i32
    %dma_start3A_9 = tpu.memref_slice %arg3[%dma_start3A] : memref<10000640xf32, #tpu.memory_space<hbm>> -> memref<10000640xf32, #tpu.memory_space<hbm>>
    tpu.enqueue_indirect_dma source(%dma_start3A_9 : memref<10000640xf32, #tpu.memory_space<hbm>>) target(%arg7 : memref<5120xf32, #tpu.memory_space<vmem>>) offsets(%arg6 : memref<5120xi32, #tpu.memory_space<vmem>>) semaphore(%arg9 : memref<!tpu.dma_semaphore, #tpu.memory_space<semaphore_mem>>)
    %dma_wait3A = arith.constant 0 : i32
    %dma_wait3A_10 = tpu.memref_slice %arg3[%dma_wait3A] : memref<10000640xf32, #tpu.memory_space<hbm>> -> memref<10000640xf32, #tpu.memory_space<hbm>>
    tpu.wait_indirect_dma semaphore(%arg9 : memref<!tpu.dma_semaphore, #tpu.memory_space<semaphore_mem>>) src(%dma_wait3A_10 : memref<10000640xf32, #tpu.memory_space<hbm>>) dst(%arg7 : memref<5120xf32, #tpu.memory_space<vmem>>)
    %scan3A_11 = arith.constant 0 : i32
    %scan3A_12 = arith.constant 0 : i32
    %scan3A_13 = arith.constant 32 : i32
    %scan3A_14 = arith.addi %scan3A_12, %scan3A_13 : i32
    %scan3A_15 = arith.constant 1 : i32
    %scan3A_16 = scf.for %scan3A_18 = %scan3A_12 to %scan3A_14 step %scan3A_15 iter_args(%scan3A_19 = %scan3A_11) -> (i32)  : i32 {
      %mul3A_20 = arith.constant 16 : i32
      %mul3A_21 = arith.muli %scan3A_18, %mul3A_20 : i32
      %get3A = arith.index_cast %mul3A_21 : i32 to index
      %get3A_22 = tpu.vector_load %arg7[%get3A] {strides = array<i32>} : memref<5120xf32, #tpu.memory_space<vmem>>, vector<16xf32>,
      %mul3A_23 = arith.constant 16 : i32
      %mul3A_24 = arith.muli %scan3A_18, %mul3A_23 : i32
      %add3A_25 = arith.constant 512 : i32
      %add3A_26 = arith.addi %add3A_25, %mul3A_24 : i32
      %get3A_27 = arith.index_cast %add3A_26 : i32 to index
      %get3A_28 = tpu.vector_load %arg7[%get3A_27] {strides = array<i32>} : memref<5120xf32, #tpu.memory_space<vmem>>, vector<16xf32>,
      %add3A_29 = arith.addf %get3A_22, %get3A_28 : vector<16xf32>
      %mul3A_30 = arith.constant 16 : i32
      %mul3A_31 = arith.muli %scan3A_18, %mul3A_30 : i32
      %add3A_32 = arith.constant 1024 : i32
      %add3A_33 = arith.addi %add3A_32, %mul3A_31 : i32
      %get3A_34 = arith.index_cast %add3A_33 : i32 to index
      %get3A_35 = tpu.vector_load %arg7[%get3A_34] {strides = array<i32>} : memref<5120xf32, #tpu.memory_space<vmem>>, vector<16xf32>,
      %add3A_36 = arith.addf %add3A_29, %get3A_35 : vector<16xf32>
      %mul3A_37 = arith.constant 16 : i32
      %mul3A_38 = arith.muli %scan3A_18, %mul3A_37 : i32
      %add3A_39 = arith.constant 1536 : i32
      %add3A_40 = arith.addi %add3A_39, %mul3A_38 : i32
      %get3A_41 = arith.index_cast %add3A_40 : i32 to index
      %get3A_42 = tpu.vector_load %arg7[%get3A_41] {strides = array<i32>} : memref<5120xf32, #tpu.memory_space<vmem>>, vector<16xf32>,
      %add3A_43 = arith.addf %add3A_36, %get3A_42 : vector<16xf32>
      %mul3A_44 = arith.constant 16 : i32
      %mul3A_45 = arith.muli %scan3A_18, %mul3A_44 : i32
      %add3A_46 = arith.constant 2048 : i32
      %add3A_47 = arith.addi %add3A_46, %mul3A_45 : i32
      %get3A_48 = arith.index_cast %add3A_47 : i32 to index
      %get3A_49 = tpu.vector_load %arg7[%get3A_48] {strides = array<i32>} : memref<5120xf32, #tpu.memory_space<vmem>>, vector<16xf32>,
      %add3A_50 = arith.addf %add3A_43, %get3A_49 : vector<16xf32>
      %mul3A_51 = arith.constant 16 : i32
      %mul3A_52 = arith.muli %scan3A_18, %mul3A_51 : i32
      %add3A_53 = arith.constant 2560 : i32
      %add3A_54 = arith.addi %add3A_53, %mul3A_52 : i32
      %get3A_55 = arith.index_cast %add3A_54 : i32 to index
      %get3A_56 = tpu.vector_load %arg7[%get3A_55] {strides = array<i32>} : memref<5120xf32, #tpu.memory_space<vmem>>, vector<16xf32>,
      %add3A_57 = arith.addf %add3A_50, %get3A_56 : vector<16xf32>
      %mul3A_58 = arith.constant 16 : i32
      %mul3A_59 = arith.muli %scan3A_18, %mul3A_58 : i32
      %add3A_60 = arith.constant 3072 : i32
      %add3A_61 = arith.addi %add3A_60, %mul3A_59 : i32
      %get3A_62 = arith.index_cast %add3A_61 : i32 to index
      %get3A_63 = tpu.vector_load %arg7[%get3A_62] {strides = array<i32>} : memref<5120xf32, #tpu.memory_space<vmem>>, vector<16xf32>,
      %add3A_64 = arith.addf %add3A_57, %get3A_63 : vector<16xf32>
      %mul3A_65 = arith.constant 16 : i32
      %mul3A_66 = arith.muli %scan3A_18, %mul3A_65 : i32
      %add3A_67 = arith.constant 3584 : i32
      %add3A_68 = arith.addi %add3A_67, %mul3A_66 : i32
      %get3A_69 = arith.index_cast %add3A_68 : i32 to index
      %get3A_70 = tpu.vector_load %arg7[%get3A_69] {strides = array<i32>} : memref<5120xf32, #tpu.memory_space<vmem>>, vector<16xf32>,
      %add3A_71 = arith.addf %add3A_64, %get3A_70 : vector<16xf32>
      %mul3A_72 = arith.constant 16 : i32
      %mul3A_73 = arith.muli %scan3A_18, %mul3A_72 : i32
      %add3A_74 = arith.constant 4096 : i32
      %add3A_75 = arith.addi %add3A_74, %mul3A_73 : i32
      %get3A_76 = arith.index_cast %add3A_75 : i32 to index
      %get3A_77 = tpu.vector_load %arg7[%get3A_76] {strides = array<i32>} : memref<5120xf32, #tpu.memory_space<vmem>>, vector<16xf32>,
      %add3A_78 = arith.addf %add3A_71, %get3A_77 : vector<16xf32>
      %mul3A_79 = arith.constant 16 : i32
      %mul3A_80 = arith.muli %scan3A_18, %mul3A_79 : i32
      %add3A_81 = arith.constant 4608 : i32
      %add3A_82 = arith.addi %add3A_81, %mul3A_80 : i32
      %get3A_83 = arith.index_cast %add3A_82 : i32 to index
      %get3A_84 = tpu.vector_load %arg7[%get3A_83] {strides = array<i32>} : memref<5120xf32, #tpu.memory_space<vmem>>, vector<16xf32>,
      %add3A_85 = arith.addf %add3A_78, %get3A_84 : vector<16xf32>
      %mul3A_86 = arith.constant 16 : i32
      %mul3A_87 = arith.muli %scan3A_18, %mul3A_86 : i32
      %swap3A = arith.index_cast %mul3A_87 : i32 to index
      %swap3A_88 = tpu.vector_load %arg8[%swap3A] {strides = array<i32>} : memref<512xf32, #tpu.memory_space<vmem>>, vector<16xf32>,
      tpu.vector_store %arg8[%swap3A], %add3A_85 {strides = array<i32>} : memref<512xf32, #tpu.memory_space<vmem>>, vector<16xf32>,
      %scan3A_89 = arith.constant 0 : i32
      scf.yield %scan3A_89 : i32
    }
    %scan3A_17 = arith.constant 32 : i32
    "tpu.region"() ({
      %run_scoped3A = tpu.sem_alloc : memref<!tpu.dma_semaphore, #tpu.memory_space<semaphore_mem>>
      %dma_start3A_18 = tpu.memref_slice %arg4[%mul3A_2] : memref<16384xf32, #tpu.memory_space<hbm>> -> memref<512xf32, #tpu.memory_space<hbm>>
      %dma_start3A_19 = tpu.memref_slice %arg4[%mul3A_2] : memref<16384xf32, #tpu.memory_space<hbm>> -> memref<512xf32, #tpu.memory_space<hbm>>
      tpu.enqueue_dma source(%arg8 : memref<512xf32, #tpu.memory_space<vmem>>) target(%dma_start3A_19 : memref<512xf32, #tpu.memory_space<hbm>>) target_semaphore(%run_scoped3A : memref<!tpu.dma_semaphore, #tpu.memory_space<semaphore_mem>>)
      %dma_wait3A_20 = tpu.memref_slice %arg4[%mul3A_2] : memref<16384xf32, #tpu.memory_space<hbm>> -> memref<512xf32, #tpu.memory_space<hbm>>
      %dma_wait3A_21 = tpu.memref_slice %arg4[%mul3A_2] : memref<16384xf32, #tpu.memory_space<hbm>> -> memref<512xf32, #tpu.memory_space<hbm>>
      tpu.wait_dma2 semaphore(%run_scoped3A : memref<!tpu.dma_semaphore, #tpu.memory_space<semaphore_mem>>) src(%arg8 : memref<512xf32, #tpu.memory_space<vmem>>) dst(%dma_wait3A_21 : memref<512xf32, #tpu.memory_space<hbm>>)
      tpu.yield
    }) : () -> ()
    return
  }
}

#map = affine_map<(d0, d1) -> (0, 0)>
#map1 = affine_map<(d0, d1) -> (0)>
module attributes {stable_mosaic.version = 14 : i64} {
  func.func @_sc_body(%arg0: i32, %arg1: i32, %arg2: memref<16384x26xi32, #tpu.memory_space<hbm>>, %arg3: memref<16001024xf32, #tpu.memory_space<hbm>>, %arg4: memref<16384xf32, #tpu.memory_space<hbm>>, %arg5: memref<512x26xi32, #tpu.memory_space<vmem>>, %arg6: memref<8192xi32, #tpu.memory_space<vmem>>, %arg7: memref<8192xf32, #tpu.memory_space<vmem>>, %arg8: memref<512xf32, #tpu.memory_space<vmem>>, %arg9: memref<!tpu.dma_semaphore, #tpu.memory_space<semaphore_mem>>) attributes {dimension_semantics = [#tpu.dimension_semantics<core_parallel>, #tpu.dimension_semantics<subcore_parallel>], iteration_bounds = array<i64: 2, 16>, scalar_prefetch = 0 : i64, scratch_operands = 5 : i64, tpu.core_type = #tpu.core_type<sc_vector_subcore>, window_params = [{transform_indices = #map}, {transform_indices = #map1}, {transform_indices = #map1}]} {
    %mul3A = arith.constant 2 : i32
    %mul3A_0 = arith.muli %arg1, %mul3A : i32
    %add3A = arith.addi %mul3A_0, %arg0 : i32
    %mul3A_1 = arith.constant 512 : i32
    %mul3A_2 = arith.muli %add3A, %mul3A_1 : i32
    "tpu.region"() ({
      %run_scoped3A = tpu.sem_alloc : memref<!tpu.dma_semaphore, #tpu.memory_space<semaphore_mem>>
      %dma_start3A_18 = arith.constant 0 : i32
      %dma_start3A_19 = tpu.memref_slice %arg2[%mul3A_2, %dma_start3A_18] : memref<16384x26xi32, #tpu.memory_space<hbm>> -> memref<512x26xi32, #tpu.memory_space<hbm>>
      %dma_start3A_20 = arith.constant 0 : i32
      %dma_start3A_21 = tpu.memref_slice %arg2[%mul3A_2, %dma_start3A_20] : memref<16384x26xi32, #tpu.memory_space<hbm>> -> memref<512x26xi32, #tpu.memory_space<hbm>>
      tpu.enqueue_dma source(%dma_start3A_21 : memref<512x26xi32, #tpu.memory_space<hbm>>) target(%arg5 : memref<512x26xi32, #tpu.memory_space<vmem>>) target_semaphore(%run_scoped3A : memref<!tpu.dma_semaphore, #tpu.memory_space<semaphore_mem>>)
      %dma_wait3A_22 = arith.constant 0 : i32
      %dma_wait3A_23 = tpu.memref_slice %arg2[%mul3A_2, %dma_wait3A_22] : memref<16384x26xi32, #tpu.memory_space<hbm>> -> memref<512x26xi32, #tpu.memory_space<hbm>>
      %dma_wait3A_24 = arith.constant 0 : i32
      %dma_wait3A_25 = tpu.memref_slice %arg2[%mul3A_2, %dma_wait3A_24] : memref<16384x26xi32, #tpu.memory_space<hbm>> -> memref<512x26xi32, #tpu.memory_space<hbm>>
      tpu.wait_dma2 semaphore(%run_scoped3A : memref<!tpu.dma_semaphore, #tpu.memory_space<semaphore_mem>>) src(%dma_wait3A_25 : memref<512x26xi32, #tpu.memory_space<hbm>>) dst(%arg5 : memref<512x26xi32, #tpu.memory_space<vmem>>)
      tpu.yield
    }) : () -> ()
    %iota3A = tpu.iota {dimensions = array<i32: 0>} : vector<16xi32>
    %scan3A = arith.constant 0 : i32
    %scan3A_3 = arith.constant 0 : i32
    %scan3A_4 = arith.constant 32 : i32
    %scan3A_5 = arith.addi %scan3A_3, %scan3A_4 : i32
    %scan3A_6 = arith.constant 1 : i32
    %scan3A_7 = scf.for %scan3A_18 = %scan3A_3 to %scan3A_5 step %scan3A_6 iter_args(%scan3A_19 = %scan3A) -> (i32)  : i32 {
      %mul3A_20 = arith.constant 16 : i32
      %mul3A_21 = arith.muli %scan3A_18, %mul3A_20 : i32
      %add3A_22 = vector.broadcast %mul3A_21 : i32 to vector<16xi32>
      %add3A_23 = arith.addi %iota3A, %add3A_22 : vector<16xi32>
      %broadcast_in_dim3A = arith.constant 0 : i32
      %broadcast_in_dim3A_24 = vector.broadcast %broadcast_in_dim3A : i32 to vector<16xi32>
      %gather3A = tpu.vector_load_idx %arg5[%add3A_23, %broadcast_in_dim3A_24] : memref<512x26xi32, #tpu.memory_space<vmem>>[vector<16xi32>, vector<16xi32>], vector<16xi32>,
      %add3A_25 = arith.constant 0 : i32
      %add3A_26 = vector.broadcast %add3A_25 : i32 to vector<16xi32>
      %add3A_27 = arith.addi %gather3A, %add3A_26 : vector<16xi32>
      %mul3A_28 = arith.constant 16 : i32
      %mul3A_29 = arith.muli %scan3A_18, %mul3A_28 : i32
      %add3A_30 = arith.constant 0 : i32
      %add3A_31 = arith.addi %add3A_30, %mul3A_29 : i32
      %swap3A = arith.index_cast %add3A_31 : i32 to index
      %swap3A_32 = tpu.vector_load %arg6[%swap3A] {strides = array<i32>} : memref<8192xi32, #tpu.memory_space<vmem>>, vector<16xi32>,
      tpu.vector_store %arg6[%swap3A], %add3A_27 {strides = array<i32>} : memref<8192xi32, #tpu.memory_space<vmem>>, vector<16xi32>,
      %broadcast_in_dim3A_33 = arith.constant 1 : i32
      %broadcast_in_dim3A_34 = vector.broadcast %broadcast_in_dim3A_33 : i32 to vector<16xi32>
      %gather3A_35 = tpu.vector_load_idx %arg5[%add3A_23, %broadcast_in_dim3A_34] : memref<512x26xi32, #tpu.memory_space<vmem>>[vector<16xi32>, vector<16xi32>], vector<16xi32>,
      %add3A_36 = arith.constant 1000064 : i32
      %add3A_37 = vector.broadcast %add3A_36 : i32 to vector<16xi32>
      %add3A_38 = arith.addi %gather3A_35, %add3A_37 : vector<16xi32>
      %mul3A_39 = arith.constant 16 : i32
      %mul3A_40 = arith.muli %scan3A_18, %mul3A_39 : i32
      %add3A_41 = arith.constant 512 : i32
      %add3A_42 = arith.addi %add3A_41, %mul3A_40 : i32
      %swap3A_43 = arith.index_cast %add3A_42 : i32 to index
      %swap3A_44 = tpu.vector_load %arg6[%swap3A_43] {strides = array<i32>} : memref<8192xi32, #tpu.memory_space<vmem>>, vector<16xi32>,
      tpu.vector_store %arg6[%swap3A_43], %add3A_38 {strides = array<i32>} : memref<8192xi32, #tpu.memory_space<vmem>>, vector<16xi32>,
      %broadcast_in_dim3A_45 = arith.constant 2 : i32
      %broadcast_in_dim3A_46 = vector.broadcast %broadcast_in_dim3A_45 : i32 to vector<16xi32>
      %gather3A_47 = tpu.vector_load_idx %arg5[%add3A_23, %broadcast_in_dim3A_46] : memref<512x26xi32, #tpu.memory_space<vmem>>[vector<16xi32>, vector<16xi32>], vector<16xi32>,
      %add3A_48 = arith.constant 2000128 : i32
      %add3A_49 = vector.broadcast %add3A_48 : i32 to vector<16xi32>
      %add3A_50 = arith.addi %gather3A_47, %add3A_49 : vector<16xi32>
      %mul3A_51 = arith.constant 16 : i32
      %mul3A_52 = arith.muli %scan3A_18, %mul3A_51 : i32
      %add3A_53 = arith.constant 1024 : i32
      %add3A_54 = arith.addi %add3A_53, %mul3A_52 : i32
      %swap3A_55 = arith.index_cast %add3A_54 : i32 to index
      %swap3A_56 = tpu.vector_load %arg6[%swap3A_55] {strides = array<i32>} : memref<8192xi32, #tpu.memory_space<vmem>>, vector<16xi32>,
      tpu.vector_store %arg6[%swap3A_55], %add3A_50 {strides = array<i32>} : memref<8192xi32, #tpu.memory_space<vmem>>, vector<16xi32>,
      %broadcast_in_dim3A_57 = arith.constant 3 : i32
      %broadcast_in_dim3A_58 = vector.broadcast %broadcast_in_dim3A_57 : i32 to vector<16xi32>
      %gather3A_59 = tpu.vector_load_idx %arg5[%add3A_23, %broadcast_in_dim3A_58] : memref<512x26xi32, #tpu.memory_space<vmem>>[vector<16xi32>, vector<16xi32>], vector<16xi32>,
      %add3A_60 = arith.constant 3000192 : i32
      %add3A_61 = vector.broadcast %add3A_60 : i32 to vector<16xi32>
      %add3A_62 = arith.addi %gather3A_59, %add3A_61 : vector<16xi32>
      %mul3A_63 = arith.constant 16 : i32
      %mul3A_64 = arith.muli %scan3A_18, %mul3A_63 : i32
      %add3A_65 = arith.constant 1536 : i32
      %add3A_66 = arith.addi %add3A_65, %mul3A_64 : i32
      %swap3A_67 = arith.index_cast %add3A_66 : i32 to index
      %swap3A_68 = tpu.vector_load %arg6[%swap3A_67] {strides = array<i32>} : memref<8192xi32, #tpu.memory_space<vmem>>, vector<16xi32>,
      tpu.vector_store %arg6[%swap3A_67], %add3A_62 {strides = array<i32>} : memref<8192xi32, #tpu.memory_space<vmem>>, vector<16xi32>,
      %broadcast_in_dim3A_69 = arith.constant 4 : i32
      %broadcast_in_dim3A_70 = vector.broadcast %broadcast_in_dim3A_69 : i32 to vector<16xi32>
      %gather3A_71 = tpu.vector_load_idx %arg5[%add3A_23, %broadcast_in_dim3A_70] : memref<512x26xi32, #tpu.memory_space<vmem>>[vector<16xi32>, vector<16xi32>], vector<16xi32>,
      %add3A_72 = arith.constant 4000256 : i32
      %add3A_73 = vector.broadcast %add3A_72 : i32 to vector<16xi32>
      %add3A_74 = arith.addi %gather3A_71, %add3A_73 : vector<16xi32>
      %mul3A_75 = arith.constant 16 : i32
      %mul3A_76 = arith.muli %scan3A_18, %mul3A_75 : i32
      %add3A_77 = arith.constant 2048 : i32
      %add3A_78 = arith.addi %add3A_77, %mul3A_76 : i32
      %swap3A_79 = arith.index_cast %add3A_78 : i32 to index
      %swap3A_80 = tpu.vector_load %arg6[%swap3A_79] {strides = array<i32>} : memref<8192xi32, #tpu.memory_space<vmem>>, vector<16xi32>,
      tpu.vector_store %arg6[%swap3A_79], %add3A_74 {strides = array<i32>} : memref<8192xi32, #tpu.memory_space<vmem>>, vector<16xi32>,
      %broadcast_in_dim3A_81 = arith.constant 5 : i32
      %broadcast_in_dim3A_82 = vector.broadcast %broadcast_in_dim3A_81 : i32 to vector<16xi32>
      %gather3A_83 = tpu.vector_load_idx %arg5[%add3A_23, %broadcast_in_dim3A_82] : memref<512x26xi32, #tpu.memory_space<vmem>>[vector<16xi32>, vector<16xi32>], vector<16xi32>,
      %add3A_84 = arith.constant 5000320 : i32
      %add3A_85 = vector.broadcast %add3A_84 : i32 to vector<16xi32>
      %add3A_86 = arith.addi %gather3A_83, %add3A_85 : vector<16xi32>
      %mul3A_87 = arith.constant 16 : i32
      %mul3A_88 = arith.muli %scan3A_18, %mul3A_87 : i32
      %add3A_89 = arith.constant 2560 : i32
      %add3A_90 = arith.addi %add3A_89, %mul3A_88 : i32
      %swap3A_91 = arith.index_cast %add3A_90 : i32 to index
      %swap3A_92 = tpu.vector_load %arg6[%swap3A_91] {strides = array<i32>} : memref<8192xi32, #tpu.memory_space<vmem>>, vector<16xi32>,
      tpu.vector_store %arg6[%swap3A_91], %add3A_86 {strides = array<i32>} : memref<8192xi32, #tpu.memory_space<vmem>>, vector<16xi32>,
      %broadcast_in_dim3A_93 = arith.constant 6 : i32
      %broadcast_in_dim3A_94 = vector.broadcast %broadcast_in_dim3A_93 : i32 to vector<16xi32>
      %gather3A_95 = tpu.vector_load_idx %arg5[%add3A_23, %broadcast_in_dim3A_94] : memref<512x26xi32, #tpu.memory_space<vmem>>[vector<16xi32>, vector<16xi32>], vector<16xi32>,
      %add3A_96 = arith.constant 6000384 : i32
      %add3A_97 = vector.broadcast %add3A_96 : i32 to vector<16xi32>
      %add3A_98 = arith.addi %gather3A_95, %add3A_97 : vector<16xi32>
      %mul3A_99 = arith.constant 16 : i32
      %mul3A_100 = arith.muli %scan3A_18, %mul3A_99 : i32
      %add3A_101 = arith.constant 3072 : i32
      %add3A_102 = arith.addi %add3A_101, %mul3A_100 : i32
      %swap3A_103 = arith.index_cast %add3A_102 : i32 to index
      %swap3A_104 = tpu.vector_load %arg6[%swap3A_103] {strides = array<i32>} : memref<8192xi32, #tpu.memory_space<vmem>>, vector<16xi32>,
      tpu.vector_store %arg6[%swap3A_103], %add3A_98 {strides = array<i32>} : memref<8192xi32, #tpu.memory_space<vmem>>, vector<16xi32>,
      %broadcast_in_dim3A_105 = arith.constant 7 : i32
      %broadcast_in_dim3A_106 = vector.broadcast %broadcast_in_dim3A_105 : i32 to vector<16xi32>
      %gather3A_107 = tpu.vector_load_idx %arg5[%add3A_23, %broadcast_in_dim3A_106] : memref<512x26xi32, #tpu.memory_space<vmem>>[vector<16xi32>, vector<16xi32>], vector<16xi32>,
      %add3A_108 = arith.constant 7000448 : i32
      %add3A_109 = vector.broadcast %add3A_108 : i32 to vector<16xi32>
      %add3A_110 = arith.addi %gather3A_107, %add3A_109 : vector<16xi32>
      %mul3A_111 = arith.constant 16 : i32
      %mul3A_112 = arith.muli %scan3A_18, %mul3A_111 : i32
      %add3A_113 = arith.constant 3584 : i32
      %add3A_114 = arith.addi %add3A_113, %mul3A_112 : i32
      %swap3A_115 = arith.index_cast %add3A_114 : i32 to index
      %swap3A_116 = tpu.vector_load %arg6[%swap3A_115] {strides = array<i32>} : memref<8192xi32, #tpu.memory_space<vmem>>, vector<16xi32>,
      tpu.vector_store %arg6[%swap3A_115], %add3A_110 {strides = array<i32>} : memref<8192xi32, #tpu.memory_space<vmem>>, vector<16xi32>,
      %broadcast_in_dim3A_117 = arith.constant 8 : i32
      %broadcast_in_dim3A_118 = vector.broadcast %broadcast_in_dim3A_117 : i32 to vector<16xi32>
      %gather3A_119 = tpu.vector_load_idx %arg5[%add3A_23, %broadcast_in_dim3A_118] : memref<512x26xi32, #tpu.memory_space<vmem>>[vector<16xi32>, vector<16xi32>], vector<16xi32>,
      %add3A_120 = arith.constant 8000512 : i32
      %add3A_121 = vector.broadcast %add3A_120 : i32 to vector<16xi32>
      %add3A_122 = arith.addi %gather3A_119, %add3A_121 : vector<16xi32>
      %mul3A_123 = arith.constant 16 : i32
      %mul3A_124 = arith.muli %scan3A_18, %mul3A_123 : i32
      %add3A_125 = arith.constant 4096 : i32
      %add3A_126 = arith.addi %add3A_125, %mul3A_124 : i32
      %swap3A_127 = arith.index_cast %add3A_126 : i32 to index
      %swap3A_128 = tpu.vector_load %arg6[%swap3A_127] {strides = array<i32>} : memref<8192xi32, #tpu.memory_space<vmem>>, vector<16xi32>,
      tpu.vector_store %arg6[%swap3A_127], %add3A_122 {strides = array<i32>} : memref<8192xi32, #tpu.memory_space<vmem>>, vector<16xi32>,
      %broadcast_in_dim3A_129 = arith.constant 9 : i32
      %broadcast_in_dim3A_130 = vector.broadcast %broadcast_in_dim3A_129 : i32 to vector<16xi32>
      %gather3A_131 = tpu.vector_load_idx %arg5[%add3A_23, %broadcast_in_dim3A_130] : memref<512x26xi32, #tpu.memory_space<vmem>>[vector<16xi32>, vector<16xi32>], vector<16xi32>,
      %add3A_132 = arith.constant 9000576 : i32
      %add3A_133 = vector.broadcast %add3A_132 : i32 to vector<16xi32>
      %add3A_134 = arith.addi %gather3A_131, %add3A_133 : vector<16xi32>
      %mul3A_135 = arith.constant 16 : i32
      %mul3A_136 = arith.muli %scan3A_18, %mul3A_135 : i32
      %add3A_137 = arith.constant 4608 : i32
      %add3A_138 = arith.addi %add3A_137, %mul3A_136 : i32
      %swap3A_139 = arith.index_cast %add3A_138 : i32 to index
      %swap3A_140 = tpu.vector_load %arg6[%swap3A_139] {strides = array<i32>} : memref<8192xi32, #tpu.memory_space<vmem>>, vector<16xi32>,
      tpu.vector_store %arg6[%swap3A_139], %add3A_134 {strides = array<i32>} : memref<8192xi32, #tpu.memory_space<vmem>>, vector<16xi32>,
      %broadcast_in_dim3A_141 = arith.constant 10 : i32
      %broadcast_in_dim3A_142 = vector.broadcast %broadcast_in_dim3A_141 : i32 to vector<16xi32>
      %gather3A_143 = tpu.vector_load_idx %arg5[%add3A_23, %broadcast_in_dim3A_142] : memref<512x26xi32, #tpu.memory_space<vmem>>[vector<16xi32>, vector<16xi32>], vector<16xi32>,
      %add3A_144 = arith.constant 10000640 : i32
      %add3A_145 = vector.broadcast %add3A_144 : i32 to vector<16xi32>
      %add3A_146 = arith.addi %gather3A_143, %add3A_145 : vector<16xi32>
      %mul3A_147 = arith.constant 16 : i32
      %mul3A_148 = arith.muli %scan3A_18, %mul3A_147 : i32
      %add3A_149 = arith.constant 5120 : i32
      %add3A_150 = arith.addi %add3A_149, %mul3A_148 : i32
      %swap3A_151 = arith.index_cast %add3A_150 : i32 to index
      %swap3A_152 = tpu.vector_load %arg6[%swap3A_151] {strides = array<i32>} : memref<8192xi32, #tpu.memory_space<vmem>>, vector<16xi32>,
      tpu.vector_store %arg6[%swap3A_151], %add3A_146 {strides = array<i32>} : memref<8192xi32, #tpu.memory_space<vmem>>, vector<16xi32>,
      %broadcast_in_dim3A_153 = arith.constant 11 : i32
      %broadcast_in_dim3A_154 = vector.broadcast %broadcast_in_dim3A_153 : i32 to vector<16xi32>
      %gather3A_155 = tpu.vector_load_idx %arg5[%add3A_23, %broadcast_in_dim3A_154] : memref<512x26xi32, #tpu.memory_space<vmem>>[vector<16xi32>, vector<16xi32>], vector<16xi32>,
      %add3A_156 = arith.constant 11000704 : i32
      %add3A_157 = vector.broadcast %add3A_156 : i32 to vector<16xi32>
      %add3A_158 = arith.addi %gather3A_155, %add3A_157 : vector<16xi32>
      %mul3A_159 = arith.constant 16 : i32
      %mul3A_160 = arith.muli %scan3A_18, %mul3A_159 : i32
      %add3A_161 = arith.constant 5632 : i32
      %add3A_162 = arith.addi %add3A_161, %mul3A_160 : i32
      %swap3A_163 = arith.index_cast %add3A_162 : i32 to index
      %swap3A_164 = tpu.vector_load %arg6[%swap3A_163] {strides = array<i32>} : memref<8192xi32, #tpu.memory_space<vmem>>, vector<16xi32>,
      tpu.vector_store %arg6[%swap3A_163], %add3A_158 {strides = array<i32>} : memref<8192xi32, #tpu.memory_space<vmem>>, vector<16xi32>,
      %broadcast_in_dim3A_165 = arith.constant 12 : i32
      %broadcast_in_dim3A_166 = vector.broadcast %broadcast_in_dim3A_165 : i32 to vector<16xi32>
      %gather3A_167 = tpu.vector_load_idx %arg5[%add3A_23, %broadcast_in_dim3A_166] : memref<512x26xi32, #tpu.memory_space<vmem>>[vector<16xi32>, vector<16xi32>], vector<16xi32>,
      %add3A_168 = arith.constant 12000768 : i32
      %add3A_169 = vector.broadcast %add3A_168 : i32 to vector<16xi32>
      %add3A_170 = arith.addi %gather3A_167, %add3A_169 : vector<16xi32>
      %mul3A_171 = arith.constant 16 : i32
      %mul3A_172 = arith.muli %scan3A_18, %mul3A_171 : i32
      %add3A_173 = arith.constant 6144 : i32
      %add3A_174 = arith.addi %add3A_173, %mul3A_172 : i32
      %swap3A_175 = arith.index_cast %add3A_174 : i32 to index
      %swap3A_176 = tpu.vector_load %arg6[%swap3A_175] {strides = array<i32>} : memref<8192xi32, #tpu.memory_space<vmem>>, vector<16xi32>,
      tpu.vector_store %arg6[%swap3A_175], %add3A_170 {strides = array<i32>} : memref<8192xi32, #tpu.memory_space<vmem>>, vector<16xi32>,
      %broadcast_in_dim3A_177 = arith.constant 13 : i32
      %broadcast_in_dim3A_178 = vector.broadcast %broadcast_in_dim3A_177 : i32 to vector<16xi32>
      %gather3A_179 = tpu.vector_load_idx %arg5[%add3A_23, %broadcast_in_dim3A_178] : memref<512x26xi32, #tpu.memory_space<vmem>>[vector<16xi32>, vector<16xi32>], vector<16xi32>,
      %add3A_180 = arith.constant 13000832 : i32
      %add3A_181 = vector.broadcast %add3A_180 : i32 to vector<16xi32>
      %add3A_182 = arith.addi %gather3A_179, %add3A_181 : vector<16xi32>
      %mul3A_183 = arith.constant 16 : i32
      %mul3A_184 = arith.muli %scan3A_18, %mul3A_183 : i32
      %add3A_185 = arith.constant 6656 : i32
      %add3A_186 = arith.addi %add3A_185, %mul3A_184 : i32
      %swap3A_187 = arith.index_cast %add3A_186 : i32 to index
      %swap3A_188 = tpu.vector_load %arg6[%swap3A_187] {strides = array<i32>} : memref<8192xi32, #tpu.memory_space<vmem>>, vector<16xi32>,
      tpu.vector_store %arg6[%swap3A_187], %add3A_182 {strides = array<i32>} : memref<8192xi32, #tpu.memory_space<vmem>>, vector<16xi32>,
      %broadcast_in_dim3A_189 = arith.constant 14 : i32
      %broadcast_in_dim3A_190 = vector.broadcast %broadcast_in_dim3A_189 : i32 to vector<16xi32>
      %gather3A_191 = tpu.vector_load_idx %arg5[%add3A_23, %broadcast_in_dim3A_190] : memref<512x26xi32, #tpu.memory_space<vmem>>[vector<16xi32>, vector<16xi32>], vector<16xi32>,
      %add3A_192 = arith.constant 14000896 : i32
      %add3A_193 = vector.broadcast %add3A_192 : i32 to vector<16xi32>
      %add3A_194 = arith.addi %gather3A_191, %add3A_193 : vector<16xi32>
      %mul3A_195 = arith.constant 16 : i32
      %mul3A_196 = arith.muli %scan3A_18, %mul3A_195 : i32
      %add3A_197 = arith.constant 7168 : i32
      %add3A_198 = arith.addi %add3A_197, %mul3A_196 : i32
      %swap3A_199 = arith.index_cast %add3A_198 : i32 to index
      %swap3A_200 = tpu.vector_load %arg6[%swap3A_199] {strides = array<i32>} : memref<8192xi32, #tpu.memory_space<vmem>>, vector<16xi32>,
      tpu.vector_store %arg6[%swap3A_199], %add3A_194 {strides = array<i32>} : memref<8192xi32, #tpu.memory_space<vmem>>, vector<16xi32>,
      %broadcast_in_dim3A_201 = arith.constant 15 : i32
      %broadcast_in_dim3A_202 = vector.broadcast %broadcast_in_dim3A_201 : i32 to vector<16xi32>
      %gather3A_203 = tpu.vector_load_idx %arg5[%add3A_23, %broadcast_in_dim3A_202] : memref<512x26xi32, #tpu.memory_space<vmem>>[vector<16xi32>, vector<16xi32>], vector<16xi32>,
      %add3A_204 = arith.constant 15000960 : i32
      %add3A_205 = vector.broadcast %add3A_204 : i32 to vector<16xi32>
      %add3A_206 = arith.addi %gather3A_203, %add3A_205 : vector<16xi32>
      %mul3A_207 = arith.constant 16 : i32
      %mul3A_208 = arith.muli %scan3A_18, %mul3A_207 : i32
      %add3A_209 = arith.constant 7680 : i32
      %add3A_210 = arith.addi %add3A_209, %mul3A_208 : i32
      %swap3A_211 = arith.index_cast %add3A_210 : i32 to index
      %swap3A_212 = tpu.vector_load %arg6[%swap3A_211] {strides = array<i32>} : memref<8192xi32, #tpu.memory_space<vmem>>, vector<16xi32>,
      tpu.vector_store %arg6[%swap3A_211], %add3A_206 {strides = array<i32>} : memref<8192xi32, #tpu.memory_space<vmem>>, vector<16xi32>,
      %scan3A_213 = arith.constant 0 : i32
      scf.yield %scan3A_213 : i32
    }
    %scan3A_8 = arith.constant 32 : i32
    %dma_start3A = arith.constant 0 : i32
    %dma_start3A_9 = tpu.memref_slice %arg3[%dma_start3A] : memref<16001024xf32, #tpu.memory_space<hbm>> -> memref<16001024xf32, #tpu.memory_space<hbm>>
    tpu.enqueue_indirect_dma source(%dma_start3A_9 : memref<16001024xf32, #tpu.memory_space<hbm>>) target(%arg7 : memref<8192xf32, #tpu.memory_space<vmem>>) offsets(%arg6 : memref<8192xi32, #tpu.memory_space<vmem>>) semaphore(%arg9 : memref<!tpu.dma_semaphore, #tpu.memory_space<semaphore_mem>>)
    %dma_wait3A = arith.constant 0 : i32
    %dma_wait3A_10 = tpu.memref_slice %arg3[%dma_wait3A] : memref<16001024xf32, #tpu.memory_space<hbm>> -> memref<16001024xf32, #tpu.memory_space<hbm>>
    tpu.wait_indirect_dma semaphore(%arg9 : memref<!tpu.dma_semaphore, #tpu.memory_space<semaphore_mem>>) src(%dma_wait3A_10 : memref<16001024xf32, #tpu.memory_space<hbm>>) dst(%arg7 : memref<8192xf32, #tpu.memory_space<vmem>>)
    %scan3A_11 = arith.constant 0 : i32
    %scan3A_12 = arith.constant 0 : i32
    %scan3A_13 = arith.constant 32 : i32
    %scan3A_14 = arith.addi %scan3A_12, %scan3A_13 : i32
    %scan3A_15 = arith.constant 1 : i32
    %scan3A_16 = scf.for %scan3A_18 = %scan3A_12 to %scan3A_14 step %scan3A_15 iter_args(%scan3A_19 = %scan3A_11) -> (i32)  : i32 {
      %mul3A_20 = arith.constant 16 : i32
      %mul3A_21 = arith.muli %scan3A_18, %mul3A_20 : i32
      %get3A = arith.index_cast %mul3A_21 : i32 to index
      %get3A_22 = tpu.vector_load %arg7[%get3A] {strides = array<i32>} : memref<8192xf32, #tpu.memory_space<vmem>>, vector<16xf32>,
      %mul3A_23 = arith.constant 16 : i32
      %mul3A_24 = arith.muli %scan3A_18, %mul3A_23 : i32
      %add3A_25 = arith.constant 512 : i32
      %add3A_26 = arith.addi %add3A_25, %mul3A_24 : i32
      %get3A_27 = arith.index_cast %add3A_26 : i32 to index
      %get3A_28 = tpu.vector_load %arg7[%get3A_27] {strides = array<i32>} : memref<8192xf32, #tpu.memory_space<vmem>>, vector<16xf32>,
      %add3A_29 = arith.addf %get3A_22, %get3A_28 : vector<16xf32>
      %mul3A_30 = arith.constant 16 : i32
      %mul3A_31 = arith.muli %scan3A_18, %mul3A_30 : i32
      %add3A_32 = arith.constant 1024 : i32
      %add3A_33 = arith.addi %add3A_32, %mul3A_31 : i32
      %get3A_34 = arith.index_cast %add3A_33 : i32 to index
      %get3A_35 = tpu.vector_load %arg7[%get3A_34] {strides = array<i32>} : memref<8192xf32, #tpu.memory_space<vmem>>, vector<16xf32>,
      %add3A_36 = arith.addf %add3A_29, %get3A_35 : vector<16xf32>
      %mul3A_37 = arith.constant 16 : i32
      %mul3A_38 = arith.muli %scan3A_18, %mul3A_37 : i32
      %add3A_39 = arith.constant 1536 : i32
      %add3A_40 = arith.addi %add3A_39, %mul3A_38 : i32
      %get3A_41 = arith.index_cast %add3A_40 : i32 to index
      %get3A_42 = tpu.vector_load %arg7[%get3A_41] {strides = array<i32>} : memref<8192xf32, #tpu.memory_space<vmem>>, vector<16xf32>,
      %add3A_43 = arith.addf %add3A_36, %get3A_42 : vector<16xf32>
      %mul3A_44 = arith.constant 16 : i32
      %mul3A_45 = arith.muli %scan3A_18, %mul3A_44 : i32
      %add3A_46 = arith.constant 2048 : i32
      %add3A_47 = arith.addi %add3A_46, %mul3A_45 : i32
      %get3A_48 = arith.index_cast %add3A_47 : i32 to index
      %get3A_49 = tpu.vector_load %arg7[%get3A_48] {strides = array<i32>} : memref<8192xf32, #tpu.memory_space<vmem>>, vector<16xf32>,
      %add3A_50 = arith.addf %add3A_43, %get3A_49 : vector<16xf32>
      %mul3A_51 = arith.constant 16 : i32
      %mul3A_52 = arith.muli %scan3A_18, %mul3A_51 : i32
      %add3A_53 = arith.constant 2560 : i32
      %add3A_54 = arith.addi %add3A_53, %mul3A_52 : i32
      %get3A_55 = arith.index_cast %add3A_54 : i32 to index
      %get3A_56 = tpu.vector_load %arg7[%get3A_55] {strides = array<i32>} : memref<8192xf32, #tpu.memory_space<vmem>>, vector<16xf32>,
      %add3A_57 = arith.addf %add3A_50, %get3A_56 : vector<16xf32>
      %mul3A_58 = arith.constant 16 : i32
      %mul3A_59 = arith.muli %scan3A_18, %mul3A_58 : i32
      %add3A_60 = arith.constant 3072 : i32
      %add3A_61 = arith.addi %add3A_60, %mul3A_59 : i32
      %get3A_62 = arith.index_cast %add3A_61 : i32 to index
      %get3A_63 = tpu.vector_load %arg7[%get3A_62] {strides = array<i32>} : memref<8192xf32, #tpu.memory_space<vmem>>, vector<16xf32>,
      %add3A_64 = arith.addf %add3A_57, %get3A_63 : vector<16xf32>
      %mul3A_65 = arith.constant 16 : i32
      %mul3A_66 = arith.muli %scan3A_18, %mul3A_65 : i32
      %add3A_67 = arith.constant 3584 : i32
      %add3A_68 = arith.addi %add3A_67, %mul3A_66 : i32
      %get3A_69 = arith.index_cast %add3A_68 : i32 to index
      %get3A_70 = tpu.vector_load %arg7[%get3A_69] {strides = array<i32>} : memref<8192xf32, #tpu.memory_space<vmem>>, vector<16xf32>,
      %add3A_71 = arith.addf %add3A_64, %get3A_70 : vector<16xf32>
      %mul3A_72 = arith.constant 16 : i32
      %mul3A_73 = arith.muli %scan3A_18, %mul3A_72 : i32
      %add3A_74 = arith.constant 4096 : i32
      %add3A_75 = arith.addi %add3A_74, %mul3A_73 : i32
      %get3A_76 = arith.index_cast %add3A_75 : i32 to index
      %get3A_77 = tpu.vector_load %arg7[%get3A_76] {strides = array<i32>} : memref<8192xf32, #tpu.memory_space<vmem>>, vector<16xf32>,
      %add3A_78 = arith.addf %add3A_71, %get3A_77 : vector<16xf32>
      %mul3A_79 = arith.constant 16 : i32
      %mul3A_80 = arith.muli %scan3A_18, %mul3A_79 : i32
      %add3A_81 = arith.constant 4608 : i32
      %add3A_82 = arith.addi %add3A_81, %mul3A_80 : i32
      %get3A_83 = arith.index_cast %add3A_82 : i32 to index
      %get3A_84 = tpu.vector_load %arg7[%get3A_83] {strides = array<i32>} : memref<8192xf32, #tpu.memory_space<vmem>>, vector<16xf32>,
      %add3A_85 = arith.addf %add3A_78, %get3A_84 : vector<16xf32>
      %mul3A_86 = arith.constant 16 : i32
      %mul3A_87 = arith.muli %scan3A_18, %mul3A_86 : i32
      %add3A_88 = arith.constant 5120 : i32
      %add3A_89 = arith.addi %add3A_88, %mul3A_87 : i32
      %get3A_90 = arith.index_cast %add3A_89 : i32 to index
      %get3A_91 = tpu.vector_load %arg7[%get3A_90] {strides = array<i32>} : memref<8192xf32, #tpu.memory_space<vmem>>, vector<16xf32>,
      %add3A_92 = arith.addf %add3A_85, %get3A_91 : vector<16xf32>
      %mul3A_93 = arith.constant 16 : i32
      %mul3A_94 = arith.muli %scan3A_18, %mul3A_93 : i32
      %add3A_95 = arith.constant 5632 : i32
      %add3A_96 = arith.addi %add3A_95, %mul3A_94 : i32
      %get3A_97 = arith.index_cast %add3A_96 : i32 to index
      %get3A_98 = tpu.vector_load %arg7[%get3A_97] {strides = array<i32>} : memref<8192xf32, #tpu.memory_space<vmem>>, vector<16xf32>,
      %add3A_99 = arith.addf %add3A_92, %get3A_98 : vector<16xf32>
      %mul3A_100 = arith.constant 16 : i32
      %mul3A_101 = arith.muli %scan3A_18, %mul3A_100 : i32
      %add3A_102 = arith.constant 6144 : i32
      %add3A_103 = arith.addi %add3A_102, %mul3A_101 : i32
      %get3A_104 = arith.index_cast %add3A_103 : i32 to index
      %get3A_105 = tpu.vector_load %arg7[%get3A_104] {strides = array<i32>} : memref<8192xf32, #tpu.memory_space<vmem>>, vector<16xf32>,
      %add3A_106 = arith.addf %add3A_99, %get3A_105 : vector<16xf32>
      %mul3A_107 = arith.constant 16 : i32
      %mul3A_108 = arith.muli %scan3A_18, %mul3A_107 : i32
      %add3A_109 = arith.constant 6656 : i32
      %add3A_110 = arith.addi %add3A_109, %mul3A_108 : i32
      %get3A_111 = arith.index_cast %add3A_110 : i32 to index
      %get3A_112 = tpu.vector_load %arg7[%get3A_111] {strides = array<i32>} : memref<8192xf32, #tpu.memory_space<vmem>>, vector<16xf32>,
      %add3A_113 = arith.addf %add3A_106, %get3A_112 : vector<16xf32>
      %mul3A_114 = arith.constant 16 : i32
      %mul3A_115 = arith.muli %scan3A_18, %mul3A_114 : i32
      %add3A_116 = arith.constant 7168 : i32
      %add3A_117 = arith.addi %add3A_116, %mul3A_115 : i32
      %get3A_118 = arith.index_cast %add3A_117 : i32 to index
      %get3A_119 = tpu.vector_load %arg7[%get3A_118] {strides = array<i32>} : memref<8192xf32, #tpu.memory_space<vmem>>, vector<16xf32>,
      %add3A_120 = arith.addf %add3A_113, %get3A_119 : vector<16xf32>
      %mul3A_121 = arith.constant 16 : i32
      %mul3A_122 = arith.muli %scan3A_18, %mul3A_121 : i32
      %add3A_123 = arith.constant 7680 : i32
      %add3A_124 = arith.addi %add3A_123, %mul3A_122 : i32
      %get3A_125 = arith.index_cast %add3A_124 : i32 to index
      %get3A_126 = tpu.vector_load %arg7[%get3A_125] {strides = array<i32>} : memref<8192xf32, #tpu.memory_space<vmem>>, vector<16xf32>,
      %add3A_127 = arith.addf %add3A_120, %get3A_126 : vector<16xf32>
      %mul3A_128 = arith.constant 16 : i32
      %mul3A_129 = arith.muli %scan3A_18, %mul3A_128 : i32
      %swap3A = arith.index_cast %mul3A_129 : i32 to index
      %swap3A_130 = tpu.vector_load %arg8[%swap3A] {strides = array<i32>} : memref<512xf32, #tpu.memory_space<vmem>>, vector<16xf32>,
      tpu.vector_store %arg8[%swap3A], %add3A_127 {strides = array<i32>} : memref<512xf32, #tpu.memory_space<vmem>>, vector<16xf32>,
      %scan3A_131 = arith.constant 0 : i32
      scf.yield %scan3A_131 : i32
    }
    %scan3A_17 = arith.constant 32 : i32
    "tpu.region"() ({
      %run_scoped3A = tpu.sem_alloc : memref<!tpu.dma_semaphore, #tpu.memory_space<semaphore_mem>>
      %dma_start3A_18 = tpu.memref_slice %arg4[%mul3A_2] : memref<16384xf32, #tpu.memory_space<hbm>> -> memref<512xf32, #tpu.memory_space<hbm>>
      %dma_start3A_19 = tpu.memref_slice %arg4[%mul3A_2] : memref<16384xf32, #tpu.memory_space<hbm>> -> memref<512xf32, #tpu.memory_space<hbm>>
      tpu.enqueue_dma source(%arg8 : memref<512xf32, #tpu.memory_space<vmem>>) target(%dma_start3A_19 : memref<512xf32, #tpu.memory_space<hbm>>) target_semaphore(%run_scoped3A : memref<!tpu.dma_semaphore, #tpu.memory_space<semaphore_mem>>)
      %dma_wait3A_20 = tpu.memref_slice %arg4[%mul3A_2] : memref<16384xf32, #tpu.memory_space<hbm>> -> memref<512xf32, #tpu.memory_space<hbm>>
      %dma_wait3A_21 = tpu.memref_slice %arg4[%mul3A_2] : memref<16384xf32, #tpu.memory_space<hbm>> -> memref<512xf32, #tpu.memory_space<hbm>>
      tpu.wait_dma2 semaphore(%run_scoped3A : memref<!tpu.dma_semaphore, #tpu.memory_space<semaphore_mem>>) src(%arg8 : memref<512xf32, #tpu.memory_space<vmem>>) dst(%dma_wait3A_21 : memref<512xf32, #tpu.memory_space<hbm>>)
      tpu.yield
    }) : () -> ()
    return
  }
}

module attributes {stable_mosaic.version = 14 : i64} {
  func.func @_detile_body(%arg0: memref<26x1000000xf32, #tpu.memory_space<any>>, %arg1: memref<16001024xf32, #tpu.memory_space<any>>, %arg2: memref<8x1000000xf32, #tpu.memory_space<vmem>>, %arg3: memref<8x1000000xf32, #tpu.memory_space<vmem>>, %arg4: memref<8x128xf32, #tpu.memory_space<vmem>>, %arg5: memref<8x128xf32, #tpu.memory_space<vmem>>, %arg6: memref<!tpu.dma_semaphore, #tpu.memory_space<semaphore_mem>>, %arg7: memref<!tpu.dma_semaphore, #tpu.memory_space<semaphore_mem>>, %arg8: memref<!tpu.dma_semaphore, #tpu.memory_space<semaphore_mem>>) attributes {dimension_semantics = [], scalar_prefetch = 0 : i64, scratch_operands = 7 : i64, tpu.core_type = #tpu.core_type<tc>} {
    %dma_start3A = arith.constant 0 : i32
    %dma_start3A_0 = arith.constant 0 : i32
    %dma_start3A_1 = tpu.memref_slice %arg0[%dma_start3A, %dma_start3A_0] : memref<26x1000000xf32, #tpu.memory_space<any>> -> memref<8x1000000xf32, #tpu.memory_space<any>>
    tpu.enqueue_dma source(%dma_start3A_1 : memref<8x1000000xf32, #tpu.memory_space<any>>) target(%arg2 : memref<8x1000000xf32, #tpu.memory_space<vmem>>) target_semaphore(%arg6 : memref<!tpu.dma_semaphore, #tpu.memory_space<semaphore_mem>>)
    %dma_start3A_2 = arith.constant 8 : i32
    %dma_start3A_3 = arith.constant 0 : i32
    %dma_start3A_4 = tpu.memref_slice %arg0[%dma_start3A_2, %dma_start3A_3] : memref<26x1000000xf32, #tpu.memory_space<any>> -> memref<8x1000000xf32, #tpu.memory_space<any>>
    tpu.enqueue_dma source(%dma_start3A_4 : memref<8x1000000xf32, #tpu.memory_space<any>>) target(%arg3 : memref<8x1000000xf32, #tpu.memory_space<vmem>>) target_semaphore(%arg6 : memref<!tpu.dma_semaphore, #tpu.memory_space<semaphore_mem>>)
    %dma_wait3A = arith.constant 0 : i32
    %dma_wait3A_5 = arith.constant 0 : i32
    %dma_wait3A_6 = tpu.memref_slice %arg0[%dma_wait3A, %dma_wait3A_5] : memref<26x1000000xf32, #tpu.memory_space<any>> -> memref<8x1000000xf32, #tpu.memory_space<any>>
    tpu.wait_dma2 semaphore(%arg6 : memref<!tpu.dma_semaphore, #tpu.memory_space<semaphore_mem>>) src(%dma_wait3A_6 : memref<8x1000000xf32, #tpu.memory_space<any>>) dst(%arg2 : memref<8x1000000xf32, #tpu.memory_space<vmem>>)
    %get3A = arith.constant 0 : index
    %get3A_7 = arith.constant 999936 : index
    %get3A_8 = vector.load %arg2[%get3A, %get3A_7] : memref<8x1000000xf32, #tpu.memory_space<vmem>>, vector<1x64xf32>
    %get3A_9 = vector.shape_cast %get3A_8 : vector<1x64xf32> to vector<64xf32>
    %swap3A = arith.constant 0 : index
    %swap3A_10 = arith.constant 0 : index
    %swap3A_11 = vector.load %arg4[%swap3A, %swap3A_10] : memref<8x128xf32, #tpu.memory_space<vmem>>, vector<1x64xf32>
    %swap3A_12 = vector.shape_cast %swap3A_11 : vector<1x64xf32> to vector<64xf32>
    %swap3A_13 = vector.shape_cast %get3A_9 : vector<64xf32> to vector<1x64xf32>
    tpu.vector_store %arg4[%swap3A, %swap3A_10], %swap3A_13 {strides = array<i32>} : memref<8x128xf32, #tpu.memory_space<vmem>>, vector<1x64xf32>,
    %get3A_14 = arith.constant 1 : index
    %get3A_15 = arith.constant 999936 : index
    %get3A_16 = vector.load %arg2[%get3A_14, %get3A_15] : memref<8x1000000xf32, #tpu.memory_space<vmem>>, vector<1x64xf32>
    %get3A_17 = vector.shape_cast %get3A_16 : vector<1x64xf32> to vector<64xf32>
    %swap3A_18 = arith.constant 1 : index
    %swap3A_19 = arith.constant 0 : index
    %swap3A_20 = vector.load %arg4[%swap3A_18, %swap3A_19] : memref<8x128xf32, #tpu.memory_space<vmem>>, vector<1x64xf32>
    %swap3A_21 = vector.shape_cast %swap3A_20 : vector<1x64xf32> to vector<64xf32>
    %swap3A_22 = vector.shape_cast %get3A_17 : vector<64xf32> to vector<1x64xf32>
    tpu.vector_store %arg4[%swap3A_18, %swap3A_19], %swap3A_22 {strides = array<i32>} : memref<8x128xf32, #tpu.memory_space<vmem>>, vector<1x64xf32>,
    %get3A_23 = arith.constant 2 : index
    %get3A_24 = arith.constant 999936 : index
    %get3A_25 = vector.load %arg2[%get3A_23, %get3A_24] : memref<8x1000000xf32, #tpu.memory_space<vmem>>, vector<1x64xf32>
    %get3A_26 = vector.shape_cast %get3A_25 : vector<1x64xf32> to vector<64xf32>
    %swap3A_27 = arith.constant 2 : index
    %swap3A_28 = arith.constant 0 : index
    %swap3A_29 = vector.load %arg4[%swap3A_27, %swap3A_28] : memref<8x128xf32, #tpu.memory_space<vmem>>, vector<1x64xf32>
    %swap3A_30 = vector.shape_cast %swap3A_29 : vector<1x64xf32> to vector<64xf32>
    %swap3A_31 = vector.shape_cast %get3A_26 : vector<64xf32> to vector<1x64xf32>
    tpu.vector_store %arg4[%swap3A_27, %swap3A_28], %swap3A_31 {strides = array<i32>} : memref<8x128xf32, #tpu.memory_space<vmem>>, vector<1x64xf32>,
    %get3A_32 = arith.constant 3 : index
    %get3A_33 = arith.constant 999936 : index
    %get3A_34 = vector.load %arg2[%get3A_32, %get3A_33] : memref<8x1000000xf32, #tpu.memory_space<vmem>>, vector<1x64xf32>
    %get3A_35 = vector.shape_cast %get3A_34 : vector<1x64xf32> to vector<64xf32>
    %swap3A_36 = arith.constant 3 : index
    %swap3A_37 = arith.constant 0 : index
    %swap3A_38 = vector.load %arg4[%swap3A_36, %swap3A_37] : memref<8x128xf32, #tpu.memory_space<vmem>>, vector<1x64xf32>
    %swap3A_39 = vector.shape_cast %swap3A_38 : vector<1x64xf32> to vector<64xf32>
    %swap3A_40 = vector.shape_cast %get3A_35 : vector<64xf32> to vector<1x64xf32>
    tpu.vector_store %arg4[%swap3A_36, %swap3A_37], %swap3A_40 {strides = array<i32>} : memref<8x128xf32, #tpu.memory_space<vmem>>, vector<1x64xf32>,
    %get3A_41 = arith.constant 4 : index
    %get3A_42 = arith.constant 999936 : index
    %get3A_43 = vector.load %arg2[%get3A_41, %get3A_42] : memref<8x1000000xf32, #tpu.memory_space<vmem>>, vector<1x64xf32>
    %get3A_44 = vector.shape_cast %get3A_43 : vector<1x64xf32> to vector<64xf32>
    %swap3A_45 = arith.constant 4 : index
    %swap3A_46 = arith.constant 0 : index
    %swap3A_47 = vector.load %arg4[%swap3A_45, %swap3A_46] : memref<8x128xf32, #tpu.memory_space<vmem>>, vector<1x64xf32>
    %swap3A_48 = vector.shape_cast %swap3A_47 : vector<1x64xf32> to vector<64xf32>
    %swap3A_49 = vector.shape_cast %get3A_44 : vector<64xf32> to vector<1x64xf32>
    tpu.vector_store %arg4[%swap3A_45, %swap3A_46], %swap3A_49 {strides = array<i32>} : memref<8x128xf32, #tpu.memory_space<vmem>>, vector<1x64xf32>,
    %get3A_50 = arith.constant 5 : index
    %get3A_51 = arith.constant 999936 : index
    %get3A_52 = vector.load %arg2[%get3A_50, %get3A_51] : memref<8x1000000xf32, #tpu.memory_space<vmem>>, vector<1x64xf32>
    %get3A_53 = vector.shape_cast %get3A_52 : vector<1x64xf32> to vector<64xf32>
    %swap3A_54 = arith.constant 5 : index
    %swap3A_55 = arith.constant 0 : index
    %swap3A_56 = vector.load %arg4[%swap3A_54, %swap3A_55] : memref<8x128xf32, #tpu.memory_space<vmem>>, vector<1x64xf32>
    %swap3A_57 = vector.shape_cast %swap3A_56 : vector<1x64xf32> to vector<64xf32>
    %swap3A_58 = vector.shape_cast %get3A_53 : vector<64xf32> to vector<1x64xf32>
    tpu.vector_store %arg4[%swap3A_54, %swap3A_55], %swap3A_58 {strides = array<i32>} : memref<8x128xf32, #tpu.memory_space<vmem>>, vector<1x64xf32>,
    %get3A_59 = arith.constant 6 : index
    %get3A_60 = arith.constant 999936 : index
    %get3A_61 = vector.load %arg2[%get3A_59, %get3A_60] : memref<8x1000000xf32, #tpu.memory_space<vmem>>, vector<1x64xf32>
    %get3A_62 = vector.shape_cast %get3A_61 : vector<1x64xf32> to vector<64xf32>
    %swap3A_63 = arith.constant 6 : index
    %swap3A_64 = arith.constant 0 : index
    %swap3A_65 = vector.load %arg4[%swap3A_63, %swap3A_64] : memref<8x128xf32, #tpu.memory_space<vmem>>, vector<1x64xf32>
    %swap3A_66 = vector.shape_cast %swap3A_65 : vector<1x64xf32> to vector<64xf32>
    %swap3A_67 = vector.shape_cast %get3A_62 : vector<64xf32> to vector<1x64xf32>
    tpu.vector_store %arg4[%swap3A_63, %swap3A_64], %swap3A_67 {strides = array<i32>} : memref<8x128xf32, #tpu.memory_space<vmem>>, vector<1x64xf32>,
    %get3A_68 = arith.constant 7 : index
    %get3A_69 = arith.constant 999936 : index
    %get3A_70 = vector.load %arg2[%get3A_68, %get3A_69] : memref<8x1000000xf32, #tpu.memory_space<vmem>>, vector<1x64xf32>
    %get3A_71 = vector.shape_cast %get3A_70 : vector<1x64xf32> to vector<64xf32>
    %swap3A_72 = arith.constant 7 : index
    %swap3A_73 = arith.constant 0 : index
    %swap3A_74 = vector.load %arg4[%swap3A_72, %swap3A_73] : memref<8x128xf32, #tpu.memory_space<vmem>>, vector<1x64xf32>
    %swap3A_75 = vector.shape_cast %swap3A_74 : vector<1x64xf32> to vector<64xf32>
    %swap3A_76 = vector.shape_cast %get3A_71 : vector<64xf32> to vector<1x64xf32>
    tpu.vector_store %arg4[%swap3A_72, %swap3A_73], %swap3A_76 {strides = array<i32>} : memref<8x128xf32, #tpu.memory_space<vmem>>, vector<1x64xf32>,
    %dma_start3A_77 = arith.constant 0 : i32
    %dma_start3A_78 = arith.constant 0 : i32
    %dma_start3A_79 = tpu.memref_slice %arg1[%dma_start3A_78] : memref<16001024xf32, #tpu.memory_space<any>> -> memref<999936xf32, #tpu.memory_space<any>>
    %dma_start3A_80 = arith.constant 0 : i32
    %dma_start3A_81 = tpu.memref_slice %arg2[%dma_start3A_77, %dma_start3A_80] : memref<8x1000000xf32, #tpu.memory_space<vmem>> -> memref<1x999936xf32, #tpu.memory_space<vmem>>
    %dma_start3A_82 = tpu.memref_squeeze %dma_start3A_81 : memref<1x999936xf32, #tpu.memory_space<vmem>> -> memref<999936xf32, #tpu.memory_space<vmem>>
    tpu.enqueue_dma source(%dma_start3A_82 : memref<999936xf32, #tpu.memory_space<vmem>>) target(%dma_start3A_79 : memref<999936xf32, #tpu.memory_space<any>>) target_semaphore(%arg7 : memref<!tpu.dma_semaphore, #tpu.memory_space<semaphore_mem>>)
    %dma_start3A_83 = arith.constant 0 : i32
    %dma_start3A_84 = arith.constant 999936 : i32
    %dma_start3A_85 = tpu.memref_slice %arg1[%dma_start3A_84] : memref<16001024xf32, #tpu.memory_space<any>> -> memref<128xf32, #tpu.memory_space<any>>
    %dma_start3A_86 = arith.constant 0 : i32
    %dma_start3A_87 = tpu.memref_slice %arg4[%dma_start3A_83, %dma_start3A_86] : memref<8x128xf32, #tpu.memory_space<vmem>> -> memref<1x128xf32, #tpu.memory_space<vmem>>
    %dma_start3A_88 = tpu.memref_squeeze %dma_start3A_87 : memref<1x128xf32, #tpu.memory_space<vmem>> -> memref<128xf32, #tpu.memory_space<vmem>>
    tpu.enqueue_dma source(%dma_start3A_88 : memref<128xf32, #tpu.memory_space<vmem>>) target(%dma_start3A_85 : memref<128xf32, #tpu.memory_space<any>>) target_semaphore(%arg8 : memref<!tpu.dma_semaphore, #tpu.memory_space<semaphore_mem>>)
    %dma_start3A_89 = arith.constant 1 : i32
    %dma_start3A_90 = arith.constant 1000064 : i32
    %dma_start3A_91 = tpu.memref_slice %arg1[%dma_start3A_90] : memref<16001024xf32, #tpu.memory_space<any>> -> memref<999936xf32, #tpu.memory_space<any>>
    %dma_start3A_92 = arith.constant 0 : i32
    %dma_start3A_93 = tpu.memref_slice %arg2[%dma_start3A_89, %dma_start3A_92] : memref<8x1000000xf32, #tpu.memory_space<vmem>> -> memref<1x999936xf32, #tpu.memory_space<vmem>>
    %dma_start3A_94 = tpu.memref_squeeze %dma_start3A_93 : memref<1x999936xf32, #tpu.memory_space<vmem>> -> memref<999936xf32, #tpu.memory_space<vmem>>
    tpu.enqueue_dma source(%dma_start3A_94 : memref<999936xf32, #tpu.memory_space<vmem>>) target(%dma_start3A_91 : memref<999936xf32, #tpu.memory_space<any>>) target_semaphore(%arg7 : memref<!tpu.dma_semaphore, #tpu.memory_space<semaphore_mem>>)
    %dma_start3A_95 = arith.constant 1 : i32
    %dma_start3A_96 = arith.constant 2000000 : i32
    %dma_start3A_97 = tpu.memref_slice %arg1[%dma_start3A_96] : memref<16001024xf32, #tpu.memory_space<any>> -> memref<128xf32, #tpu.memory_space<any>>
    %dma_start3A_98 = arith.constant 0 : i32
    %dma_start3A_99 = tpu.memref_slice %arg4[%dma_start3A_95, %dma_start3A_98] : memref<8x128xf32, #tpu.memory_space<vmem>> -> memref<1x128xf32, #tpu.memory_space<vmem>>
    %dma_start3A_100 = tpu.memref_squeeze %dma_start3A_99 : memref<1x128xf32, #tpu.memory_space<vmem>> -> memref<128xf32, #tpu.memory_space<vmem>>
    tpu.enqueue_dma source(%dma_start3A_100 : memref<128xf32, #tpu.memory_space<vmem>>) target(%dma_start3A_97 : memref<128xf32, #tpu.memory_space<any>>) target_semaphore(%arg8 : memref<!tpu.dma_semaphore, #tpu.memory_space<semaphore_mem>>)
    %dma_start3A_101 = arith.constant 2 : i32
    %dma_start3A_102 = arith.constant 2000128 : i32
    %dma_start3A_103 = tpu.memref_slice %arg1[%dma_start3A_102] : memref<16001024xf32, #tpu.memory_space<any>> -> memref<999936xf32, #tpu.memory_space<any>>
    %dma_start3A_104 = arith.constant 0 : i32
    %dma_start3A_105 = tpu.memref_slice %arg2[%dma_start3A_101, %dma_start3A_104] : memref<8x1000000xf32, #tpu.memory_space<vmem>> -> memref<1x999936xf32, #tpu.memory_space<vmem>>
    %dma_start3A_106 = tpu.memref_squeeze %dma_start3A_105 : memref<1x999936xf32, #tpu.memory_space<vmem>> -> memref<999936xf32, #tpu.memory_space<vmem>>
    tpu.enqueue_dma source(%dma_start3A_106 : memref<999936xf32, #tpu.memory_space<vmem>>) target(%dma_start3A_103 : memref<999936xf32, #tpu.memory_space<any>>) target_semaphore(%arg7 : memref<!tpu.dma_semaphore, #tpu.memory_space<semaphore_mem>>)
    %dma_start3A_107 = arith.constant 2 : i32
    %dma_start3A_108 = arith.constant 3000064 : i32
    %dma_start3A_109 = tpu.memref_slice %arg1[%dma_start3A_108] : memref<16001024xf32, #tpu.memory_space<any>> -> memref<128xf32, #tpu.memory_space<any>>
    %dma_start3A_110 = arith.constant 0 : i32
    %dma_start3A_111 = tpu.memref_slice %arg4[%dma_start3A_107, %dma_start3A_110] : memref<8x128xf32, #tpu.memory_space<vmem>> -> memref<1x128xf32, #tpu.memory_space<vmem>>
    %dma_start3A_112 = tpu.memref_squeeze %dma_start3A_111 : memref<1x128xf32, #tpu.memory_space<vmem>> -> memref<128xf32, #tpu.memory_space<vmem>>
    tpu.enqueue_dma source(%dma_start3A_112 : memref<128xf32, #tpu.memory_space<vmem>>) target(%dma_start3A_109 : memref<128xf32, #tpu.memory_space<any>>) target_semaphore(%arg8 : memref<!tpu.dma_semaphore, #tpu.memory_space<semaphore_mem>>)
    %dma_start3A_113 = arith.constant 3 : i32
    %dma_start3A_114 = arith.constant 3000192 : i32
    %dma_start3A_115 = tpu.memref_slice %arg1[%dma_start3A_114] : memref<16001024xf32, #tpu.memory_space<any>> -> memref<999936xf32, #tpu.memory_space<any>>
    %dma_start3A_116 = arith.constant 0 : i32
    %dma_start3A_117 = tpu.memref_slice %arg2[%dma_start3A_113, %dma_start3A_116] : memref<8x1000000xf32, #tpu.memory_space<vmem>> -> memref<1x999936xf32, #tpu.memory_space<vmem>>
    %dma_start3A_118 = tpu.memref_squeeze %dma_start3A_117 : memref<1x999936xf32, #tpu.memory_space<vmem>> -> memref<999936xf32, #tpu.memory_space<vmem>>
    tpu.enqueue_dma source(%dma_start3A_118 : memref<999936xf32, #tpu.memory_space<vmem>>) target(%dma_start3A_115 : memref<999936xf32, #tpu.memory_space<any>>) target_semaphore(%arg7 : memref<!tpu.dma_semaphore, #tpu.memory_space<semaphore_mem>>)
    %dma_start3A_119 = arith.constant 3 : i32
    %dma_start3A_120 = arith.constant 4000128 : i32
    %dma_start3A_121 = tpu.memref_slice %arg1[%dma_start3A_120] : memref<16001024xf32, #tpu.memory_space<any>> -> memref<128xf32, #tpu.memory_space<any>>
    %dma_start3A_122 = arith.constant 0 : i32
    %dma_start3A_123 = tpu.memref_slice %arg4[%dma_start3A_119, %dma_start3A_122] : memref<8x128xf32, #tpu.memory_space<vmem>> -> memref<1x128xf32, #tpu.memory_space<vmem>>
    %dma_start3A_124 = tpu.memref_squeeze %dma_start3A_123 : memref<1x128xf32, #tpu.memory_space<vmem>> -> memref<128xf32, #tpu.memory_space<vmem>>
    tpu.enqueue_dma source(%dma_start3A_124 : memref<128xf32, #tpu.memory_space<vmem>>) target(%dma_start3A_121 : memref<128xf32, #tpu.memory_space<any>>) target_semaphore(%arg8 : memref<!tpu.dma_semaphore, #tpu.memory_space<semaphore_mem>>)
    %dma_start3A_125 = arith.constant 4 : i32
    %dma_start3A_126 = arith.constant 4000256 : i32
    %dma_start3A_127 = tpu.memref_slice %arg1[%dma_start3A_126] : memref<16001024xf32, #tpu.memory_space<any>> -> memref<999936xf32, #tpu.memory_space<any>>
    %dma_start3A_128 = arith.constant 0 : i32
    %dma_start3A_129 = tpu.memref_slice %arg2[%dma_start3A_125, %dma_start3A_128] : memref<8x1000000xf32, #tpu.memory_space<vmem>> -> memref<1x999936xf32, #tpu.memory_space<vmem>>
    %dma_start3A_130 = tpu.memref_squeeze %dma_start3A_129 : memref<1x999936xf32, #tpu.memory_space<vmem>> -> memref<999936xf32, #tpu.memory_space<vmem>>
    tpu.enqueue_dma source(%dma_start3A_130 : memref<999936xf32, #tpu.memory_space<vmem>>) target(%dma_start3A_127 : memref<999936xf32, #tpu.memory_space<any>>) target_semaphore(%arg7 : memref<!tpu.dma_semaphore, #tpu.memory_space<semaphore_mem>>)
    %dma_start3A_131 = arith.constant 4 : i32
    %dma_start3A_132 = arith.constant 5000192 : i32
    %dma_start3A_133 = tpu.memref_slice %arg1[%dma_start3A_132] : memref<16001024xf32, #tpu.memory_space<any>> -> memref<128xf32, #tpu.memory_space<any>>
    %dma_start3A_134 = arith.constant 0 : i32
    %dma_start3A_135 = tpu.memref_slice %arg4[%dma_start3A_131, %dma_start3A_134] : memref<8x128xf32, #tpu.memory_space<vmem>> -> memref<1x128xf32, #tpu.memory_space<vmem>>
    %dma_start3A_136 = tpu.memref_squeeze %dma_start3A_135 : memref<1x128xf32, #tpu.memory_space<vmem>> -> memref<128xf32, #tpu.memory_space<vmem>>
    tpu.enqueue_dma source(%dma_start3A_136 : memref<128xf32, #tpu.memory_space<vmem>>) target(%dma_start3A_133 : memref<128xf32, #tpu.memory_space<any>>) target_semaphore(%arg8 : memref<!tpu.dma_semaphore, #tpu.memory_space<semaphore_mem>>)
    %dma_start3A_137 = arith.constant 5 : i32
    %dma_start3A_138 = arith.constant 5000320 : i32
    %dma_start3A_139 = tpu.memref_slice %arg1[%dma_start3A_138] : memref<16001024xf32, #tpu.memory_space<any>> -> memref<999936xf32, #tpu.memory_space<any>>
    %dma_start3A_140 = arith.constant 0 : i32
    %dma_start3A_141 = tpu.memref_slice %arg2[%dma_start3A_137, %dma_start3A_140] : memref<8x1000000xf32, #tpu.memory_space<vmem>> -> memref<1x999936xf32, #tpu.memory_space<vmem>>
    %dma_start3A_142 = tpu.memref_squeeze %dma_start3A_141 : memref<1x999936xf32, #tpu.memory_space<vmem>> -> memref<999936xf32, #tpu.memory_space<vmem>>
    tpu.enqueue_dma source(%dma_start3A_142 : memref<999936xf32, #tpu.memory_space<vmem>>) target(%dma_start3A_139 : memref<999936xf32, #tpu.memory_space<any>>) target_semaphore(%arg7 : memref<!tpu.dma_semaphore, #tpu.memory_space<semaphore_mem>>)
    %dma_start3A_143 = arith.constant 5 : i32
    %dma_start3A_144 = arith.constant 6000256 : i32
    %dma_start3A_145 = tpu.memref_slice %arg1[%dma_start3A_144] : memref<16001024xf32, #tpu.memory_space<any>> -> memref<128xf32, #tpu.memory_space<any>>
    %dma_start3A_146 = arith.constant 0 : i32
    %dma_start3A_147 = tpu.memref_slice %arg4[%dma_start3A_143, %dma_start3A_146] : memref<8x128xf32, #tpu.memory_space<vmem>> -> memref<1x128xf32, #tpu.memory_space<vmem>>
    %dma_start3A_148 = tpu.memref_squeeze %dma_start3A_147 : memref<1x128xf32, #tpu.memory_space<vmem>> -> memref<128xf32, #tpu.memory_space<vmem>>
    tpu.enqueue_dma source(%dma_start3A_148 : memref<128xf32, #tpu.memory_space<vmem>>) target(%dma_start3A_145 : memref<128xf32, #tpu.memory_space<any>>) target_semaphore(%arg8 : memref<!tpu.dma_semaphore, #tpu.memory_space<semaphore_mem>>)
    %dma_start3A_149 = arith.constant 6 : i32
    %dma_start3A_150 = arith.constant 6000384 : i32
    %dma_start3A_151 = tpu.memref_slice %arg1[%dma_start3A_150] : memref<16001024xf32, #tpu.memory_space<any>> -> memref<999936xf32, #tpu.memory_space<any>>
    %dma_start3A_152 = arith.constant 0 : i32
    %dma_start3A_153 = tpu.memref_slice %arg2[%dma_start3A_149, %dma_start3A_152] : memref<8x1000000xf32, #tpu.memory_space<vmem>> -> memref<1x999936xf32, #tpu.memory_space<vmem>>
    %dma_start3A_154 = tpu.memref_squeeze %dma_start3A_153 : memref<1x999936xf32, #tpu.memory_space<vmem>> -> memref<999936xf32, #tpu.memory_space<vmem>>
    tpu.enqueue_dma source(%dma_start3A_154 : memref<999936xf32, #tpu.memory_space<vmem>>) target(%dma_start3A_151 : memref<999936xf32, #tpu.memory_space<any>>) target_semaphore(%arg7 : memref<!tpu.dma_semaphore, #tpu.memory_space<semaphore_mem>>)
    %dma_start3A_155 = arith.constant 6 : i32
    %dma_start3A_156 = arith.constant 7000320 : i32
    %dma_start3A_157 = tpu.memref_slice %arg1[%dma_start3A_156] : memref<16001024xf32, #tpu.memory_space<any>> -> memref<128xf32, #tpu.memory_space<any>>
    %dma_start3A_158 = arith.constant 0 : i32
    %dma_start3A_159 = tpu.memref_slice %arg4[%dma_start3A_155, %dma_start3A_158] : memref<8x128xf32, #tpu.memory_space<vmem>> -> memref<1x128xf32, #tpu.memory_space<vmem>>
    %dma_start3A_160 = tpu.memref_squeeze %dma_start3A_159 : memref<1x128xf32, #tpu.memory_space<vmem>> -> memref<128xf32, #tpu.memory_space<vmem>>
    tpu.enqueue_dma source(%dma_start3A_160 : memref<128xf32, #tpu.memory_space<vmem>>) target(%dma_start3A_157 : memref<128xf32, #tpu.memory_space<any>>) target_semaphore(%arg8 : memref<!tpu.dma_semaphore, #tpu.memory_space<semaphore_mem>>)
    %dma_start3A_161 = arith.constant 7 : i32
    %dma_start3A_162 = arith.constant 7000448 : i32
    %dma_start3A_163 = tpu.memref_slice %arg1[%dma_start3A_162] : memref<16001024xf32, #tpu.memory_space<any>> -> memref<999936xf32, #tpu.memory_space<any>>
    %dma_start3A_164 = arith.constant 0 : i32
    %dma_start3A_165 = tpu.memref_slice %arg2[%dma_start3A_161, %dma_start3A_164] : memref<8x1000000xf32, #tpu.memory_space<vmem>> -> memref<1x999936xf32, #tpu.memory_space<vmem>>
    %dma_start3A_166 = tpu.memref_squeeze %dma_start3A_165 : memref<1x999936xf32, #tpu.memory_space<vmem>> -> memref<999936xf32, #tpu.memory_space<vmem>>
    tpu.enqueue_dma source(%dma_start3A_166 : memref<999936xf32, #tpu.memory_space<vmem>>) target(%dma_start3A_163 : memref<999936xf32, #tpu.memory_space<any>>) target_semaphore(%arg7 : memref<!tpu.dma_semaphore, #tpu.memory_space<semaphore_mem>>)
    %dma_start3A_167 = arith.constant 7 : i32
    %dma_start3A_168 = arith.constant 8000384 : i32
    %dma_start3A_169 = tpu.memref_slice %arg1[%dma_start3A_168] : memref<16001024xf32, #tpu.memory_space<any>> -> memref<128xf32, #tpu.memory_space<any>>
    %dma_start3A_170 = arith.constant 0 : i32
    %dma_start3A_171 = tpu.memref_slice %arg4[%dma_start3A_167, %dma_start3A_170] : memref<8x128xf32, #tpu.memory_space<vmem>> -> memref<1x128xf32, #tpu.memory_space<vmem>>
    %dma_start3A_172 = tpu.memref_squeeze %dma_start3A_171 : memref<1x128xf32, #tpu.memory_space<vmem>> -> memref<128xf32, #tpu.memory_space<vmem>>
    tpu.enqueue_dma source(%dma_start3A_172 : memref<128xf32, #tpu.memory_space<vmem>>) target(%dma_start3A_169 : memref<128xf32, #tpu.memory_space<any>>) target_semaphore(%arg8 : memref<!tpu.dma_semaphore, #tpu.memory_space<semaphore_mem>>)
    %dma_wait3A_173 = arith.constant 8 : i32
    %dma_wait3A_174 = arith.constant 0 : i32
    %dma_wait3A_175 = tpu.memref_slice %arg0[%dma_wait3A_173, %dma_wait3A_174] : memref<26x1000000xf32, #tpu.memory_space<any>> -> memref<8x1000000xf32, #tpu.memory_space<any>>
    tpu.wait_dma2 semaphore(%arg6 : memref<!tpu.dma_semaphore, #tpu.memory_space<semaphore_mem>>) src(%dma_wait3A_175 : memref<8x1000000xf32, #tpu.memory_space<any>>) dst(%arg3 : memref<8x1000000xf32, #tpu.memory_space<vmem>>)
    %get3A_176 = arith.constant 0 : index
    %get3A_177 = arith.constant 999936 : index
    %get3A_178 = vector.load %arg3[%get3A_176, %get3A_177] : memref<8x1000000xf32, #tpu.memory_space<vmem>>, vector<1x64xf32>
    %get3A_179 = vector.shape_cast %get3A_178 : vector<1x64xf32> to vector<64xf32>
    %swap3A_180 = arith.constant 0 : index
    %swap3A_181 = arith.constant 0 : index
    %swap3A_182 = vector.load %arg5[%swap3A_180, %swap3A_181] : memref<8x128xf32, #tpu.memory_space<vmem>>, vector<1x64xf32>
    %swap3A_183 = vector.shape_cast %swap3A_182 : vector<1x64xf32> to vector<64xf32>
    %swap3A_184 = vector.shape_cast %get3A_179 : vector<64xf32> to vector<1x64xf32>
    tpu.vector_store %arg5[%swap3A_180, %swap3A_181], %swap3A_184 {strides = array<i32>} : memref<8x128xf32, #tpu.memory_space<vmem>>, vector<1x64xf32>,
    %get3A_185 = arith.constant 1 : index
    %get3A_186 = arith.constant 999936 : index
    %get3A_187 = vector.load %arg3[%get3A_185, %get3A_186] : memref<8x1000000xf32, #tpu.memory_space<vmem>>, vector<1x64xf32>
    %get3A_188 = vector.shape_cast %get3A_187 : vector<1x64xf32> to vector<64xf32>
    %swap3A_189 = arith.constant 1 : index
    %swap3A_190 = arith.constant 0 : index
    %swap3A_191 = vector.load %arg5[%swap3A_189, %swap3A_190] : memref<8x128xf32, #tpu.memory_space<vmem>>, vector<1x64xf32>
    %swap3A_192 = vector.shape_cast %swap3A_191 : vector<1x64xf32> to vector<64xf32>
    %swap3A_193 = vector.shape_cast %get3A_188 : vector<64xf32> to vector<1x64xf32>
    tpu.vector_store %arg5[%swap3A_189, %swap3A_190], %swap3A_193 {strides = array<i32>} : memref<8x128xf32, #tpu.memory_space<vmem>>, vector<1x64xf32>,
    %get3A_194 = arith.constant 2 : index
    %get3A_195 = arith.constant 999936 : index
    %get3A_196 = vector.load %arg3[%get3A_194, %get3A_195] : memref<8x1000000xf32, #tpu.memory_space<vmem>>, vector<1x64xf32>
    %get3A_197 = vector.shape_cast %get3A_196 : vector<1x64xf32> to vector<64xf32>
    %swap3A_198 = arith.constant 2 : index
    %swap3A_199 = arith.constant 0 : index
    %swap3A_200 = vector.load %arg5[%swap3A_198, %swap3A_199] : memref<8x128xf32, #tpu.memory_space<vmem>>, vector<1x64xf32>
    %swap3A_201 = vector.shape_cast %swap3A_200 : vector<1x64xf32> to vector<64xf32>
    %swap3A_202 = vector.shape_cast %get3A_197 : vector<64xf32> to vector<1x64xf32>
    tpu.vector_store %arg5[%swap3A_198, %swap3A_199], %swap3A_202 {strides = array<i32>} : memref<8x128xf32, #tpu.memory_space<vmem>>, vector<1x64xf32>,
    %get3A_203 = arith.constant 3 : index
    %get3A_204 = arith.constant 999936 : index
    %get3A_205 = vector.load %arg3[%get3A_203, %get3A_204] : memref<8x1000000xf32, #tpu.memory_space<vmem>>, vector<1x64xf32>
    %get3A_206 = vector.shape_cast %get3A_205 : vector<1x64xf32> to vector<64xf32>
    %swap3A_207 = arith.constant 3 : index
    %swap3A_208 = arith.constant 0 : index
    %swap3A_209 = vector.load %arg5[%swap3A_207, %swap3A_208] : memref<8x128xf32, #tpu.memory_space<vmem>>, vector<1x64xf32>
    %swap3A_210 = vector.shape_cast %swap3A_209 : vector<1x64xf32> to vector<64xf32>
    %swap3A_211 = vector.shape_cast %get3A_206 : vector<64xf32> to vector<1x64xf32>
    tpu.vector_store %arg5[%swap3A_207, %swap3A_208], %swap3A_211 {strides = array<i32>} : memref<8x128xf32, #tpu.memory_space<vmem>>, vector<1x64xf32>,
    %get3A_212 = arith.constant 4 : index
    %get3A_213 = arith.constant 999936 : index
    %get3A_214 = vector.load %arg3[%get3A_212, %get3A_213] : memref<8x1000000xf32, #tpu.memory_space<vmem>>, vector<1x64xf32>
    %get3A_215 = vector.shape_cast %get3A_214 : vector<1x64xf32> to vector<64xf32>
    %swap3A_216 = arith.constant 4 : index
    %swap3A_217 = arith.constant 0 : index
    %swap3A_218 = vector.load %arg5[%swap3A_216, %swap3A_217] : memref<8x128xf32, #tpu.memory_space<vmem>>, vector<1x64xf32>
    %swap3A_219 = vector.shape_cast %swap3A_218 : vector<1x64xf32> to vector<64xf32>
    %swap3A_220 = vector.shape_cast %get3A_215 : vector<64xf32> to vector<1x64xf32>
    tpu.vector_store %arg5[%swap3A_216, %swap3A_217], %swap3A_220 {strides = array<i32>} : memref<8x128xf32, #tpu.memory_space<vmem>>, vector<1x64xf32>,
    %get3A_221 = arith.constant 5 : index
    %get3A_222 = arith.constant 999936 : index
    %get3A_223 = vector.load %arg3[%get3A_221, %get3A_222] : memref<8x1000000xf32, #tpu.memory_space<vmem>>, vector<1x64xf32>
    %get3A_224 = vector.shape_cast %get3A_223 : vector<1x64xf32> to vector<64xf32>
    %swap3A_225 = arith.constant 5 : index
    %swap3A_226 = arith.constant 0 : index
    %swap3A_227 = vector.load %arg5[%swap3A_225, %swap3A_226] : memref<8x128xf32, #tpu.memory_space<vmem>>, vector<1x64xf32>
    %swap3A_228 = vector.shape_cast %swap3A_227 : vector<1x64xf32> to vector<64xf32>
    %swap3A_229 = vector.shape_cast %get3A_224 : vector<64xf32> to vector<1x64xf32>
    tpu.vector_store %arg5[%swap3A_225, %swap3A_226], %swap3A_229 {strides = array<i32>} : memref<8x128xf32, #tpu.memory_space<vmem>>, vector<1x64xf32>,
    %get3A_230 = arith.constant 6 : index
    %get3A_231 = arith.constant 999936 : index
    %get3A_232 = vector.load %arg3[%get3A_230, %get3A_231] : memref<8x1000000xf32, #tpu.memory_space<vmem>>, vector<1x64xf32>
    %get3A_233 = vector.shape_cast %get3A_232 : vector<1x64xf32> to vector<64xf32>
    %swap3A_234 = arith.constant 6 : index
    %swap3A_235 = arith.constant 0 : index
    %swap3A_236 = vector.load %arg5[%swap3A_234, %swap3A_235] : memref<8x128xf32, #tpu.memory_space<vmem>>, vector<1x64xf32>
    %swap3A_237 = vector.shape_cast %swap3A_236 : vector<1x64xf32> to vector<64xf32>
    %swap3A_238 = vector.shape_cast %get3A_233 : vector<64xf32> to vector<1x64xf32>
    tpu.vector_store %arg5[%swap3A_234, %swap3A_235], %swap3A_238 {strides = array<i32>} : memref<8x128xf32, #tpu.memory_space<vmem>>, vector<1x64xf32>,
    %get3A_239 = arith.constant 7 : index
    %get3A_240 = arith.constant 999936 : index
    %get3A_241 = vector.load %arg3[%get3A_239, %get3A_240] : memref<8x1000000xf32, #tpu.memory_space<vmem>>, vector<1x64xf32>
    %get3A_242 = vector.shape_cast %get3A_241 : vector<1x64xf32> to vector<64xf32>
    %swap3A_243 = arith.constant 7 : index
    %swap3A_244 = arith.constant 0 : index
    %swap3A_245 = vector.load %arg5[%swap3A_243, %swap3A_244] : memref<8x128xf32, #tpu.memory_space<vmem>>, vector<1x64xf32>
    %swap3A_246 = vector.shape_cast %swap3A_245 : vector<1x64xf32> to vector<64xf32>
    %swap3A_247 = vector.shape_cast %get3A_242 : vector<64xf32> to vector<1x64xf32>
    tpu.vector_store %arg5[%swap3A_243, %swap3A_244], %swap3A_247 {strides = array<i32>} : memref<8x128xf32, #tpu.memory_space<vmem>>, vector<1x64xf32>,
    %dma_start3A_248 = arith.constant 0 : i32
    %dma_start3A_249 = arith.constant 8000512 : i32
    %dma_start3A_250 = tpu.memref_slice %arg1[%dma_start3A_249] : memref<16001024xf32, #tpu.memory_space<any>> -> memref<999936xf32, #tpu.memory_space<any>>
    %dma_start3A_251 = arith.constant 0 : i32
    %dma_start3A_252 = tpu.memref_slice %arg3[%dma_start3A_248, %dma_start3A_251] : memref<8x1000000xf32, #tpu.memory_space<vmem>> -> memref<1x999936xf32, #tpu.memory_space<vmem>>
    %dma_start3A_253 = tpu.memref_squeeze %dma_start3A_252 : memref<1x999936xf32, #tpu.memory_space<vmem>> -> memref<999936xf32, #tpu.memory_space<vmem>>
    tpu.enqueue_dma source(%dma_start3A_253 : memref<999936xf32, #tpu.memory_space<vmem>>) target(%dma_start3A_250 : memref<999936xf32, #tpu.memory_space<any>>) target_semaphore(%arg7 : memref<!tpu.dma_semaphore, #tpu.memory_space<semaphore_mem>>)
    %dma_start3A_254 = arith.constant 0 : i32
    %dma_start3A_255 = arith.constant 9000448 : i32
    %dma_start3A_256 = tpu.memref_slice %arg1[%dma_start3A_255] : memref<16001024xf32, #tpu.memory_space<any>> -> memref<128xf32, #tpu.memory_space<any>>
    %dma_start3A_257 = arith.constant 0 : i32
    %dma_start3A_258 = tpu.memref_slice %arg5[%dma_start3A_254, %dma_start3A_257] : memref<8x128xf32, #tpu.memory_space<vmem>> -> memref<1x128xf32, #tpu.memory_space<vmem>>
    %dma_start3A_259 = tpu.memref_squeeze %dma_start3A_258 : memref<1x128xf32, #tpu.memory_space<vmem>> -> memref<128xf32, #tpu.memory_space<vmem>>
    tpu.enqueue_dma source(%dma_start3A_259 : memref<128xf32, #tpu.memory_space<vmem>>) target(%dma_start3A_256 : memref<128xf32, #tpu.memory_space<any>>) target_semaphore(%arg8 : memref<!tpu.dma_semaphore, #tpu.memory_space<semaphore_mem>>)
    %dma_start3A_260 = arith.constant 1 : i32
    %dma_start3A_261 = arith.constant 9000576 : i32
    %dma_start3A_262 = tpu.memref_slice %arg1[%dma_start3A_261] : memref<16001024xf32, #tpu.memory_space<any>> -> memref<999936xf32, #tpu.memory_space<any>>
    %dma_start3A_263 = arith.constant 0 : i32
    %dma_start3A_264 = tpu.memref_slice %arg3[%dma_start3A_260, %dma_start3A_263] : memref<8x1000000xf32, #tpu.memory_space<vmem>> -> memref<1x999936xf32, #tpu.memory_space<vmem>>
    %dma_start3A_265 = tpu.memref_squeeze %dma_start3A_264 : memref<1x999936xf32, #tpu.memory_space<vmem>> -> memref<999936xf32, #tpu.memory_space<vmem>>
    tpu.enqueue_dma source(%dma_start3A_265 : memref<999936xf32, #tpu.memory_space<vmem>>) target(%dma_start3A_262 : memref<999936xf32, #tpu.memory_space<any>>) target_semaphore(%arg7 : memref<!tpu.dma_semaphore, #tpu.memory_space<semaphore_mem>>)
    %dma_start3A_266 = arith.constant 1 : i32
    %dma_start3A_267 = arith.constant 10000512 : i32
    %dma_start3A_268 = tpu.memref_slice %arg1[%dma_start3A_267] : memref<16001024xf32, #tpu.memory_space<any>> -> memref<128xf32, #tpu.memory_space<any>>
    %dma_start3A_269 = arith.constant 0 : i32
    %dma_start3A_270 = tpu.memref_slice %arg5[%dma_start3A_266, %dma_start3A_269] : memref<8x128xf32, #tpu.memory_space<vmem>> -> memref<1x128xf32, #tpu.memory_space<vmem>>
    %dma_start3A_271 = tpu.memref_squeeze %dma_start3A_270 : memref<1x128xf32, #tpu.memory_space<vmem>> -> memref<128xf32, #tpu.memory_space<vmem>>
    tpu.enqueue_dma source(%dma_start3A_271 : memref<128xf32, #tpu.memory_space<vmem>>) target(%dma_start3A_268 : memref<128xf32, #tpu.memory_space<any>>) target_semaphore(%arg8 : memref<!tpu.dma_semaphore, #tpu.memory_space<semaphore_mem>>)
    %dma_start3A_272 = arith.constant 2 : i32
    %dma_start3A_273 = arith.constant 10000640 : i32
    %dma_start3A_274 = tpu.memref_slice %arg1[%dma_start3A_273] : memref<16001024xf32, #tpu.memory_space<any>> -> memref<999936xf32, #tpu.memory_space<any>>
    %dma_start3A_275 = arith.constant 0 : i32
    %dma_start3A_276 = tpu.memref_slice %arg3[%dma_start3A_272, %dma_start3A_275] : memref<8x1000000xf32, #tpu.memory_space<vmem>> -> memref<1x999936xf32, #tpu.memory_space<vmem>>
    %dma_start3A_277 = tpu.memref_squeeze %dma_start3A_276 : memref<1x999936xf32, #tpu.memory_space<vmem>> -> memref<999936xf32, #tpu.memory_space<vmem>>
    tpu.enqueue_dma source(%dma_start3A_277 : memref<999936xf32, #tpu.memory_space<vmem>>) target(%dma_start3A_274 : memref<999936xf32, #tpu.memory_space<any>>) target_semaphore(%arg7 : memref<!tpu.dma_semaphore, #tpu.memory_space<semaphore_mem>>)
    %dma_start3A_278 = arith.constant 2 : i32
    %dma_start3A_279 = arith.constant 11000576 : i32
    %dma_start3A_280 = tpu.memref_slice %arg1[%dma_start3A_279] : memref<16001024xf32, #tpu.memory_space<any>> -> memref<128xf32, #tpu.memory_space<any>>
    %dma_start3A_281 = arith.constant 0 : i32
    %dma_start3A_282 = tpu.memref_slice %arg5[%dma_start3A_278, %dma_start3A_281] : memref<8x128xf32, #tpu.memory_space<vmem>> -> memref<1x128xf32, #tpu.memory_space<vmem>>
    %dma_start3A_283 = tpu.memref_squeeze %dma_start3A_282 : memref<1x128xf32, #tpu.memory_space<vmem>> -> memref<128xf32, #tpu.memory_space<vmem>>
    tpu.enqueue_dma source(%dma_start3A_283 : memref<128xf32, #tpu.memory_space<vmem>>) target(%dma_start3A_280 : memref<128xf32, #tpu.memory_space<any>>) target_semaphore(%arg8 : memref<!tpu.dma_semaphore, #tpu.memory_space<semaphore_mem>>)
    %dma_start3A_284 = arith.constant 3 : i32
    %dma_start3A_285 = arith.constant 11000704 : i32
    %dma_start3A_286 = tpu.memref_slice %arg1[%dma_start3A_285] : memref<16001024xf32, #tpu.memory_space<any>> -> memref<999936xf32, #tpu.memory_space<any>>
    %dma_start3A_287 = arith.constant 0 : i32
    %dma_start3A_288 = tpu.memref_slice %arg3[%dma_start3A_284, %dma_start3A_287] : memref<8x1000000xf32, #tpu.memory_space<vmem>> -> memref<1x999936xf32, #tpu.memory_space<vmem>>
    %dma_start3A_289 = tpu.memref_squeeze %dma_start3A_288 : memref<1x999936xf32, #tpu.memory_space<vmem>> -> memref<999936xf32, #tpu.memory_space<vmem>>
    tpu.enqueue_dma source(%dma_start3A_289 : memref<999936xf32, #tpu.memory_space<vmem>>) target(%dma_start3A_286 : memref<999936xf32, #tpu.memory_space<any>>) target_semaphore(%arg7 : memref<!tpu.dma_semaphore, #tpu.memory_space<semaphore_mem>>)
    %dma_start3A_290 = arith.constant 3 : i32
    %dma_start3A_291 = arith.constant 12000640 : i32
    %dma_start3A_292 = tpu.memref_slice %arg1[%dma_start3A_291] : memref<16001024xf32, #tpu.memory_space<any>> -> memref<128xf32, #tpu.memory_space<any>>
    %dma_start3A_293 = arith.constant 0 : i32
    %dma_start3A_294 = tpu.memref_slice %arg5[%dma_start3A_290, %dma_start3A_293] : memref<8x128xf32, #tpu.memory_space<vmem>> -> memref<1x128xf32, #tpu.memory_space<vmem>>
    %dma_start3A_295 = tpu.memref_squeeze %dma_start3A_294 : memref<1x128xf32, #tpu.memory_space<vmem>> -> memref<128xf32, #tpu.memory_space<vmem>>
    tpu.enqueue_dma source(%dma_start3A_295 : memref<128xf32, #tpu.memory_space<vmem>>) target(%dma_start3A_292 : memref<128xf32, #tpu.memory_space<any>>) target_semaphore(%arg8 : memref<!tpu.dma_semaphore, #tpu.memory_space<semaphore_mem>>)
    %dma_start3A_296 = arith.constant 4 : i32
    %dma_start3A_297 = arith.constant 12000768 : i32
    %dma_start3A_298 = tpu.memref_slice %arg1[%dma_start3A_297] : memref<16001024xf32, #tpu.memory_space<any>> -> memref<999936xf32, #tpu.memory_space<any>>
    %dma_start3A_299 = arith.constant 0 : i32
    %dma_start3A_300 = tpu.memref_slice %arg3[%dma_start3A_296, %dma_start3A_299] : memref<8x1000000xf32, #tpu.memory_space<vmem>> -> memref<1x999936xf32, #tpu.memory_space<vmem>>
    %dma_start3A_301 = tpu.memref_squeeze %dma_start3A_300 : memref<1x999936xf32, #tpu.memory_space<vmem>> -> memref<999936xf32, #tpu.memory_space<vmem>>
    tpu.enqueue_dma source(%dma_start3A_301 : memref<999936xf32, #tpu.memory_space<vmem>>) target(%dma_start3A_298 : memref<999936xf32, #tpu.memory_space<any>>) target_semaphore(%arg7 : memref<!tpu.dma_semaphore, #tpu.memory_space<semaphore_mem>>)
    %dma_start3A_302 = arith.constant 4 : i32
    %dma_start3A_303 = arith.constant 13000704 : i32
    %dma_start3A_304 = tpu.memref_slice %arg1[%dma_start3A_303] : memref<16001024xf32, #tpu.memory_space<any>> -> memref<128xf32, #tpu.memory_space<any>>
    %dma_start3A_305 = arith.constant 0 : i32
    %dma_start3A_306 = tpu.memref_slice %arg5[%dma_start3A_302, %dma_start3A_305] : memref<8x128xf32, #tpu.memory_space<vmem>> -> memref<1x128xf32, #tpu.memory_space<vmem>>
    %dma_start3A_307 = tpu.memref_squeeze %dma_start3A_306 : memref<1x128xf32, #tpu.memory_space<vmem>> -> memref<128xf32, #tpu.memory_space<vmem>>
    tpu.enqueue_dma source(%dma_start3A_307 : memref<128xf32, #tpu.memory_space<vmem>>) target(%dma_start3A_304 : memref<128xf32, #tpu.memory_space<any>>) target_semaphore(%arg8 : memref<!tpu.dma_semaphore, #tpu.memory_space<semaphore_mem>>)
    %dma_start3A_308 = arith.constant 5 : i32
    %dma_start3A_309 = arith.constant 13000832 : i32
    %dma_start3A_310 = tpu.memref_slice %arg1[%dma_start3A_309] : memref<16001024xf32, #tpu.memory_space<any>> -> memref<999936xf32, #tpu.memory_space<any>>
    %dma_start3A_311 = arith.constant 0 : i32
    %dma_start3A_312 = tpu.memref_slice %arg3[%dma_start3A_308, %dma_start3A_311] : memref<8x1000000xf32, #tpu.memory_space<vmem>> -> memref<1x999936xf32, #tpu.memory_space<vmem>>
    %dma_start3A_313 = tpu.memref_squeeze %dma_start3A_312 : memref<1x999936xf32, #tpu.memory_space<vmem>> -> memref<999936xf32, #tpu.memory_space<vmem>>
    tpu.enqueue_dma source(%dma_start3A_313 : memref<999936xf32, #tpu.memory_space<vmem>>) target(%dma_start3A_310 : memref<999936xf32, #tpu.memory_space<any>>) target_semaphore(%arg7 : memref<!tpu.dma_semaphore, #tpu.memory_space<semaphore_mem>>)
    %dma_start3A_314 = arith.constant 5 : i32
    %dma_start3A_315 = arith.constant 14000768 : i32
    %dma_start3A_316 = tpu.memref_slice %arg1[%dma_start3A_315] : memref<16001024xf32, #tpu.memory_space<any>> -> memref<128xf32, #tpu.memory_space<any>>
    %dma_start3A_317 = arith.constant 0 : i32
    %dma_start3A_318 = tpu.memref_slice %arg5[%dma_start3A_314, %dma_start3A_317] : memref<8x128xf32, #tpu.memory_space<vmem>> -> memref<1x128xf32, #tpu.memory_space<vmem>>
    %dma_start3A_319 = tpu.memref_squeeze %dma_start3A_318 : memref<1x128xf32, #tpu.memory_space<vmem>> -> memref<128xf32, #tpu.memory_space<vmem>>
    tpu.enqueue_dma source(%dma_start3A_319 : memref<128xf32, #tpu.memory_space<vmem>>) target(%dma_start3A_316 : memref<128xf32, #tpu.memory_space<any>>) target_semaphore(%arg8 : memref<!tpu.dma_semaphore, #tpu.memory_space<semaphore_mem>>)
    %dma_start3A_320 = arith.constant 6 : i32
    %dma_start3A_321 = arith.constant 14000896 : i32
    %dma_start3A_322 = tpu.memref_slice %arg1[%dma_start3A_321] : memref<16001024xf32, #tpu.memory_space<any>> -> memref<999936xf32, #tpu.memory_space<any>>
    %dma_start3A_323 = arith.constant 0 : i32
    %dma_start3A_324 = tpu.memref_slice %arg3[%dma_start3A_320, %dma_start3A_323] : memref<8x1000000xf32, #tpu.memory_space<vmem>> -> memref<1x999936xf32, #tpu.memory_space<vmem>>
    %dma_start3A_325 = tpu.memref_squeeze %dma_start3A_324 : memref<1x999936xf32, #tpu.memory_space<vmem>> -> memref<999936xf32, #tpu.memory_space<vmem>>
    tpu.enqueue_dma source(%dma_start3A_325 : memref<999936xf32, #tpu.memory_space<vmem>>) target(%dma_start3A_322 : memref<999936xf32, #tpu.memory_space<any>>) target_semaphore(%arg7 : memref<!tpu.dma_semaphore, #tpu.memory_space<semaphore_mem>>)
    %dma_start3A_326 = arith.constant 6 : i32
    %dma_start3A_327 = arith.constant 15000832 : i32
    %dma_start3A_328 = tpu.memref_slice %arg1[%dma_start3A_327] : memref<16001024xf32, #tpu.memory_space<any>> -> memref<128xf32, #tpu.memory_space<any>>
    %dma_start3A_329 = arith.constant 0 : i32
    %dma_start3A_330 = tpu.memref_slice %arg5[%dma_start3A_326, %dma_start3A_329] : memref<8x128xf32, #tpu.memory_space<vmem>> -> memref<1x128xf32, #tpu.memory_space<vmem>>
    %dma_start3A_331 = tpu.memref_squeeze %dma_start3A_330 : memref<1x128xf32, #tpu.memory_space<vmem>> -> memref<128xf32, #tpu.memory_space<vmem>>
    tpu.enqueue_dma source(%dma_start3A_331 : memref<128xf32, #tpu.memory_space<vmem>>) target(%dma_start3A_328 : memref<128xf32, #tpu.memory_space<any>>) target_semaphore(%arg8 : memref<!tpu.dma_semaphore, #tpu.memory_space<semaphore_mem>>)
    %dma_start3A_332 = arith.constant 7 : i32
    %dma_start3A_333 = arith.constant 15000960 : i32
    %dma_start3A_334 = tpu.memref_slice %arg1[%dma_start3A_333] : memref<16001024xf32, #tpu.memory_space<any>> -> memref<999936xf32, #tpu.memory_space<any>>
    %dma_start3A_335 = arith.constant 0 : i32
    %dma_start3A_336 = tpu.memref_slice %arg3[%dma_start3A_332, %dma_start3A_335] : memref<8x1000000xf32, #tpu.memory_space<vmem>> -> memref<1x999936xf32, #tpu.memory_space<vmem>>
    %dma_start3A_337 = tpu.memref_squeeze %dma_start3A_336 : memref<1x999936xf32, #tpu.memory_space<vmem>> -> memref<999936xf32, #tpu.memory_space<vmem>>
    tpu.enqueue_dma source(%dma_start3A_337 : memref<999936xf32, #tpu.memory_space<vmem>>) target(%dma_start3A_334 : memref<999936xf32, #tpu.memory_space<any>>) target_semaphore(%arg7 : memref<!tpu.dma_semaphore, #tpu.memory_space<semaphore_mem>>)
    %dma_start3A_338 = arith.constant 7 : i32
    %dma_start3A_339 = arith.constant 16000896 : i32
    %dma_start3A_340 = tpu.memref_slice %arg1[%dma_start3A_339] : memref<16001024xf32, #tpu.memory_space<any>> -> memref<128xf32, #tpu.memory_space<any>>
    %dma_start3A_341 = arith.constant 0 : i32
    %dma_start3A_342 = tpu.memref_slice %arg5[%dma_start3A_338, %dma_start3A_341] : memref<8x128xf32, #tpu.memory_space<vmem>> -> memref<1x128xf32, #tpu.memory_space<vmem>>
    %dma_start3A_343 = tpu.memref_squeeze %dma_start3A_342 : memref<1x128xf32, #tpu.memory_space<vmem>> -> memref<128xf32, #tpu.memory_space<vmem>>
    tpu.enqueue_dma source(%dma_start3A_343 : memref<128xf32, #tpu.memory_space<vmem>>) target(%dma_start3A_340 : memref<128xf32, #tpu.memory_space<any>>) target_semaphore(%arg8 : memref<!tpu.dma_semaphore, #tpu.memory_space<semaphore_mem>>)
    %dma_wait3A_344 = arith.constant 0 : i32
    %dma_wait3A_345 = arith.constant 0 : i32
    %dma_wait3A_346 = tpu.memref_slice %arg1[%dma_wait3A_345] : memref<16001024xf32, #tpu.memory_space<any>> -> memref<999936xf32, #tpu.memory_space<any>>
    %dma_wait3A_347 = arith.constant 0 : i32
    %dma_wait3A_348 = tpu.memref_slice %arg2[%dma_wait3A_344, %dma_wait3A_347] : memref<8x1000000xf32, #tpu.memory_space<vmem>> -> memref<1x999936xf32, #tpu.memory_space<vmem>>
    %dma_wait3A_349 = tpu.memref_squeeze %dma_wait3A_348 : memref<1x999936xf32, #tpu.memory_space<vmem>> -> memref<999936xf32, #tpu.memory_space<vmem>>
    tpu.wait_dma2 semaphore(%arg7 : memref<!tpu.dma_semaphore, #tpu.memory_space<semaphore_mem>>) src(%dma_wait3A_349 : memref<999936xf32, #tpu.memory_space<vmem>>) dst(%dma_wait3A_346 : memref<999936xf32, #tpu.memory_space<any>>)
    %dma_wait3A_350 = arith.constant 0 : i32
    %dma_wait3A_351 = arith.constant 999936 : i32
    %dma_wait3A_352 = tpu.memref_slice %arg1[%dma_wait3A_351] : memref<16001024xf32, #tpu.memory_space<any>> -> memref<128xf32, #tpu.memory_space<any>>
    %dma_wait3A_353 = arith.constant 0 : i32
    %dma_wait3A_354 = tpu.memref_slice %arg4[%dma_wait3A_350, %dma_wait3A_353] : memref<8x128xf32, #tpu.memory_space<vmem>> -> memref<1x128xf32, #tpu.memory_space<vmem>>
    %dma_wait3A_355 = tpu.memref_squeeze %dma_wait3A_354 : memref<1x128xf32, #tpu.memory_space<vmem>> -> memref<128xf32, #tpu.memory_space<vmem>>
    tpu.wait_dma2 semaphore(%arg8 : memref<!tpu.dma_semaphore, #tpu.memory_space<semaphore_mem>>) src(%dma_wait3A_355 : memref<128xf32, #tpu.memory_space<vmem>>) dst(%dma_wait3A_352 : memref<128xf32, #tpu.memory_space<any>>)
    %dma_wait3A_356 = arith.constant 1 : i32
    %dma_wait3A_357 = arith.constant 1000064 : i32
    %dma_wait3A_358 = tpu.memref_slice %arg1[%dma_wait3A_357] : memref<16001024xf32, #tpu.memory_space<any>> -> memref<999936xf32, #tpu.memory_space<any>>
    %dma_wait3A_359 = arith.constant 0 : i32
    %dma_wait3A_360 = tpu.memref_slice %arg2[%dma_wait3A_356, %dma_wait3A_359] : memref<8x1000000xf32, #tpu.memory_space<vmem>> -> memref<1x999936xf32, #tpu.memory_space<vmem>>
    %dma_wait3A_361 = tpu.memref_squeeze %dma_wait3A_360 : memref<1x999936xf32, #tpu.memory_space<vmem>> -> memref<999936xf32, #tpu.memory_space<vmem>>
    tpu.wait_dma2 semaphore(%arg7 : memref<!tpu.dma_semaphore, #tpu.memory_space<semaphore_mem>>) src(%dma_wait3A_361 : memref<999936xf32, #tpu.memory_space<vmem>>) dst(%dma_wait3A_358 : memref<999936xf32, #tpu.memory_space<any>>)
    %dma_wait3A_362 = arith.constant 1 : i32
    %dma_wait3A_363 = arith.constant 2000000 : i32
    %dma_wait3A_364 = tpu.memref_slice %arg1[%dma_wait3A_363] : memref<16001024xf32, #tpu.memory_space<any>> -> memref<128xf32, #tpu.memory_space<any>>
    %dma_wait3A_365 = arith.constant 0 : i32
    %dma_wait3A_366 = tpu.memref_slice %arg4[%dma_wait3A_362, %dma_wait3A_365] : memref<8x128xf32, #tpu.memory_space<vmem>> -> memref<1x128xf32, #tpu.memory_space<vmem>>
    %dma_wait3A_367 = tpu.memref_squeeze %dma_wait3A_366 : memref<1x128xf32, #tpu.memory_space<vmem>> -> memref<128xf32, #tpu.memory_space<vmem>>
    tpu.wait_dma2 semaphore(%arg8 : memref<!tpu.dma_semaphore, #tpu.memory_space<semaphore_mem>>) src(%dma_wait3A_367 : memref<128xf32, #tpu.memory_space<vmem>>) dst(%dma_wait3A_364 : memref<128xf32, #tpu.memory_space<any>>)
    %dma_wait3A_368 = arith.constant 2 : i32
    %dma_wait3A_369 = arith.constant 2000128 : i32
    %dma_wait3A_370 = tpu.memref_slice %arg1[%dma_wait3A_369] : memref<16001024xf32, #tpu.memory_space<any>> -> memref<999936xf32, #tpu.memory_space<any>>
    %dma_wait3A_371 = arith.constant 0 : i32
    %dma_wait3A_372 = tpu.memref_slice %arg2[%dma_wait3A_368, %dma_wait3A_371] : memref<8x1000000xf32, #tpu.memory_space<vmem>> -> memref<1x999936xf32, #tpu.memory_space<vmem>>
    %dma_wait3A_373 = tpu.memref_squeeze %dma_wait3A_372 : memref<1x999936xf32, #tpu.memory_space<vmem>> -> memref<999936xf32, #tpu.memory_space<vmem>>
    tpu.wait_dma2 semaphore(%arg7 : memref<!tpu.dma_semaphore, #tpu.memory_space<semaphore_mem>>) src(%dma_wait3A_373 : memref<999936xf32, #tpu.memory_space<vmem>>) dst(%dma_wait3A_370 : memref<999936xf32, #tpu.memory_space<any>>)
    %dma_wait3A_374 = arith.constant 2 : i32
    %dma_wait3A_375 = arith.constant 3000064 : i32
    %dma_wait3A_376 = tpu.memref_slice %arg1[%dma_wait3A_375] : memref<16001024xf32, #tpu.memory_space<any>> -> memref<128xf32, #tpu.memory_space<any>>
    %dma_wait3A_377 = arith.constant 0 : i32
    %dma_wait3A_378 = tpu.memref_slice %arg4[%dma_wait3A_374, %dma_wait3A_377] : memref<8x128xf32, #tpu.memory_space<vmem>> -> memref<1x128xf32, #tpu.memory_space<vmem>>
    %dma_wait3A_379 = tpu.memref_squeeze %dma_wait3A_378 : memref<1x128xf32, #tpu.memory_space<vmem>> -> memref<128xf32, #tpu.memory_space<vmem>>
    tpu.wait_dma2 semaphore(%arg8 : memref<!tpu.dma_semaphore, #tpu.memory_space<semaphore_mem>>) src(%dma_wait3A_379 : memref<128xf32, #tpu.memory_space<vmem>>) dst(%dma_wait3A_376 : memref<128xf32, #tpu.memory_space<any>>)
    %dma_wait3A_380 = arith.constant 3 : i32
    %dma_wait3A_381 = arith.constant 3000192 : i32
    %dma_wait3A_382 = tpu.memref_slice %arg1[%dma_wait3A_381] : memref<16001024xf32, #tpu.memory_space<any>> -> memref<999936xf32, #tpu.memory_space<any>>
    %dma_wait3A_383 = arith.constant 0 : i32
    %dma_wait3A_384 = tpu.memref_slice %arg2[%dma_wait3A_380, %dma_wait3A_383] : memref<8x1000000xf32, #tpu.memory_space<vmem>> -> memref<1x999936xf32, #tpu.memory_space<vmem>>
    %dma_wait3A_385 = tpu.memref_squeeze %dma_wait3A_384 : memref<1x999936xf32, #tpu.memory_space<vmem>> -> memref<999936xf32, #tpu.memory_space<vmem>>
    tpu.wait_dma2 semaphore(%arg7 : memref<!tpu.dma_semaphore, #tpu.memory_space<semaphore_mem>>) src(%dma_wait3A_385 : memref<999936xf32, #tpu.memory_space<vmem>>) dst(%dma_wait3A_382 : memref<999936xf32, #tpu.memory_space<any>>)
    %dma_wait3A_386 = arith.constant 3 : i32
    %dma_wait3A_387 = arith.constant 4000128 : i32
    %dma_wait3A_388 = tpu.memref_slice %arg1[%dma_wait3A_387] : memref<16001024xf32, #tpu.memory_space<any>> -> memref<128xf32, #tpu.memory_space<any>>
    %dma_wait3A_389 = arith.constant 0 : i32
    %dma_wait3A_390 = tpu.memref_slice %arg4[%dma_wait3A_386, %dma_wait3A_389] : memref<8x128xf32, #tpu.memory_space<vmem>> -> memref<1x128xf32, #tpu.memory_space<vmem>>
    %dma_wait3A_391 = tpu.memref_squeeze %dma_wait3A_390 : memref<1x128xf32, #tpu.memory_space<vmem>> -> memref<128xf32, #tpu.memory_space<vmem>>
    tpu.wait_dma2 semaphore(%arg8 : memref<!tpu.dma_semaphore, #tpu.memory_space<semaphore_mem>>) src(%dma_wait3A_391 : memref<128xf32, #tpu.memory_space<vmem>>) dst(%dma_wait3A_388 : memref<128xf32, #tpu.memory_space<any>>)
    %dma_wait3A_392 = arith.constant 4 : i32
    %dma_wait3A_393 = arith.constant 4000256 : i32
    %dma_wait3A_394 = tpu.memref_slice %arg1[%dma_wait3A_393] : memref<16001024xf32, #tpu.memory_space<any>> -> memref<999936xf32, #tpu.memory_space<any>>
    %dma_wait3A_395 = arith.constant 0 : i32
    %dma_wait3A_396 = tpu.memref_slice %arg2[%dma_wait3A_392, %dma_wait3A_395] : memref<8x1000000xf32, #tpu.memory_space<vmem>> -> memref<1x999936xf32, #tpu.memory_space<vmem>>
    %dma_wait3A_397 = tpu.memref_squeeze %dma_wait3A_396 : memref<1x999936xf32, #tpu.memory_space<vmem>> -> memref<999936xf32, #tpu.memory_space<vmem>>
    tpu.wait_dma2 semaphore(%arg7 : memref<!tpu.dma_semaphore, #tpu.memory_space<semaphore_mem>>) src(%dma_wait3A_397 : memref<999936xf32, #tpu.memory_space<vmem>>) dst(%dma_wait3A_394 : memref<999936xf32, #tpu.memory_space<any>>)
    %dma_wait3A_398 = arith.constant 4 : i32
    %dma_wait3A_399 = arith.constant 5000192 : i32
    %dma_wait3A_400 = tpu.memref_slice %arg1[%dma_wait3A_399] : memref<16001024xf32, #tpu.memory_space<any>> -> memref<128xf32, #tpu.memory_space<any>>
    %dma_wait3A_401 = arith.constant 0 : i32
    %dma_wait3A_402 = tpu.memref_slice %arg4[%dma_wait3A_398, %dma_wait3A_401] : memref<8x128xf32, #tpu.memory_space<vmem>> -> memref<1x128xf32, #tpu.memory_space<vmem>>
    %dma_wait3A_403 = tpu.memref_squeeze %dma_wait3A_402 : memref<1x128xf32, #tpu.memory_space<vmem>> -> memref<128xf32, #tpu.memory_space<vmem>>
    tpu.wait_dma2 semaphore(%arg8 : memref<!tpu.dma_semaphore, #tpu.memory_space<semaphore_mem>>) src(%dma_wait3A_403 : memref<128xf32, #tpu.memory_space<vmem>>) dst(%dma_wait3A_400 : memref<128xf32, #tpu.memory_space<any>>)
    %dma_wait3A_404 = arith.constant 5 : i32
    %dma_wait3A_405 = arith.constant 5000320 : i32
    %dma_wait3A_406 = tpu.memref_slice %arg1[%dma_wait3A_405] : memref<16001024xf32, #tpu.memory_space<any>> -> memref<999936xf32, #tpu.memory_space<any>>
    %dma_wait3A_407 = arith.constant 0 : i32
    %dma_wait3A_408 = tpu.memref_slice %arg2[%dma_wait3A_404, %dma_wait3A_407] : memref<8x1000000xf32, #tpu.memory_space<vmem>> -> memref<1x999936xf32, #tpu.memory_space<vmem>>
    %dma_wait3A_409 = tpu.memref_squeeze %dma_wait3A_408 : memref<1x999936xf32, #tpu.memory_space<vmem>> -> memref<999936xf32, #tpu.memory_space<vmem>>
    tpu.wait_dma2 semaphore(%arg7 : memref<!tpu.dma_semaphore, #tpu.memory_space<semaphore_mem>>) src(%dma_wait3A_409 : memref<999936xf32, #tpu.memory_space<vmem>>) dst(%dma_wait3A_406 : memref<999936xf32, #tpu.memory_space<any>>)
    %dma_wait3A_410 = arith.constant 5 : i32
    %dma_wait3A_411 = arith.constant 6000256 : i32
    %dma_wait3A_412 = tpu.memref_slice %arg1[%dma_wait3A_411] : memref<16001024xf32, #tpu.memory_space<any>> -> memref<128xf32, #tpu.memory_space<any>>
    %dma_wait3A_413 = arith.constant 0 : i32
    %dma_wait3A_414 = tpu.memref_slice %arg4[%dma_wait3A_410, %dma_wait3A_413] : memref<8x128xf32, #tpu.memory_space<vmem>> -> memref<1x128xf32, #tpu.memory_space<vmem>>
    %dma_wait3A_415 = tpu.memref_squeeze %dma_wait3A_414 : memref<1x128xf32, #tpu.memory_space<vmem>> -> memref<128xf32, #tpu.memory_space<vmem>>
    tpu.wait_dma2 semaphore(%arg8 : memref<!tpu.dma_semaphore, #tpu.memory_space<semaphore_mem>>) src(%dma_wait3A_415 : memref<128xf32, #tpu.memory_space<vmem>>) dst(%dma_wait3A_412 : memref<128xf32, #tpu.memory_space<any>>)
    %dma_wait3A_416 = arith.constant 6 : i32
    %dma_wait3A_417 = arith.constant 6000384 : i32
    %dma_wait3A_418 = tpu.memref_slice %arg1[%dma_wait3A_417] : memref<16001024xf32, #tpu.memory_space<any>> -> memref<999936xf32, #tpu.memory_space<any>>
    %dma_wait3A_419 = arith.constant 0 : i32
    %dma_wait3A_420 = tpu.memref_slice %arg2[%dma_wait3A_416, %dma_wait3A_419] : memref<8x1000000xf32, #tpu.memory_space<vmem>> -> memref<1x999936xf32, #tpu.memory_space<vmem>>
    %dma_wait3A_421 = tpu.memref_squeeze %dma_wait3A_420 : memref<1x999936xf32, #tpu.memory_space<vmem>> -> memref<999936xf32, #tpu.memory_space<vmem>>
    tpu.wait_dma2 semaphore(%arg7 : memref<!tpu.dma_semaphore, #tpu.memory_space<semaphore_mem>>) src(%dma_wait3A_421 : memref<999936xf32, #tpu.memory_space<vmem>>) dst(%dma_wait3A_418 : memref<999936xf32, #tpu.memory_space<any>>)
    %dma_wait3A_422 = arith.constant 6 : i32
    %dma_wait3A_423 = arith.constant 7000320 : i32
    %dma_wait3A_424 = tpu.memref_slice %arg1[%dma_wait3A_423] : memref<16001024xf32, #tpu.memory_space<any>> -> memref<128xf32, #tpu.memory_space<any>>
    %dma_wait3A_425 = arith.constant 0 : i32
    %dma_wait3A_426 = tpu.memref_slice %arg4[%dma_wait3A_422, %dma_wait3A_425] : memref<8x128xf32, #tpu.memory_space<vmem>> -> memref<1x128xf32, #tpu.memory_space<vmem>>
    %dma_wait3A_427 = tpu.memref_squeeze %dma_wait3A_426 : memref<1x128xf32, #tpu.memory_space<vmem>> -> memref<128xf32, #tpu.memory_space<vmem>>
    tpu.wait_dma2 semaphore(%arg8 : memref<!tpu.dma_semaphore, #tpu.memory_space<semaphore_mem>>) src(%dma_wait3A_427 : memref<128xf32, #tpu.memory_space<vmem>>) dst(%dma_wait3A_424 : memref<128xf32, #tpu.memory_space<any>>)
    %dma_wait3A_428 = arith.constant 7 : i32
    %dma_wait3A_429 = arith.constant 7000448 : i32
    %dma_wait3A_430 = tpu.memref_slice %arg1[%dma_wait3A_429] : memref<16001024xf32, #tpu.memory_space<any>> -> memref<999936xf32, #tpu.memory_space<any>>
    %dma_wait3A_431 = arith.constant 0 : i32
    %dma_wait3A_432 = tpu.memref_slice %arg2[%dma_wait3A_428, %dma_wait3A_431] : memref<8x1000000xf32, #tpu.memory_space<vmem>> -> memref<1x999936xf32, #tpu.memory_space<vmem>>
    %dma_wait3A_433 = tpu.memref_squeeze %dma_wait3A_432 : memref<1x999936xf32, #tpu.memory_space<vmem>> -> memref<999936xf32, #tpu.memory_space<vmem>>
    tpu.wait_dma2 semaphore(%arg7 : memref<!tpu.dma_semaphore, #tpu.memory_space<semaphore_mem>>) src(%dma_wait3A_433 : memref<999936xf32, #tpu.memory_space<vmem>>) dst(%dma_wait3A_430 : memref<999936xf32, #tpu.memory_space<any>>)
    %dma_wait3A_434 = arith.constant 7 : i32
    %dma_wait3A_435 = arith.constant 8000384 : i32
    %dma_wait3A_436 = tpu.memref_slice %arg1[%dma_wait3A_435] : memref<16001024xf32, #tpu.memory_space<any>> -> memref<128xf32, #tpu.memory_space<any>>
    %dma_wait3A_437 = arith.constant 0 : i32
    %dma_wait3A_438 = tpu.memref_slice %arg4[%dma_wait3A_434, %dma_wait3A_437] : memref<8x128xf32, #tpu.memory_space<vmem>> -> memref<1x128xf32, #tpu.memory_space<vmem>>
    %dma_wait3A_439 = tpu.memref_squeeze %dma_wait3A_438 : memref<1x128xf32, #tpu.memory_space<vmem>> -> memref<128xf32, #tpu.memory_space<vmem>>
    tpu.wait_dma2 semaphore(%arg8 : memref<!tpu.dma_semaphore, #tpu.memory_space<semaphore_mem>>) src(%dma_wait3A_439 : memref<128xf32, #tpu.memory_space<vmem>>) dst(%dma_wait3A_436 : memref<128xf32, #tpu.memory_space<any>>)
    %dma_wait3A_440 = arith.constant 0 : i32
    %dma_wait3A_441 = arith.constant 8000512 : i32
    %dma_wait3A_442 = tpu.memref_slice %arg1[%dma_wait3A_441] : memref<16001024xf32, #tpu.memory_space<any>> -> memref<999936xf32, #tpu.memory_space<any>>
    %dma_wait3A_443 = arith.constant 0 : i32
    %dma_wait3A_444 = tpu.memref_slice %arg3[%dma_wait3A_440, %dma_wait3A_443] : memref<8x1000000xf32, #tpu.memory_space<vmem>> -> memref<1x999936xf32, #tpu.memory_space<vmem>>
    %dma_wait3A_445 = tpu.memref_squeeze %dma_wait3A_444 : memref<1x999936xf32, #tpu.memory_space<vmem>> -> memref<999936xf32, #tpu.memory_space<vmem>>
    tpu.wait_dma2 semaphore(%arg7 : memref<!tpu.dma_semaphore, #tpu.memory_space<semaphore_mem>>) src(%dma_wait3A_445 : memref<999936xf32, #tpu.memory_space<vmem>>) dst(%dma_wait3A_442 : memref<999936xf32, #tpu.memory_space<any>>)
    %dma_wait3A_446 = arith.constant 0 : i32
    %dma_wait3A_447 = arith.constant 9000448 : i32
    %dma_wait3A_448 = tpu.memref_slice %arg1[%dma_wait3A_447] : memref<16001024xf32, #tpu.memory_space<any>> -> memref<128xf32, #tpu.memory_space<any>>
    %dma_wait3A_449 = arith.constant 0 : i32
    %dma_wait3A_450 = tpu.memref_slice %arg5[%dma_wait3A_446, %dma_wait3A_449] : memref<8x128xf32, #tpu.memory_space<vmem>> -> memref<1x128xf32, #tpu.memory_space<vmem>>
    %dma_wait3A_451 = tpu.memref_squeeze %dma_wait3A_450 : memref<1x128xf32, #tpu.memory_space<vmem>> -> memref<128xf32, #tpu.memory_space<vmem>>
    tpu.wait_dma2 semaphore(%arg8 : memref<!tpu.dma_semaphore, #tpu.memory_space<semaphore_mem>>) src(%dma_wait3A_451 : memref<128xf32, #tpu.memory_space<vmem>>) dst(%dma_wait3A_448 : memref<128xf32, #tpu.memory_space<any>>)
    %dma_wait3A_452 = arith.constant 1 : i32
    %dma_wait3A_453 = arith.constant 9000576 : i32
    %dma_wait3A_454 = tpu.memref_slice %arg1[%dma_wait3A_453] : memref<16001024xf32, #tpu.memory_space<any>> -> memref<999936xf32, #tpu.memory_space<any>>
    %dma_wait3A_455 = arith.constant 0 : i32
    %dma_wait3A_456 = tpu.memref_slice %arg3[%dma_wait3A_452, %dma_wait3A_455] : memref<8x1000000xf32, #tpu.memory_space<vmem>> -> memref<1x999936xf32, #tpu.memory_space<vmem>>
    %dma_wait3A_457 = tpu.memref_squeeze %dma_wait3A_456 : memref<1x999936xf32, #tpu.memory_space<vmem>> -> memref<999936xf32, #tpu.memory_space<vmem>>
    tpu.wait_dma2 semaphore(%arg7 : memref<!tpu.dma_semaphore, #tpu.memory_space<semaphore_mem>>) src(%dma_wait3A_457 : memref<999936xf32, #tpu.memory_space<vmem>>) dst(%dma_wait3A_454 : memref<999936xf32, #tpu.memory_space<any>>)
    %dma_wait3A_458 = arith.constant 1 : i32
    %dma_wait3A_459 = arith.constant 10000512 : i32
    %dma_wait3A_460 = tpu.memref_slice %arg1[%dma_wait3A_459] : memref<16001024xf32, #tpu.memory_space<any>> -> memref<128xf32, #tpu.memory_space<any>>
    %dma_wait3A_461 = arith.constant 0 : i32
    %dma_wait3A_462 = tpu.memref_slice %arg5[%dma_wait3A_458, %dma_wait3A_461] : memref<8x128xf32, #tpu.memory_space<vmem>> -> memref<1x128xf32, #tpu.memory_space<vmem>>
    %dma_wait3A_463 = tpu.memref_squeeze %dma_wait3A_462 : memref<1x128xf32, #tpu.memory_space<vmem>> -> memref<128xf32, #tpu.memory_space<vmem>>
    tpu.wait_dma2 semaphore(%arg8 : memref<!tpu.dma_semaphore, #tpu.memory_space<semaphore_mem>>) src(%dma_wait3A_463 : memref<128xf32, #tpu.memory_space<vmem>>) dst(%dma_wait3A_460 : memref<128xf32, #tpu.memory_space<any>>)
    %dma_wait3A_464 = arith.constant 2 : i32
    %dma_wait3A_465 = arith.constant 10000640 : i32
    %dma_wait3A_466 = tpu.memref_slice %arg1[%dma_wait3A_465] : memref<16001024xf32, #tpu.memory_space<any>> -> memref<999936xf32, #tpu.memory_space<any>>
    %dma_wait3A_467 = arith.constant 0 : i32
    %dma_wait3A_468 = tpu.memref_slice %arg3[%dma_wait3A_464, %dma_wait3A_467] : memref<8x1000000xf32, #tpu.memory_space<vmem>> -> memref<1x999936xf32, #tpu.memory_space<vmem>>
    %dma_wait3A_469 = tpu.memref_squeeze %dma_wait3A_468 : memref<1x999936xf32, #tpu.memory_space<vmem>> -> memref<999936xf32, #tpu.memory_space<vmem>>
    tpu.wait_dma2 semaphore(%arg7 : memref<!tpu.dma_semaphore, #tpu.memory_space<semaphore_mem>>) src(%dma_wait3A_469 : memref<999936xf32, #tpu.memory_space<vmem>>) dst(%dma_wait3A_466 : memref<999936xf32, #tpu.memory_space<any>>)
    %dma_wait3A_470 = arith.constant 2 : i32
    %dma_wait3A_471 = arith.constant 11000576 : i32
    %dma_wait3A_472 = tpu.memref_slice %arg1[%dma_wait3A_471] : memref<16001024xf32, #tpu.memory_space<any>> -> memref<128xf32, #tpu.memory_space<any>>
    %dma_wait3A_473 = arith.constant 0 : i32
    %dma_wait3A_474 = tpu.memref_slice %arg5[%dma_wait3A_470, %dma_wait3A_473] : memref<8x128xf32, #tpu.memory_space<vmem>> -> memref<1x128xf32, #tpu.memory_space<vmem>>
    %dma_wait3A_475 = tpu.memref_squeeze %dma_wait3A_474 : memref<1x128xf32, #tpu.memory_space<vmem>> -> memref<128xf32, #tpu.memory_space<vmem>>
    tpu.wait_dma2 semaphore(%arg8 : memref<!tpu.dma_semaphore, #tpu.memory_space<semaphore_mem>>) src(%dma_wait3A_475 : memref<128xf32, #tpu.memory_space<vmem>>) dst(%dma_wait3A_472 : memref<128xf32, #tpu.memory_space<any>>)
    %dma_wait3A_476 = arith.constant 3 : i32
    %dma_wait3A_477 = arith.constant 11000704 : i32
    %dma_wait3A_478 = tpu.memref_slice %arg1[%dma_wait3A_477] : memref<16001024xf32, #tpu.memory_space<any>> -> memref<999936xf32, #tpu.memory_space<any>>
    %dma_wait3A_479 = arith.constant 0 : i32
    %dma_wait3A_480 = tpu.memref_slice %arg3[%dma_wait3A_476, %dma_wait3A_479] : memref<8x1000000xf32, #tpu.memory_space<vmem>> -> memref<1x999936xf32, #tpu.memory_space<vmem>>
    %dma_wait3A_481 = tpu.memref_squeeze %dma_wait3A_480 : memref<1x999936xf32, #tpu.memory_space<vmem>> -> memref<999936xf32, #tpu.memory_space<vmem>>
    tpu.wait_dma2 semaphore(%arg7 : memref<!tpu.dma_semaphore, #tpu.memory_space<semaphore_mem>>) src(%dma_wait3A_481 : memref<999936xf32, #tpu.memory_space<vmem>>) dst(%dma_wait3A_478 : memref<999936xf32, #tpu.memory_space<any>>)
    %dma_wait3A_482 = arith.constant 3 : i32
    %dma_wait3A_483 = arith.constant 12000640 : i32
    %dma_wait3A_484 = tpu.memref_slice %arg1[%dma_wait3A_483] : memref<16001024xf32, #tpu.memory_space<any>> -> memref<128xf32, #tpu.memory_space<any>>
    %dma_wait3A_485 = arith.constant 0 : i32
    %dma_wait3A_486 = tpu.memref_slice %arg5[%dma_wait3A_482, %dma_wait3A_485] : memref<8x128xf32, #tpu.memory_space<vmem>> -> memref<1x128xf32, #tpu.memory_space<vmem>>
    %dma_wait3A_487 = tpu.memref_squeeze %dma_wait3A_486 : memref<1x128xf32, #tpu.memory_space<vmem>> -> memref<128xf32, #tpu.memory_space<vmem>>
    tpu.wait_dma2 semaphore(%arg8 : memref<!tpu.dma_semaphore, #tpu.memory_space<semaphore_mem>>) src(%dma_wait3A_487 : memref<128xf32, #tpu.memory_space<vmem>>) dst(%dma_wait3A_484 : memref<128xf32, #tpu.memory_space<any>>)
    %dma_wait3A_488 = arith.constant 4 : i32
    %dma_wait3A_489 = arith.constant 12000768 : i32
    %dma_wait3A_490 = tpu.memref_slice %arg1[%dma_wait3A_489] : memref<16001024xf32, #tpu.memory_space<any>> -> memref<999936xf32, #tpu.memory_space<any>>
    %dma_wait3A_491 = arith.constant 0 : i32
    %dma_wait3A_492 = tpu.memref_slice %arg3[%dma_wait3A_488, %dma_wait3A_491] : memref<8x1000000xf32, #tpu.memory_space<vmem>> -> memref<1x999936xf32, #tpu.memory_space<vmem>>
    %dma_wait3A_493 = tpu.memref_squeeze %dma_wait3A_492 : memref<1x999936xf32, #tpu.memory_space<vmem>> -> memref<999936xf32, #tpu.memory_space<vmem>>
    tpu.wait_dma2 semaphore(%arg7 : memref<!tpu.dma_semaphore, #tpu.memory_space<semaphore_mem>>) src(%dma_wait3A_493 : memref<999936xf32, #tpu.memory_space<vmem>>) dst(%dma_wait3A_490 : memref<999936xf32, #tpu.memory_space<any>>)
    %dma_wait3A_494 = arith.constant 4 : i32
    %dma_wait3A_495 = arith.constant 13000704 : i32
    %dma_wait3A_496 = tpu.memref_slice %arg1[%dma_wait3A_495] : memref<16001024xf32, #tpu.memory_space<any>> -> memref<128xf32, #tpu.memory_space<any>>
    %dma_wait3A_497 = arith.constant 0 : i32
    %dma_wait3A_498 = tpu.memref_slice %arg5[%dma_wait3A_494, %dma_wait3A_497] : memref<8x128xf32, #tpu.memory_space<vmem>> -> memref<1x128xf32, #tpu.memory_space<vmem>>
    %dma_wait3A_499 = tpu.memref_squeeze %dma_wait3A_498 : memref<1x128xf32, #tpu.memory_space<vmem>> -> memref<128xf32, #tpu.memory_space<vmem>>
    tpu.wait_dma2 semaphore(%arg8 : memref<!tpu.dma_semaphore, #tpu.memory_space<semaphore_mem>>) src(%dma_wait3A_499 : memref<128xf32, #tpu.memory_space<vmem>>) dst(%dma_wait3A_496 : memref<128xf32, #tpu.memory_space<any>>)
    %dma_wait3A_500 = arith.constant 5 : i32
    %dma_wait3A_501 = arith.constant 13000832 : i32
    %dma_wait3A_502 = tpu.memref_slice %arg1[%dma_wait3A_501] : memref<16001024xf32, #tpu.memory_space<any>> -> memref<999936xf32, #tpu.memory_space<any>>
    %dma_wait3A_503 = arith.constant 0 : i32
    %dma_wait3A_504 = tpu.memref_slice %arg3[%dma_wait3A_500, %dma_wait3A_503] : memref<8x1000000xf32, #tpu.memory_space<vmem>> -> memref<1x999936xf32, #tpu.memory_space<vmem>>
    %dma_wait3A_505 = tpu.memref_squeeze %dma_wait3A_504 : memref<1x999936xf32, #tpu.memory_space<vmem>> -> memref<999936xf32, #tpu.memory_space<vmem>>
    tpu.wait_dma2 semaphore(%arg7 : memref<!tpu.dma_semaphore, #tpu.memory_space<semaphore_mem>>) src(%dma_wait3A_505 : memref<999936xf32, #tpu.memory_space<vmem>>) dst(%dma_wait3A_502 : memref<999936xf32, #tpu.memory_space<any>>)
    %dma_wait3A_506 = arith.constant 5 : i32
    %dma_wait3A_507 = arith.constant 14000768 : i32
    %dma_wait3A_508 = tpu.memref_slice %arg1[%dma_wait3A_507] : memref<16001024xf32, #tpu.memory_space<any>> -> memref<128xf32, #tpu.memory_space<any>>
    %dma_wait3A_509 = arith.constant 0 : i32
    %dma_wait3A_510 = tpu.memref_slice %arg5[%dma_wait3A_506, %dma_wait3A_509] : memref<8x128xf32, #tpu.memory_space<vmem>> -> memref<1x128xf32, #tpu.memory_space<vmem>>
    %dma_wait3A_511 = tpu.memref_squeeze %dma_wait3A_510 : memref<1x128xf32, #tpu.memory_space<vmem>> -> memref<128xf32, #tpu.memory_space<vmem>>
    tpu.wait_dma2 semaphore(%arg8 : memref<!tpu.dma_semaphore, #tpu.memory_space<semaphore_mem>>) src(%dma_wait3A_511 : memref<128xf32, #tpu.memory_space<vmem>>) dst(%dma_wait3A_508 : memref<128xf32, #tpu.memory_space<any>>)
    %dma_wait3A_512 = arith.constant 6 : i32
    %dma_wait3A_513 = arith.constant 14000896 : i32
    %dma_wait3A_514 = tpu.memref_slice %arg1[%dma_wait3A_513] : memref<16001024xf32, #tpu.memory_space<any>> -> memref<999936xf32, #tpu.memory_space<any>>
    %dma_wait3A_515 = arith.constant 0 : i32
    %dma_wait3A_516 = tpu.memref_slice %arg3[%dma_wait3A_512, %dma_wait3A_515] : memref<8x1000000xf32, #tpu.memory_space<vmem>> -> memref<1x999936xf32, #tpu.memory_space<vmem>>
    %dma_wait3A_517 = tpu.memref_squeeze %dma_wait3A_516 : memref<1x999936xf32, #tpu.memory_space<vmem>> -> memref<999936xf32, #tpu.memory_space<vmem>>
    tpu.wait_dma2 semaphore(%arg7 : memref<!tpu.dma_semaphore, #tpu.memory_space<semaphore_mem>>) src(%dma_wait3A_517 : memref<999936xf32, #tpu.memory_space<vmem>>) dst(%dma_wait3A_514 : memref<999936xf32, #tpu.memory_space<any>>)
    %dma_wait3A_518 = arith.constant 6 : i32
    %dma_wait3A_519 = arith.constant 15000832 : i32
    %dma_wait3A_520 = tpu.memref_slice %arg1[%dma_wait3A_519] : memref<16001024xf32, #tpu.memory_space<any>> -> memref<128xf32, #tpu.memory_space<any>>
    %dma_wait3A_521 = arith.constant 0 : i32
    %dma_wait3A_522 = tpu.memref_slice %arg5[%dma_wait3A_518, %dma_wait3A_521] : memref<8x128xf32, #tpu.memory_space<vmem>> -> memref<1x128xf32, #tpu.memory_space<vmem>>
    %dma_wait3A_523 = tpu.memref_squeeze %dma_wait3A_522 : memref<1x128xf32, #tpu.memory_space<vmem>> -> memref<128xf32, #tpu.memory_space<vmem>>
    tpu.wait_dma2 semaphore(%arg8 : memref<!tpu.dma_semaphore, #tpu.memory_space<semaphore_mem>>) src(%dma_wait3A_523 : memref<128xf32, #tpu.memory_space<vmem>>) dst(%dma_wait3A_520 : memref<128xf32, #tpu.memory_space<any>>)
    %dma_wait3A_524 = arith.constant 7 : i32
    %dma_wait3A_525 = arith.constant 15000960 : i32
    %dma_wait3A_526 = tpu.memref_slice %arg1[%dma_wait3A_525] : memref<16001024xf32, #tpu.memory_space<any>> -> memref<999936xf32, #tpu.memory_space<any>>
    %dma_wait3A_527 = arith.constant 0 : i32
    %dma_wait3A_528 = tpu.memref_slice %arg3[%dma_wait3A_524, %dma_wait3A_527] : memref<8x1000000xf32, #tpu.memory_space<vmem>> -> memref<1x999936xf32, #tpu.memory_space<vmem>>
    %dma_wait3A_529 = tpu.memref_squeeze %dma_wait3A_528 : memref<1x999936xf32, #tpu.memory_space<vmem>> -> memref<999936xf32, #tpu.memory_space<vmem>>
    tpu.wait_dma2 semaphore(%arg7 : memref<!tpu.dma_semaphore, #tpu.memory_space<semaphore_mem>>) src(%dma_wait3A_529 : memref<999936xf32, #tpu.memory_space<vmem>>) dst(%dma_wait3A_526 : memref<999936xf32, #tpu.memory_space<any>>)
    %dma_wait3A_530 = arith.constant 7 : i32
    %dma_wait3A_531 = arith.constant 16000896 : i32
    %dma_wait3A_532 = tpu.memref_slice %arg1[%dma_wait3A_531] : memref<16001024xf32, #tpu.memory_space<any>> -> memref<128xf32, #tpu.memory_space<any>>
    %dma_wait3A_533 = arith.constant 0 : i32
    %dma_wait3A_534 = tpu.memref_slice %arg5[%dma_wait3A_530, %dma_wait3A_533] : memref<8x128xf32, #tpu.memory_space<vmem>> -> memref<1x128xf32, #tpu.memory_space<vmem>>
    %dma_wait3A_535 = tpu.memref_squeeze %dma_wait3A_534 : memref<1x128xf32, #tpu.memory_space<vmem>> -> memref<128xf32, #tpu.memory_space<vmem>>
    tpu.wait_dma2 semaphore(%arg8 : memref<!tpu.dma_semaphore, #tpu.memory_space<semaphore_mem>>) src(%dma_wait3A_535 : memref<128xf32, #tpu.memory_space<vmem>>) dst(%dma_wait3A_532 : memref<128xf32, #tpu.memory_space<any>>)
    return
  }
}

module attributes {stable_mosaic.version = 14 : i64} {
  func.func @_detile_body(%arg0: memref<26x1000000xf32, #tpu.memory_space<any>>, %arg1: memref<10000640xf32, #tpu.memory_space<any>>, %arg2: memref<8x1000000xf32, #tpu.memory_space<vmem>>, %arg3: memref<8x1000000xf32, #tpu.memory_space<vmem>>, %arg4: memref<8x128xf32, #tpu.memory_space<vmem>>, %arg5: memref<8x128xf32, #tpu.memory_space<vmem>>, %arg6: memref<!tpu.dma_semaphore, #tpu.memory_space<semaphore_mem>>, %arg7: memref<!tpu.dma_semaphore, #tpu.memory_space<semaphore_mem>>, %arg8: memref<!tpu.dma_semaphore, #tpu.memory_space<semaphore_mem>>) attributes {dimension_semantics = [], scalar_prefetch = 0 : i64, scratch_operands = 7 : i64, tpu.core_type = #tpu.core_type<tc>} {
    %dma_start3A = arith.constant 16 : i32
    %dma_start3A_0 = arith.constant 0 : i32
    %dma_start3A_1 = tpu.memref_slice %arg0[%dma_start3A, %dma_start3A_0] : memref<26x1000000xf32, #tpu.memory_space<any>> -> memref<8x1000000xf32, #tpu.memory_space<any>>
    tpu.enqueue_dma source(%dma_start3A_1 : memref<8x1000000xf32, #tpu.memory_space<any>>) target(%arg2 : memref<8x1000000xf32, #tpu.memory_space<vmem>>) target_semaphore(%arg6 : memref<!tpu.dma_semaphore, #tpu.memory_space<semaphore_mem>>)
    %dma_start3A_2 = arith.constant 24 : i32
    %dma_start3A_3 = arith.constant 0 : i32
    %dma_start3A_4 = arith.constant 0 : i32
    %dma_start3A_5 = tpu.memref_slice %arg3[%dma_start3A_3, %dma_start3A_4] : memref<8x1000000xf32, #tpu.memory_space<vmem>> -> memref<1x1000000xf32, #tpu.memory_space<vmem>>
    %dma_start3A_6 = tpu.memref_squeeze %dma_start3A_5 : memref<1x1000000xf32, #tpu.memory_space<vmem>> -> memref<1000000xf32, #tpu.memory_space<vmem>>
    %dma_start3A_7 = arith.constant 0 : i32
    %dma_start3A_8 = tpu.memref_slice %arg0[%dma_start3A_2, %dma_start3A_7] : memref<26x1000000xf32, #tpu.memory_space<any>> -> memref<1x1000000xf32, #tpu.memory_space<any>>
    %dma_start3A_9 = tpu.memref_squeeze %dma_start3A_8 : memref<1x1000000xf32, #tpu.memory_space<any>> -> memref<1000000xf32, #tpu.memory_space<any>>
    tpu.enqueue_dma source(%dma_start3A_9 : memref<1000000xf32, #tpu.memory_space<any>>) target(%dma_start3A_6 : memref<1000000xf32, #tpu.memory_space<vmem>>) target_semaphore(%arg6 : memref<!tpu.dma_semaphore, #tpu.memory_space<semaphore_mem>>)
    %dma_start3A_10 = arith.constant 25 : i32
    %dma_start3A_11 = arith.constant 1 : i32
    %dma_start3A_12 = arith.constant 0 : i32
    %dma_start3A_13 = tpu.memref_slice %arg3[%dma_start3A_11, %dma_start3A_12] : memref<8x1000000xf32, #tpu.memory_space<vmem>> -> memref<1x1000000xf32, #tpu.memory_space<vmem>>
    %dma_start3A_14 = tpu.memref_squeeze %dma_start3A_13 : memref<1x1000000xf32, #tpu.memory_space<vmem>> -> memref<1000000xf32, #tpu.memory_space<vmem>>
    %dma_start3A_15 = arith.constant 0 : i32
    %dma_start3A_16 = tpu.memref_slice %arg0[%dma_start3A_10, %dma_start3A_15] : memref<26x1000000xf32, #tpu.memory_space<any>> -> memref<1x1000000xf32, #tpu.memory_space<any>>
    %dma_start3A_17 = tpu.memref_squeeze %dma_start3A_16 : memref<1x1000000xf32, #tpu.memory_space<any>> -> memref<1000000xf32, #tpu.memory_space<any>>
    tpu.enqueue_dma source(%dma_start3A_17 : memref<1000000xf32, #tpu.memory_space<any>>) target(%dma_start3A_14 : memref<1000000xf32, #tpu.memory_space<vmem>>) target_semaphore(%arg6 : memref<!tpu.dma_semaphore, #tpu.memory_space<semaphore_mem>>)
    %dma_wait3A = arith.constant 16 : i32
    %dma_wait3A_18 = arith.constant 0 : i32
    %dma_wait3A_19 = tpu.memref_slice %arg0[%dma_wait3A, %dma_wait3A_18] : memref<26x1000000xf32, #tpu.memory_space<any>> -> memref<8x1000000xf32, #tpu.memory_space<any>>
    tpu.wait_dma2 semaphore(%arg6 : memref<!tpu.dma_semaphore, #tpu.memory_space<semaphore_mem>>) src(%dma_wait3A_19 : memref<8x1000000xf32, #tpu.memory_space<any>>) dst(%arg2 : memref<8x1000000xf32, #tpu.memory_space<vmem>>)
    %get3A = arith.constant 0 : index
    %get3A_20 = arith.constant 999936 : index
    %get3A_21 = vector.load %arg2[%get3A, %get3A_20] : memref<8x1000000xf32, #tpu.memory_space<vmem>>, vector<1x64xf32>
    %get3A_22 = vector.shape_cast %get3A_21 : vector<1x64xf32> to vector<64xf32>
    %swap3A = arith.constant 0 : index
    %swap3A_23 = arith.constant 0 : index
    %swap3A_24 = vector.load %arg4[%swap3A, %swap3A_23] : memref<8x128xf32, #tpu.memory_space<vmem>>, vector<1x64xf32>
    %swap3A_25 = vector.shape_cast %swap3A_24 : vector<1x64xf32> to vector<64xf32>
    %swap3A_26 = vector.shape_cast %get3A_22 : vector<64xf32> to vector<1x64xf32>
    tpu.vector_store %arg4[%swap3A, %swap3A_23], %swap3A_26 {strides = array<i32>} : memref<8x128xf32, #tpu.memory_space<vmem>>, vector<1x64xf32>,
    %get3A_27 = arith.constant 1 : index
    %get3A_28 = arith.constant 999936 : index
    %get3A_29 = vector.load %arg2[%get3A_27, %get3A_28] : memref<8x1000000xf32, #tpu.memory_space<vmem>>, vector<1x64xf32>
    %get3A_30 = vector.shape_cast %get3A_29 : vector<1x64xf32> to vector<64xf32>
    %swap3A_31 = arith.constant 1 : index
    %swap3A_32 = arith.constant 0 : index
    %swap3A_33 = vector.load %arg4[%swap3A_31, %swap3A_32] : memref<8x128xf32, #tpu.memory_space<vmem>>, vector<1x64xf32>
    %swap3A_34 = vector.shape_cast %swap3A_33 : vector<1x64xf32> to vector<64xf32>
    %swap3A_35 = vector.shape_cast %get3A_30 : vector<64xf32> to vector<1x64xf32>
    tpu.vector_store %arg4[%swap3A_31, %swap3A_32], %swap3A_35 {strides = array<i32>} : memref<8x128xf32, #tpu.memory_space<vmem>>, vector<1x64xf32>,
    %get3A_36 = arith.constant 2 : index
    %get3A_37 = arith.constant 999936 : index
    %get3A_38 = vector.load %arg2[%get3A_36, %get3A_37] : memref<8x1000000xf32, #tpu.memory_space<vmem>>, vector<1x64xf32>
    %get3A_39 = vector.shape_cast %get3A_38 : vector<1x64xf32> to vector<64xf32>
    %swap3A_40 = arith.constant 2 : index
    %swap3A_41 = arith.constant 0 : index
    %swap3A_42 = vector.load %arg4[%swap3A_40, %swap3A_41] : memref<8x128xf32, #tpu.memory_space<vmem>>, vector<1x64xf32>
    %swap3A_43 = vector.shape_cast %swap3A_42 : vector<1x64xf32> to vector<64xf32>
    %swap3A_44 = vector.shape_cast %get3A_39 : vector<64xf32> to vector<1x64xf32>
    tpu.vector_store %arg4[%swap3A_40, %swap3A_41], %swap3A_44 {strides = array<i32>} : memref<8x128xf32, #tpu.memory_space<vmem>>, vector<1x64xf32>,
    %get3A_45 = arith.constant 3 : index
    %get3A_46 = arith.constant 999936 : index
    %get3A_47 = vector.load %arg2[%get3A_45, %get3A_46] : memref<8x1000000xf32, #tpu.memory_space<vmem>>, vector<1x64xf32>
    %get3A_48 = vector.shape_cast %get3A_47 : vector<1x64xf32> to vector<64xf32>
    %swap3A_49 = arith.constant 3 : index
    %swap3A_50 = arith.constant 0 : index
    %swap3A_51 = vector.load %arg4[%swap3A_49, %swap3A_50] : memref<8x128xf32, #tpu.memory_space<vmem>>, vector<1x64xf32>
    %swap3A_52 = vector.shape_cast %swap3A_51 : vector<1x64xf32> to vector<64xf32>
    %swap3A_53 = vector.shape_cast %get3A_48 : vector<64xf32> to vector<1x64xf32>
    tpu.vector_store %arg4[%swap3A_49, %swap3A_50], %swap3A_53 {strides = array<i32>} : memref<8x128xf32, #tpu.memory_space<vmem>>, vector<1x64xf32>,
    %get3A_54 = arith.constant 4 : index
    %get3A_55 = arith.constant 999936 : index
    %get3A_56 = vector.load %arg2[%get3A_54, %get3A_55] : memref<8x1000000xf32, #tpu.memory_space<vmem>>, vector<1x64xf32>
    %get3A_57 = vector.shape_cast %get3A_56 : vector<1x64xf32> to vector<64xf32>
    %swap3A_58 = arith.constant 4 : index
    %swap3A_59 = arith.constant 0 : index
    %swap3A_60 = vector.load %arg4[%swap3A_58, %swap3A_59] : memref<8x128xf32, #tpu.memory_space<vmem>>, vector<1x64xf32>
    %swap3A_61 = vector.shape_cast %swap3A_60 : vector<1x64xf32> to vector<64xf32>
    %swap3A_62 = vector.shape_cast %get3A_57 : vector<64xf32> to vector<1x64xf32>
    tpu.vector_store %arg4[%swap3A_58, %swap3A_59], %swap3A_62 {strides = array<i32>} : memref<8x128xf32, #tpu.memory_space<vmem>>, vector<1x64xf32>,
    %get3A_63 = arith.constant 5 : index
    %get3A_64 = arith.constant 999936 : index
    %get3A_65 = vector.load %arg2[%get3A_63, %get3A_64] : memref<8x1000000xf32, #tpu.memory_space<vmem>>, vector<1x64xf32>
    %get3A_66 = vector.shape_cast %get3A_65 : vector<1x64xf32> to vector<64xf32>
    %swap3A_67 = arith.constant 5 : index
    %swap3A_68 = arith.constant 0 : index
    %swap3A_69 = vector.load %arg4[%swap3A_67, %swap3A_68] : memref<8x128xf32, #tpu.memory_space<vmem>>, vector<1x64xf32>
    %swap3A_70 = vector.shape_cast %swap3A_69 : vector<1x64xf32> to vector<64xf32>
    %swap3A_71 = vector.shape_cast %get3A_66 : vector<64xf32> to vector<1x64xf32>
    tpu.vector_store %arg4[%swap3A_67, %swap3A_68], %swap3A_71 {strides = array<i32>} : memref<8x128xf32, #tpu.memory_space<vmem>>, vector<1x64xf32>,
    %get3A_72 = arith.constant 6 : index
    %get3A_73 = arith.constant 999936 : index
    %get3A_74 = vector.load %arg2[%get3A_72, %get3A_73] : memref<8x1000000xf32, #tpu.memory_space<vmem>>, vector<1x64xf32>
    %get3A_75 = vector.shape_cast %get3A_74 : vector<1x64xf32> to vector<64xf32>
    %swap3A_76 = arith.constant 6 : index
    %swap3A_77 = arith.constant 0 : index
    %swap3A_78 = vector.load %arg4[%swap3A_76, %swap3A_77] : memref<8x128xf32, #tpu.memory_space<vmem>>, vector<1x64xf32>
    %swap3A_79 = vector.shape_cast %swap3A_78 : vector<1x64xf32> to vector<64xf32>
    %swap3A_80 = vector.shape_cast %get3A_75 : vector<64xf32> to vector<1x64xf32>
    tpu.vector_store %arg4[%swap3A_76, %swap3A_77], %swap3A_80 {strides = array<i32>} : memref<8x128xf32, #tpu.memory_space<vmem>>, vector<1x64xf32>,
    %get3A_81 = arith.constant 7 : index
    %get3A_82 = arith.constant 999936 : index
    %get3A_83 = vector.load %arg2[%get3A_81, %get3A_82] : memref<8x1000000xf32, #tpu.memory_space<vmem>>, vector<1x64xf32>
    %get3A_84 = vector.shape_cast %get3A_83 : vector<1x64xf32> to vector<64xf32>
    %swap3A_85 = arith.constant 7 : index
    %swap3A_86 = arith.constant 0 : index
    %swap3A_87 = vector.load %arg4[%swap3A_85, %swap3A_86] : memref<8x128xf32, #tpu.memory_space<vmem>>, vector<1x64xf32>
    %swap3A_88 = vector.shape_cast %swap3A_87 : vector<1x64xf32> to vector<64xf32>
    %swap3A_89 = vector.shape_cast %get3A_84 : vector<64xf32> to vector<1x64xf32>
    tpu.vector_store %arg4[%swap3A_85, %swap3A_86], %swap3A_89 {strides = array<i32>} : memref<8x128xf32, #tpu.memory_space<vmem>>, vector<1x64xf32>,
    %dma_start3A_90 = arith.constant 0 : i32
    %dma_start3A_91 = arith.constant 0 : i32
    %dma_start3A_92 = tpu.memref_slice %arg1[%dma_start3A_91] : memref<10000640xf32, #tpu.memory_space<any>> -> memref<999936xf32, #tpu.memory_space<any>>
    %dma_start3A_93 = arith.constant 0 : i32
    %dma_start3A_94 = tpu.memref_slice %arg2[%dma_start3A_90, %dma_start3A_93] : memref<8x1000000xf32, #tpu.memory_space<vmem>> -> memref<1x999936xf32, #tpu.memory_space<vmem>>
    %dma_start3A_95 = tpu.memref_squeeze %dma_start3A_94 : memref<1x999936xf32, #tpu.memory_space<vmem>> -> memref<999936xf32, #tpu.memory_space<vmem>>
    tpu.enqueue_dma source(%dma_start3A_95 : memref<999936xf32, #tpu.memory_space<vmem>>) target(%dma_start3A_92 : memref<999936xf32, #tpu.memory_space<any>>) target_semaphore(%arg7 : memref<!tpu.dma_semaphore, #tpu.memory_space<semaphore_mem>>)
    %dma_start3A_96 = arith.constant 0 : i32
    %dma_start3A_97 = arith.constant 999936 : i32
    %dma_start3A_98 = tpu.memref_slice %arg1[%dma_start3A_97] : memref<10000640xf32, #tpu.memory_space<any>> -> memref<128xf32, #tpu.memory_space<any>>
    %dma_start3A_99 = arith.constant 0 : i32
    %dma_start3A_100 = tpu.memref_slice %arg4[%dma_start3A_96, %dma_start3A_99] : memref<8x128xf32, #tpu.memory_space<vmem>> -> memref<1x128xf32, #tpu.memory_space<vmem>>
    %dma_start3A_101 = tpu.memref_squeeze %dma_start3A_100 : memref<1x128xf32, #tpu.memory_space<vmem>> -> memref<128xf32, #tpu.memory_space<vmem>>
    tpu.enqueue_dma source(%dma_start3A_101 : memref<128xf32, #tpu.memory_space<vmem>>) target(%dma_start3A_98 : memref<128xf32, #tpu.memory_space<any>>) target_semaphore(%arg8 : memref<!tpu.dma_semaphore, #tpu.memory_space<semaphore_mem>>)
    %dma_start3A_102 = arith.constant 1 : i32
    %dma_start3A_103 = arith.constant 1000064 : i32
    %dma_start3A_104 = tpu.memref_slice %arg1[%dma_start3A_103] : memref<10000640xf32, #tpu.memory_space<any>> -> memref<999936xf32, #tpu.memory_space<any>>
    %dma_start3A_105 = arith.constant 0 : i32
    %dma_start3A_106 = tpu.memref_slice %arg2[%dma_start3A_102, %dma_start3A_105] : memref<8x1000000xf32, #tpu.memory_space<vmem>> -> memref<1x999936xf32, #tpu.memory_space<vmem>>
    %dma_start3A_107 = tpu.memref_squeeze %dma_start3A_106 : memref<1x999936xf32, #tpu.memory_space<vmem>> -> memref<999936xf32, #tpu.memory_space<vmem>>
    tpu.enqueue_dma source(%dma_start3A_107 : memref<999936xf32, #tpu.memory_space<vmem>>) target(%dma_start3A_104 : memref<999936xf32, #tpu.memory_space<any>>) target_semaphore(%arg7 : memref<!tpu.dma_semaphore, #tpu.memory_space<semaphore_mem>>)
    %dma_start3A_108 = arith.constant 1 : i32
    %dma_start3A_109 = arith.constant 2000000 : i32
    %dma_start3A_110 = tpu.memref_slice %arg1[%dma_start3A_109] : memref<10000640xf32, #tpu.memory_space<any>> -> memref<128xf32, #tpu.memory_space<any>>
    %dma_start3A_111 = arith.constant 0 : i32
    %dma_start3A_112 = tpu.memref_slice %arg4[%dma_start3A_108, %dma_start3A_111] : memref<8x128xf32, #tpu.memory_space<vmem>> -> memref<1x128xf32, #tpu.memory_space<vmem>>
    %dma_start3A_113 = tpu.memref_squeeze %dma_start3A_112 : memref<1x128xf32, #tpu.memory_space<vmem>> -> memref<128xf32, #tpu.memory_space<vmem>>
    tpu.enqueue_dma source(%dma_start3A_113 : memref<128xf32, #tpu.memory_space<vmem>>) target(%dma_start3A_110 : memref<128xf32, #tpu.memory_space<any>>) target_semaphore(%arg8 : memref<!tpu.dma_semaphore, #tpu.memory_space<semaphore_mem>>)
    %dma_start3A_114 = arith.constant 2 : i32
    %dma_start3A_115 = arith.constant 2000128 : i32
    %dma_start3A_116 = tpu.memref_slice %arg1[%dma_start3A_115] : memref<10000640xf32, #tpu.memory_space<any>> -> memref<999936xf32, #tpu.memory_space<any>>
    %dma_start3A_117 = arith.constant 0 : i32
    %dma_start3A_118 = tpu.memref_slice %arg2[%dma_start3A_114, %dma_start3A_117] : memref<8x1000000xf32, #tpu.memory_space<vmem>> -> memref<1x999936xf32, #tpu.memory_space<vmem>>
    %dma_start3A_119 = tpu.memref_squeeze %dma_start3A_118 : memref<1x999936xf32, #tpu.memory_space<vmem>> -> memref<999936xf32, #tpu.memory_space<vmem>>
    tpu.enqueue_dma source(%dma_start3A_119 : memref<999936xf32, #tpu.memory_space<vmem>>) target(%dma_start3A_116 : memref<999936xf32, #tpu.memory_space<any>>) target_semaphore(%arg7 : memref<!tpu.dma_semaphore, #tpu.memory_space<semaphore_mem>>)
    %dma_start3A_120 = arith.constant 2 : i32
    %dma_start3A_121 = arith.constant 3000064 : i32
    %dma_start3A_122 = tpu.memref_slice %arg1[%dma_start3A_121] : memref<10000640xf32, #tpu.memory_space<any>> -> memref<128xf32, #tpu.memory_space<any>>
    %dma_start3A_123 = arith.constant 0 : i32
    %dma_start3A_124 = tpu.memref_slice %arg4[%dma_start3A_120, %dma_start3A_123] : memref<8x128xf32, #tpu.memory_space<vmem>> -> memref<1x128xf32, #tpu.memory_space<vmem>>
    %dma_start3A_125 = tpu.memref_squeeze %dma_start3A_124 : memref<1x128xf32, #tpu.memory_space<vmem>> -> memref<128xf32, #tpu.memory_space<vmem>>
    tpu.enqueue_dma source(%dma_start3A_125 : memref<128xf32, #tpu.memory_space<vmem>>) target(%dma_start3A_122 : memref<128xf32, #tpu.memory_space<any>>) target_semaphore(%arg8 : memref<!tpu.dma_semaphore, #tpu.memory_space<semaphore_mem>>)
    %dma_start3A_126 = arith.constant 3 : i32
    %dma_start3A_127 = arith.constant 3000192 : i32
    %dma_start3A_128 = tpu.memref_slice %arg1[%dma_start3A_127] : memref<10000640xf32, #tpu.memory_space<any>> -> memref<999936xf32, #tpu.memory_space<any>>
    %dma_start3A_129 = arith.constant 0 : i32
    %dma_start3A_130 = tpu.memref_slice %arg2[%dma_start3A_126, %dma_start3A_129] : memref<8x1000000xf32, #tpu.memory_space<vmem>> -> memref<1x999936xf32, #tpu.memory_space<vmem>>
    %dma_start3A_131 = tpu.memref_squeeze %dma_start3A_130 : memref<1x999936xf32, #tpu.memory_space<vmem>> -> memref<999936xf32, #tpu.memory_space<vmem>>
    tpu.enqueue_dma source(%dma_start3A_131 : memref<999936xf32, #tpu.memory_space<vmem>>) target(%dma_start3A_128 : memref<999936xf32, #tpu.memory_space<any>>) target_semaphore(%arg7 : memref<!tpu.dma_semaphore, #tpu.memory_space<semaphore_mem>>)
    %dma_start3A_132 = arith.constant 3 : i32
    %dma_start3A_133 = arith.constant 4000128 : i32
    %dma_start3A_134 = tpu.memref_slice %arg1[%dma_start3A_133] : memref<10000640xf32, #tpu.memory_space<any>> -> memref<128xf32, #tpu.memory_space<any>>
    %dma_start3A_135 = arith.constant 0 : i32
    %dma_start3A_136 = tpu.memref_slice %arg4[%dma_start3A_132, %dma_start3A_135] : memref<8x128xf32, #tpu.memory_space<vmem>> -> memref<1x128xf32, #tpu.memory_space<vmem>>
    %dma_start3A_137 = tpu.memref_squeeze %dma_start3A_136 : memref<1x128xf32, #tpu.memory_space<vmem>> -> memref<128xf32, #tpu.memory_space<vmem>>
    tpu.enqueue_dma source(%dma_start3A_137 : memref<128xf32, #tpu.memory_space<vmem>>) target(%dma_start3A_134 : memref<128xf32, #tpu.memory_space<any>>) target_semaphore(%arg8 : memref<!tpu.dma_semaphore, #tpu.memory_space<semaphore_mem>>)
    %dma_start3A_138 = arith.constant 4 : i32
    %dma_start3A_139 = arith.constant 4000256 : i32
    %dma_start3A_140 = tpu.memref_slice %arg1[%dma_start3A_139] : memref<10000640xf32, #tpu.memory_space<any>> -> memref<999936xf32, #tpu.memory_space<any>>
    %dma_start3A_141 = arith.constant 0 : i32
    %dma_start3A_142 = tpu.memref_slice %arg2[%dma_start3A_138, %dma_start3A_141] : memref<8x1000000xf32, #tpu.memory_space<vmem>> -> memref<1x999936xf32, #tpu.memory_space<vmem>>
    %dma_start3A_143 = tpu.memref_squeeze %dma_start3A_142 : memref<1x999936xf32, #tpu.memory_space<vmem>> -> memref<999936xf32, #tpu.memory_space<vmem>>
    tpu.enqueue_dma source(%dma_start3A_143 : memref<999936xf32, #tpu.memory_space<vmem>>) target(%dma_start3A_140 : memref<999936xf32, #tpu.memory_space<any>>) target_semaphore(%arg7 : memref<!tpu.dma_semaphore, #tpu.memory_space<semaphore_mem>>)
    %dma_start3A_144 = arith.constant 4 : i32
    %dma_start3A_145 = arith.constant 5000192 : i32
    %dma_start3A_146 = tpu.memref_slice %arg1[%dma_start3A_145] : memref<10000640xf32, #tpu.memory_space<any>> -> memref<128xf32, #tpu.memory_space<any>>
    %dma_start3A_147 = arith.constant 0 : i32
    %dma_start3A_148 = tpu.memref_slice %arg4[%dma_start3A_144, %dma_start3A_147] : memref<8x128xf32, #tpu.memory_space<vmem>> -> memref<1x128xf32, #tpu.memory_space<vmem>>
    %dma_start3A_149 = tpu.memref_squeeze %dma_start3A_148 : memref<1x128xf32, #tpu.memory_space<vmem>> -> memref<128xf32, #tpu.memory_space<vmem>>
    tpu.enqueue_dma source(%dma_start3A_149 : memref<128xf32, #tpu.memory_space<vmem>>) target(%dma_start3A_146 : memref<128xf32, #tpu.memory_space<any>>) target_semaphore(%arg8 : memref<!tpu.dma_semaphore, #tpu.memory_space<semaphore_mem>>)
    %dma_start3A_150 = arith.constant 5 : i32
    %dma_start3A_151 = arith.constant 5000320 : i32
    %dma_start3A_152 = tpu.memref_slice %arg1[%dma_start3A_151] : memref<10000640xf32, #tpu.memory_space<any>> -> memref<999936xf32, #tpu.memory_space<any>>
    %dma_start3A_153 = arith.constant 0 : i32
    %dma_start3A_154 = tpu.memref_slice %arg2[%dma_start3A_150, %dma_start3A_153] : memref<8x1000000xf32, #tpu.memory_space<vmem>> -> memref<1x999936xf32, #tpu.memory_space<vmem>>
    %dma_start3A_155 = tpu.memref_squeeze %dma_start3A_154 : memref<1x999936xf32, #tpu.memory_space<vmem>> -> memref<999936xf32, #tpu.memory_space<vmem>>
    tpu.enqueue_dma source(%dma_start3A_155 : memref<999936xf32, #tpu.memory_space<vmem>>) target(%dma_start3A_152 : memref<999936xf32, #tpu.memory_space<any>>) target_semaphore(%arg7 : memref<!tpu.dma_semaphore, #tpu.memory_space<semaphore_mem>>)
    %dma_start3A_156 = arith.constant 5 : i32
    %dma_start3A_157 = arith.constant 6000256 : i32
    %dma_start3A_158 = tpu.memref_slice %arg1[%dma_start3A_157] : memref<10000640xf32, #tpu.memory_space<any>> -> memref<128xf32, #tpu.memory_space<any>>
    %dma_start3A_159 = arith.constant 0 : i32
    %dma_start3A_160 = tpu.memref_slice %arg4[%dma_start3A_156, %dma_start3A_159] : memref<8x128xf32, #tpu.memory_space<vmem>> -> memref<1x128xf32, #tpu.memory_space<vmem>>
    %dma_start3A_161 = tpu.memref_squeeze %dma_start3A_160 : memref<1x128xf32, #tpu.memory_space<vmem>> -> memref<128xf32, #tpu.memory_space<vmem>>
    tpu.enqueue_dma source(%dma_start3A_161 : memref<128xf32, #tpu.memory_space<vmem>>) target(%dma_start3A_158 : memref<128xf32, #tpu.memory_space<any>>) target_semaphore(%arg8 : memref<!tpu.dma_semaphore, #tpu.memory_space<semaphore_mem>>)
    %dma_start3A_162 = arith.constant 6 : i32
    %dma_start3A_163 = arith.constant 6000384 : i32
    %dma_start3A_164 = tpu.memref_slice %arg1[%dma_start3A_163] : memref<10000640xf32, #tpu.memory_space<any>> -> memref<999936xf32, #tpu.memory_space<any>>
    %dma_start3A_165 = arith.constant 0 : i32
    %dma_start3A_166 = tpu.memref_slice %arg2[%dma_start3A_162, %dma_start3A_165] : memref<8x1000000xf32, #tpu.memory_space<vmem>> -> memref<1x999936xf32, #tpu.memory_space<vmem>>
    %dma_start3A_167 = tpu.memref_squeeze %dma_start3A_166 : memref<1x999936xf32, #tpu.memory_space<vmem>> -> memref<999936xf32, #tpu.memory_space<vmem>>
    tpu.enqueue_dma source(%dma_start3A_167 : memref<999936xf32, #tpu.memory_space<vmem>>) target(%dma_start3A_164 : memref<999936xf32, #tpu.memory_space<any>>) target_semaphore(%arg7 : memref<!tpu.dma_semaphore, #tpu.memory_space<semaphore_mem>>)
    %dma_start3A_168 = arith.constant 6 : i32
    %dma_start3A_169 = arith.constant 7000320 : i32
    %dma_start3A_170 = tpu.memref_slice %arg1[%dma_start3A_169] : memref<10000640xf32, #tpu.memory_space<any>> -> memref<128xf32, #tpu.memory_space<any>>
    %dma_start3A_171 = arith.constant 0 : i32
    %dma_start3A_172 = tpu.memref_slice %arg4[%dma_start3A_168, %dma_start3A_171] : memref<8x128xf32, #tpu.memory_space<vmem>> -> memref<1x128xf32, #tpu.memory_space<vmem>>
    %dma_start3A_173 = tpu.memref_squeeze %dma_start3A_172 : memref<1x128xf32, #tpu.memory_space<vmem>> -> memref<128xf32, #tpu.memory_space<vmem>>
    tpu.enqueue_dma source(%dma_start3A_173 : memref<128xf32, #tpu.memory_space<vmem>>) target(%dma_start3A_170 : memref<128xf32, #tpu.memory_space<any>>) target_semaphore(%arg8 : memref<!tpu.dma_semaphore, #tpu.memory_space<semaphore_mem>>)
    %dma_start3A_174 = arith.constant 7 : i32
    %dma_start3A_175 = arith.constant 7000448 : i32
    %dma_start3A_176 = tpu.memref_slice %arg1[%dma_start3A_175] : memref<10000640xf32, #tpu.memory_space<any>> -> memref<999936xf32, #tpu.memory_space<any>>
    %dma_start3A_177 = arith.constant 0 : i32
    %dma_start3A_178 = tpu.memref_slice %arg2[%dma_start3A_174, %dma_start3A_177] : memref<8x1000000xf32, #tpu.memory_space<vmem>> -> memref<1x999936xf32, #tpu.memory_space<vmem>>
    %dma_start3A_179 = tpu.memref_squeeze %dma_start3A_178 : memref<1x999936xf32, #tpu.memory_space<vmem>> -> memref<999936xf32, #tpu.memory_space<vmem>>
    tpu.enqueue_dma source(%dma_start3A_179 : memref<999936xf32, #tpu.memory_space<vmem>>) target(%dma_start3A_176 : memref<999936xf32, #tpu.memory_space<any>>) target_semaphore(%arg7 : memref<!tpu.dma_semaphore, #tpu.memory_space<semaphore_mem>>)
    %dma_start3A_180 = arith.constant 7 : i32
    %dma_start3A_181 = arith.constant 8000384 : i32
    %dma_start3A_182 = tpu.memref_slice %arg1[%dma_start3A_181] : memref<10000640xf32, #tpu.memory_space<any>> -> memref<128xf32, #tpu.memory_space<any>>
    %dma_start3A_183 = arith.constant 0 : i32
    %dma_start3A_184 = tpu.memref_slice %arg4[%dma_start3A_180, %dma_start3A_183] : memref<8x128xf32, #tpu.memory_space<vmem>> -> memref<1x128xf32, #tpu.memory_space<vmem>>
    %dma_start3A_185 = tpu.memref_squeeze %dma_start3A_184 : memref<1x128xf32, #tpu.memory_space<vmem>> -> memref<128xf32, #tpu.memory_space<vmem>>
    tpu.enqueue_dma source(%dma_start3A_185 : memref<128xf32, #tpu.memory_space<vmem>>) target(%dma_start3A_182 : memref<128xf32, #tpu.memory_space<any>>) target_semaphore(%arg8 : memref<!tpu.dma_semaphore, #tpu.memory_space<semaphore_mem>>)
    %dma_wait3A_186 = arith.constant 24 : i32
    %dma_wait3A_187 = arith.constant 0 : i32
    %dma_wait3A_188 = arith.constant 0 : i32
    %dma_wait3A_189 = tpu.memref_slice %arg3[%dma_wait3A_187, %dma_wait3A_188] : memref<8x1000000xf32, #tpu.memory_space<vmem>> -> memref<1x1000000xf32, #tpu.memory_space<vmem>>
    %dma_wait3A_190 = tpu.memref_squeeze %dma_wait3A_189 : memref<1x1000000xf32, #tpu.memory_space<vmem>> -> memref<1000000xf32, #tpu.memory_space<vmem>>
    %dma_wait3A_191 = arith.constant 0 : i32
    %dma_wait3A_192 = tpu.memref_slice %arg0[%dma_wait3A_186, %dma_wait3A_191] : memref<26x1000000xf32, #tpu.memory_space<any>> -> memref<1x1000000xf32, #tpu.memory_space<any>>
    %dma_wait3A_193 = tpu.memref_squeeze %dma_wait3A_192 : memref<1x1000000xf32, #tpu.memory_space<any>> -> memref<1000000xf32, #tpu.memory_space<any>>
    tpu.wait_dma2 semaphore(%arg6 : memref<!tpu.dma_semaphore, #tpu.memory_space<semaphore_mem>>) src(%dma_wait3A_193 : memref<1000000xf32, #tpu.memory_space<any>>) dst(%dma_wait3A_190 : memref<1000000xf32, #tpu.memory_space<vmem>>)
    %dma_wait3A_194 = arith.constant 25 : i32
    %dma_wait3A_195 = arith.constant 1 : i32
    %dma_wait3A_196 = arith.constant 0 : i32
    %dma_wait3A_197 = tpu.memref_slice %arg3[%dma_wait3A_195, %dma_wait3A_196] : memref<8x1000000xf32, #tpu.memory_space<vmem>> -> memref<1x1000000xf32, #tpu.memory_space<vmem>>
    %dma_wait3A_198 = tpu.memref_squeeze %dma_wait3A_197 : memref<1x1000000xf32, #tpu.memory_space<vmem>> -> memref<1000000xf32, #tpu.memory_space<vmem>>
    %dma_wait3A_199 = arith.constant 0 : i32
    %dma_wait3A_200 = tpu.memref_slice %arg0[%dma_wait3A_194, %dma_wait3A_199] : memref<26x1000000xf32, #tpu.memory_space<any>> -> memref<1x1000000xf32, #tpu.memory_space<any>>
    %dma_wait3A_201 = tpu.memref_squeeze %dma_wait3A_200 : memref<1x1000000xf32, #tpu.memory_space<any>> -> memref<1000000xf32, #tpu.memory_space<any>>
    tpu.wait_dma2 semaphore(%arg6 : memref<!tpu.dma_semaphore, #tpu.memory_space<semaphore_mem>>) src(%dma_wait3A_201 : memref<1000000xf32, #tpu.memory_space<any>>) dst(%dma_wait3A_198 : memref<1000000xf32, #tpu.memory_space<vmem>>)
    %get3A_202 = arith.constant 0 : index
    %get3A_203 = arith.constant 999936 : index
    %get3A_204 = vector.load %arg3[%get3A_202, %get3A_203] : memref<8x1000000xf32, #tpu.memory_space<vmem>>, vector<1x64xf32>
    %get3A_205 = vector.shape_cast %get3A_204 : vector<1x64xf32> to vector<64xf32>
    %swap3A_206 = arith.constant 0 : index
    %swap3A_207 = arith.constant 0 : index
    %swap3A_208 = vector.load %arg5[%swap3A_206, %swap3A_207] : memref<8x128xf32, #tpu.memory_space<vmem>>, vector<1x64xf32>
    %swap3A_209 = vector.shape_cast %swap3A_208 : vector<1x64xf32> to vector<64xf32>
    %swap3A_210 = vector.shape_cast %get3A_205 : vector<64xf32> to vector<1x64xf32>
    tpu.vector_store %arg5[%swap3A_206, %swap3A_207], %swap3A_210 {strides = array<i32>} : memref<8x128xf32, #tpu.memory_space<vmem>>, vector<1x64xf32>,
    %get3A_211 = arith.constant 1 : index
    %get3A_212 = arith.constant 999936 : index
    %get3A_213 = vector.load %arg3[%get3A_211, %get3A_212] : memref<8x1000000xf32, #tpu.memory_space<vmem>>, vector<1x64xf32>
    %get3A_214 = vector.shape_cast %get3A_213 : vector<1x64xf32> to vector<64xf32>
    %swap3A_215 = arith.constant 1 : index
    %swap3A_216 = arith.constant 0 : index
    %swap3A_217 = vector.load %arg5[%swap3A_215, %swap3A_216] : memref<8x128xf32, #tpu.memory_space<vmem>>, vector<1x64xf32>
    %swap3A_218 = vector.shape_cast %swap3A_217 : vector<1x64xf32> to vector<64xf32>
    %swap3A_219 = vector.shape_cast %get3A_214 : vector<64xf32> to vector<1x64xf32>
    tpu.vector_store %arg5[%swap3A_215, %swap3A_216], %swap3A_219 {strides = array<i32>} : memref<8x128xf32, #tpu.memory_space<vmem>>, vector<1x64xf32>,
    %dma_start3A_220 = arith.constant 0 : i32
    %dma_start3A_221 = arith.constant 8000512 : i32
    %dma_start3A_222 = tpu.memref_slice %arg1[%dma_start3A_221] : memref<10000640xf32, #tpu.memory_space<any>> -> memref<999936xf32, #tpu.memory_space<any>>
    %dma_start3A_223 = arith.constant 0 : i32
    %dma_start3A_224 = tpu.memref_slice %arg3[%dma_start3A_220, %dma_start3A_223] : memref<8x1000000xf32, #tpu.memory_space<vmem>> -> memref<1x999936xf32, #tpu.memory_space<vmem>>
    %dma_start3A_225 = tpu.memref_squeeze %dma_start3A_224 : memref<1x999936xf32, #tpu.memory_space<vmem>> -> memref<999936xf32, #tpu.memory_space<vmem>>
    tpu.enqueue_dma source(%dma_start3A_225 : memref<999936xf32, #tpu.memory_space<vmem>>) target(%dma_start3A_222 : memref<999936xf32, #tpu.memory_space<any>>) target_semaphore(%arg7 : memref<!tpu.dma_semaphore, #tpu.memory_space<semaphore_mem>>)
    %dma_start3A_226 = arith.constant 0 : i32
    %dma_start3A_227 = arith.constant 9000448 : i32
    %dma_start3A_228 = tpu.memref_slice %arg1[%dma_start3A_227] : memref<10000640xf32, #tpu.memory_space<any>> -> memref<128xf32, #tpu.memory_space<any>>
    %dma_start3A_229 = arith.constant 0 : i32
    %dma_start3A_230 = tpu.memref_slice %arg5[%dma_start3A_226, %dma_start3A_229] : memref<8x128xf32, #tpu.memory_space<vmem>> -> memref<1x128xf32, #tpu.memory_space<vmem>>
    %dma_start3A_231 = tpu.memref_squeeze %dma_start3A_230 : memref<1x128xf32, #tpu.memory_space<vmem>> -> memref<128xf32, #tpu.memory_space<vmem>>
    tpu.enqueue_dma source(%dma_start3A_231 : memref<128xf32, #tpu.memory_space<vmem>>) target(%dma_start3A_228 : memref<128xf32, #tpu.memory_space<any>>) target_semaphore(%arg8 : memref<!tpu.dma_semaphore, #tpu.memory_space<semaphore_mem>>)
    %dma_start3A_232 = arith.constant 1 : i32
    %dma_start3A_233 = arith.constant 9000576 : i32
    %dma_start3A_234 = tpu.memref_slice %arg1[%dma_start3A_233] : memref<10000640xf32, #tpu.memory_space<any>> -> memref<999936xf32, #tpu.memory_space<any>>
    %dma_start3A_235 = arith.constant 0 : i32
    %dma_start3A_236 = tpu.memref_slice %arg3[%dma_start3A_232, %dma_start3A_235] : memref<8x1000000xf32, #tpu.memory_space<vmem>> -> memref<1x999936xf32, #tpu.memory_space<vmem>>
    %dma_start3A_237 = tpu.memref_squeeze %dma_start3A_236 : memref<1x999936xf32, #tpu.memory_space<vmem>> -> memref<999936xf32, #tpu.memory_space<vmem>>
    tpu.enqueue_dma source(%dma_start3A_237 : memref<999936xf32, #tpu.memory_space<vmem>>) target(%dma_start3A_234 : memref<999936xf32, #tpu.memory_space<any>>) target_semaphore(%arg7 : memref<!tpu.dma_semaphore, #tpu.memory_space<semaphore_mem>>)
    %dma_start3A_238 = arith.constant 1 : i32
    %dma_start3A_239 = arith.constant 10000512 : i32
    %dma_start3A_240 = tpu.memref_slice %arg1[%dma_start3A_239] : memref<10000640xf32, #tpu.memory_space<any>> -> memref<128xf32, #tpu.memory_space<any>>
    %dma_start3A_241 = arith.constant 0 : i32
    %dma_start3A_242 = tpu.memref_slice %arg5[%dma_start3A_238, %dma_start3A_241] : memref<8x128xf32, #tpu.memory_space<vmem>> -> memref<1x128xf32, #tpu.memory_space<vmem>>
    %dma_start3A_243 = tpu.memref_squeeze %dma_start3A_242 : memref<1x128xf32, #tpu.memory_space<vmem>> -> memref<128xf32, #tpu.memory_space<vmem>>
    tpu.enqueue_dma source(%dma_start3A_243 : memref<128xf32, #tpu.memory_space<vmem>>) target(%dma_start3A_240 : memref<128xf32, #tpu.memory_space<any>>) target_semaphore(%arg8 : memref<!tpu.dma_semaphore, #tpu.memory_space<semaphore_mem>>)
    %dma_wait3A_244 = arith.constant 0 : i32
    %dma_wait3A_245 = arith.constant 0 : i32
    %dma_wait3A_246 = tpu.memref_slice %arg1[%dma_wait3A_245] : memref<10000640xf32, #tpu.memory_space<any>> -> memref<999936xf32, #tpu.memory_space<any>>
    %dma_wait3A_247 = arith.constant 0 : i32
    %dma_wait3A_248 = tpu.memref_slice %arg2[%dma_wait3A_244, %dma_wait3A_247] : memref<8x1000000xf32, #tpu.memory_space<vmem>> -> memref<1x999936xf32, #tpu.memory_space<vmem>>
    %dma_wait3A_249 = tpu.memref_squeeze %dma_wait3A_248 : memref<1x999936xf32, #tpu.memory_space<vmem>> -> memref<999936xf32, #tpu.memory_space<vmem>>
    tpu.wait_dma2 semaphore(%arg7 : memref<!tpu.dma_semaphore, #tpu.memory_space<semaphore_mem>>) src(%dma_wait3A_249 : memref<999936xf32, #tpu.memory_space<vmem>>) dst(%dma_wait3A_246 : memref<999936xf32, #tpu.memory_space<any>>)
    %dma_wait3A_250 = arith.constant 0 : i32
    %dma_wait3A_251 = arith.constant 999936 : i32
    %dma_wait3A_252 = tpu.memref_slice %arg1[%dma_wait3A_251] : memref<10000640xf32, #tpu.memory_space<any>> -> memref<128xf32, #tpu.memory_space<any>>
    %dma_wait3A_253 = arith.constant 0 : i32
    %dma_wait3A_254 = tpu.memref_slice %arg4[%dma_wait3A_250, %dma_wait3A_253] : memref<8x128xf32, #tpu.memory_space<vmem>> -> memref<1x128xf32, #tpu.memory_space<vmem>>
    %dma_wait3A_255 = tpu.memref_squeeze %dma_wait3A_254 : memref<1x128xf32, #tpu.memory_space<vmem>> -> memref<128xf32, #tpu.memory_space<vmem>>
    tpu.wait_dma2 semaphore(%arg8 : memref<!tpu.dma_semaphore, #tpu.memory_space<semaphore_mem>>) src(%dma_wait3A_255 : memref<128xf32, #tpu.memory_space<vmem>>) dst(%dma_wait3A_252 : memref<128xf32, #tpu.memory_space<any>>)
    %dma_wait3A_256 = arith.constant 1 : i32
    %dma_wait3A_257 = arith.constant 1000064 : i32
    %dma_wait3A_258 = tpu.memref_slice %arg1[%dma_wait3A_257] : memref<10000640xf32, #tpu.memory_space<any>> -> memref<999936xf32, #tpu.memory_space<any>>
    %dma_wait3A_259 = arith.constant 0 : i32
    %dma_wait3A_260 = tpu.memref_slice %arg2[%dma_wait3A_256, %dma_wait3A_259] : memref<8x1000000xf32, #tpu.memory_space<vmem>> -> memref<1x999936xf32, #tpu.memory_space<vmem>>
    %dma_wait3A_261 = tpu.memref_squeeze %dma_wait3A_260 : memref<1x999936xf32, #tpu.memory_space<vmem>> -> memref<999936xf32, #tpu.memory_space<vmem>>
    tpu.wait_dma2 semaphore(%arg7 : memref<!tpu.dma_semaphore, #tpu.memory_space<semaphore_mem>>) src(%dma_wait3A_261 : memref<999936xf32, #tpu.memory_space<vmem>>) dst(%dma_wait3A_258 : memref<999936xf32, #tpu.memory_space<any>>)
    %dma_wait3A_262 = arith.constant 1 : i32
    %dma_wait3A_263 = arith.constant 2000000 : i32
    %dma_wait3A_264 = tpu.memref_slice %arg1[%dma_wait3A_263] : memref<10000640xf32, #tpu.memory_space<any>> -> memref<128xf32, #tpu.memory_space<any>>
    %dma_wait3A_265 = arith.constant 0 : i32
    %dma_wait3A_266 = tpu.memref_slice %arg4[%dma_wait3A_262, %dma_wait3A_265] : memref<8x128xf32, #tpu.memory_space<vmem>> -> memref<1x128xf32, #tpu.memory_space<vmem>>
    %dma_wait3A_267 = tpu.memref_squeeze %dma_wait3A_266 : memref<1x128xf32, #tpu.memory_space<vmem>> -> memref<128xf32, #tpu.memory_space<vmem>>
    tpu.wait_dma2 semaphore(%arg8 : memref<!tpu.dma_semaphore, #tpu.memory_space<semaphore_mem>>) src(%dma_wait3A_267 : memref<128xf32, #tpu.memory_space<vmem>>) dst(%dma_wait3A_264 : memref<128xf32, #tpu.memory_space<any>>)
    %dma_wait3A_268 = arith.constant 2 : i32
    %dma_wait3A_269 = arith.constant 2000128 : i32
    %dma_wait3A_270 = tpu.memref_slice %arg1[%dma_wait3A_269] : memref<10000640xf32, #tpu.memory_space<any>> -> memref<999936xf32, #tpu.memory_space<any>>
    %dma_wait3A_271 = arith.constant 0 : i32
    %dma_wait3A_272 = tpu.memref_slice %arg2[%dma_wait3A_268, %dma_wait3A_271] : memref<8x1000000xf32, #tpu.memory_space<vmem>> -> memref<1x999936xf32, #tpu.memory_space<vmem>>
    %dma_wait3A_273 = tpu.memref_squeeze %dma_wait3A_272 : memref<1x999936xf32, #tpu.memory_space<vmem>> -> memref<999936xf32, #tpu.memory_space<vmem>>
    tpu.wait_dma2 semaphore(%arg7 : memref<!tpu.dma_semaphore, #tpu.memory_space<semaphore_mem>>) src(%dma_wait3A_273 : memref<999936xf32, #tpu.memory_space<vmem>>) dst(%dma_wait3A_270 : memref<999936xf32, #tpu.memory_space<any>>)
    %dma_wait3A_274 = arith.constant 2 : i32
    %dma_wait3A_275 = arith.constant 3000064 : i32
    %dma_wait3A_276 = tpu.memref_slice %arg1[%dma_wait3A_275] : memref<10000640xf32, #tpu.memory_space<any>> -> memref<128xf32, #tpu.memory_space<any>>
    %dma_wait3A_277 = arith.constant 0 : i32
    %dma_wait3A_278 = tpu.memref_slice %arg4[%dma_wait3A_274, %dma_wait3A_277] : memref<8x128xf32, #tpu.memory_space<vmem>> -> memref<1x128xf32, #tpu.memory_space<vmem>>
    %dma_wait3A_279 = tpu.memref_squeeze %dma_wait3A_278 : memref<1x128xf32, #tpu.memory_space<vmem>> -> memref<128xf32, #tpu.memory_space<vmem>>
    tpu.wait_dma2 semaphore(%arg8 : memref<!tpu.dma_semaphore, #tpu.memory_space<semaphore_mem>>) src(%dma_wait3A_279 : memref<128xf32, #tpu.memory_space<vmem>>) dst(%dma_wait3A_276 : memref<128xf32, #tpu.memory_space<any>>)
    %dma_wait3A_280 = arith.constant 3 : i32
    %dma_wait3A_281 = arith.constant 3000192 : i32
    %dma_wait3A_282 = tpu.memref_slice %arg1[%dma_wait3A_281] : memref<10000640xf32, #tpu.memory_space<any>> -> memref<999936xf32, #tpu.memory_space<any>>
    %dma_wait3A_283 = arith.constant 0 : i32
    %dma_wait3A_284 = tpu.memref_slice %arg2[%dma_wait3A_280, %dma_wait3A_283] : memref<8x1000000xf32, #tpu.memory_space<vmem>> -> memref<1x999936xf32, #tpu.memory_space<vmem>>
    %dma_wait3A_285 = tpu.memref_squeeze %dma_wait3A_284 : memref<1x999936xf32, #tpu.memory_space<vmem>> -> memref<999936xf32, #tpu.memory_space<vmem>>
    tpu.wait_dma2 semaphore(%arg7 : memref<!tpu.dma_semaphore, #tpu.memory_space<semaphore_mem>>) src(%dma_wait3A_285 : memref<999936xf32, #tpu.memory_space<vmem>>) dst(%dma_wait3A_282 : memref<999936xf32, #tpu.memory_space<any>>)
    %dma_wait3A_286 = arith.constant 3 : i32
    %dma_wait3A_287 = arith.constant 4000128 : i32
    %dma_wait3A_288 = tpu.memref_slice %arg1[%dma_wait3A_287] : memref<10000640xf32, #tpu.memory_space<any>> -> memref<128xf32, #tpu.memory_space<any>>
    %dma_wait3A_289 = arith.constant 0 : i32
    %dma_wait3A_290 = tpu.memref_slice %arg4[%dma_wait3A_286, %dma_wait3A_289] : memref<8x128xf32, #tpu.memory_space<vmem>> -> memref<1x128xf32, #tpu.memory_space<vmem>>
    %dma_wait3A_291 = tpu.memref_squeeze %dma_wait3A_290 : memref<1x128xf32, #tpu.memory_space<vmem>> -> memref<128xf32, #tpu.memory_space<vmem>>
    tpu.wait_dma2 semaphore(%arg8 : memref<!tpu.dma_semaphore, #tpu.memory_space<semaphore_mem>>) src(%dma_wait3A_291 : memref<128xf32, #tpu.memory_space<vmem>>) dst(%dma_wait3A_288 : memref<128xf32, #tpu.memory_space<any>>)
    %dma_wait3A_292 = arith.constant 4 : i32
    %dma_wait3A_293 = arith.constant 4000256 : i32
    %dma_wait3A_294 = tpu.memref_slice %arg1[%dma_wait3A_293] : memref<10000640xf32, #tpu.memory_space<any>> -> memref<999936xf32, #tpu.memory_space<any>>
    %dma_wait3A_295 = arith.constant 0 : i32
    %dma_wait3A_296 = tpu.memref_slice %arg2[%dma_wait3A_292, %dma_wait3A_295] : memref<8x1000000xf32, #tpu.memory_space<vmem>> -> memref<1x999936xf32, #tpu.memory_space<vmem>>
    %dma_wait3A_297 = tpu.memref_squeeze %dma_wait3A_296 : memref<1x999936xf32, #tpu.memory_space<vmem>> -> memref<999936xf32, #tpu.memory_space<vmem>>
    tpu.wait_dma2 semaphore(%arg7 : memref<!tpu.dma_semaphore, #tpu.memory_space<semaphore_mem>>) src(%dma_wait3A_297 : memref<999936xf32, #tpu.memory_space<vmem>>) dst(%dma_wait3A_294 : memref<999936xf32, #tpu.memory_space<any>>)
    %dma_wait3A_298 = arith.constant 4 : i32
    %dma_wait3A_299 = arith.constant 5000192 : i32
    %dma_wait3A_300 = tpu.memref_slice %arg1[%dma_wait3A_299] : memref<10000640xf32, #tpu.memory_space<any>> -> memref<128xf32, #tpu.memory_space<any>>
    %dma_wait3A_301 = arith.constant 0 : i32
    %dma_wait3A_302 = tpu.memref_slice %arg4[%dma_wait3A_298, %dma_wait3A_301] : memref<8x128xf32, #tpu.memory_space<vmem>> -> memref<1x128xf32, #tpu.memory_space<vmem>>
    %dma_wait3A_303 = tpu.memref_squeeze %dma_wait3A_302 : memref<1x128xf32, #tpu.memory_space<vmem>> -> memref<128xf32, #tpu.memory_space<vmem>>
    tpu.wait_dma2 semaphore(%arg8 : memref<!tpu.dma_semaphore, #tpu.memory_space<semaphore_mem>>) src(%dma_wait3A_303 : memref<128xf32, #tpu.memory_space<vmem>>) dst(%dma_wait3A_300 : memref<128xf32, #tpu.memory_space<any>>)
    %dma_wait3A_304 = arith.constant 5 : i32
    %dma_wait3A_305 = arith.constant 5000320 : i32
    %dma_wait3A_306 = tpu.memref_slice %arg1[%dma_wait3A_305] : memref<10000640xf32, #tpu.memory_space<any>> -> memref<999936xf32, #tpu.memory_space<any>>
    %dma_wait3A_307 = arith.constant 0 : i32
    %dma_wait3A_308 = tpu.memref_slice %arg2[%dma_wait3A_304, %dma_wait3A_307] : memref<8x1000000xf32, #tpu.memory_space<vmem>> -> memref<1x999936xf32, #tpu.memory_space<vmem>>
    %dma_wait3A_309 = tpu.memref_squeeze %dma_wait3A_308 : memref<1x999936xf32, #tpu.memory_space<vmem>> -> memref<999936xf32, #tpu.memory_space<vmem>>
    tpu.wait_dma2 semaphore(%arg7 : memref<!tpu.dma_semaphore, #tpu.memory_space<semaphore_mem>>) src(%dma_wait3A_309 : memref<999936xf32, #tpu.memory_space<vmem>>) dst(%dma_wait3A_306 : memref<999936xf32, #tpu.memory_space<any>>)
    %dma_wait3A_310 = arith.constant 5 : i32
    %dma_wait3A_311 = arith.constant 6000256 : i32
    %dma_wait3A_312 = tpu.memref_slice %arg1[%dma_wait3A_311] : memref<10000640xf32, #tpu.memory_space<any>> -> memref<128xf32, #tpu.memory_space<any>>
    %dma_wait3A_313 = arith.constant 0 : i32
    %dma_wait3A_314 = tpu.memref_slice %arg4[%dma_wait3A_310, %dma_wait3A_313] : memref<8x128xf32, #tpu.memory_space<vmem>> -> memref<1x128xf32, #tpu.memory_space<vmem>>
    %dma_wait3A_315 = tpu.memref_squeeze %dma_wait3A_314 : memref<1x128xf32, #tpu.memory_space<vmem>> -> memref<128xf32, #tpu.memory_space<vmem>>
    tpu.wait_dma2 semaphore(%arg8 : memref<!tpu.dma_semaphore, #tpu.memory_space<semaphore_mem>>) src(%dma_wait3A_315 : memref<128xf32, #tpu.memory_space<vmem>>) dst(%dma_wait3A_312 : memref<128xf32, #tpu.memory_space<any>>)
    %dma_wait3A_316 = arith.constant 6 : i32
    %dma_wait3A_317 = arith.constant 6000384 : i32
    %dma_wait3A_318 = tpu.memref_slice %arg1[%dma_wait3A_317] : memref<10000640xf32, #tpu.memory_space<any>> -> memref<999936xf32, #tpu.memory_space<any>>
    %dma_wait3A_319 = arith.constant 0 : i32
    %dma_wait3A_320 = tpu.memref_slice %arg2[%dma_wait3A_316, %dma_wait3A_319] : memref<8x1000000xf32, #tpu.memory_space<vmem>> -> memref<1x999936xf32, #tpu.memory_space<vmem>>
    %dma_wait3A_321 = tpu.memref_squeeze %dma_wait3A_320 : memref<1x999936xf32, #tpu.memory_space<vmem>> -> memref<999936xf32, #tpu.memory_space<vmem>>
    tpu.wait_dma2 semaphore(%arg7 : memref<!tpu.dma_semaphore, #tpu.memory_space<semaphore_mem>>) src(%dma_wait3A_321 : memref<999936xf32, #tpu.memory_space<vmem>>) dst(%dma_wait3A_318 : memref<999936xf32, #tpu.memory_space<any>>)
    %dma_wait3A_322 = arith.constant 6 : i32
    %dma_wait3A_323 = arith.constant 7000320 : i32
    %dma_wait3A_324 = tpu.memref_slice %arg1[%dma_wait3A_323] : memref<10000640xf32, #tpu.memory_space<any>> -> memref<128xf32, #tpu.memory_space<any>>
    %dma_wait3A_325 = arith.constant 0 : i32
    %dma_wait3A_326 = tpu.memref_slice %arg4[%dma_wait3A_322, %dma_wait3A_325] : memref<8x128xf32, #tpu.memory_space<vmem>> -> memref<1x128xf32, #tpu.memory_space<vmem>>
    %dma_wait3A_327 = tpu.memref_squeeze %dma_wait3A_326 : memref<1x128xf32, #tpu.memory_space<vmem>> -> memref<128xf32, #tpu.memory_space<vmem>>
    tpu.wait_dma2 semaphore(%arg8 : memref<!tpu.dma_semaphore, #tpu.memory_space<semaphore_mem>>) src(%dma_wait3A_327 : memref<128xf32, #tpu.memory_space<vmem>>) dst(%dma_wait3A_324 : memref<128xf32, #tpu.memory_space<any>>)
    %dma_wait3A_328 = arith.constant 7 : i32
    %dma_wait3A_329 = arith.constant 7000448 : i32
    %dma_wait3A_330 = tpu.memref_slice %arg1[%dma_wait3A_329] : memref<10000640xf32, #tpu.memory_space<any>> -> memref<999936xf32, #tpu.memory_space<any>>
    %dma_wait3A_331 = arith.constant 0 : i32
    %dma_wait3A_332 = tpu.memref_slice %arg2[%dma_wait3A_328, %dma_wait3A_331] : memref<8x1000000xf32, #tpu.memory_space<vmem>> -> memref<1x999936xf32, #tpu.memory_space<vmem>>
    %dma_wait3A_333 = tpu.memref_squeeze %dma_wait3A_332 : memref<1x999936xf32, #tpu.memory_space<vmem>> -> memref<999936xf32, #tpu.memory_space<vmem>>
    tpu.wait_dma2 semaphore(%arg7 : memref<!tpu.dma_semaphore, #tpu.memory_space<semaphore_mem>>) src(%dma_wait3A_333 : memref<999936xf32, #tpu.memory_space<vmem>>) dst(%dma_wait3A_330 : memref<999936xf32, #tpu.memory_space<any>>)
    %dma_wait3A_334 = arith.constant 7 : i32
    %dma_wait3A_335 = arith.constant 8000384 : i32
    %dma_wait3A_336 = tpu.memref_slice %arg1[%dma_wait3A_335] : memref<10000640xf32, #tpu.memory_space<any>> -> memref<128xf32, #tpu.memory_space<any>>
    %dma_wait3A_337 = arith.constant 0 : i32
    %dma_wait3A_338 = tpu.memref_slice %arg4[%dma_wait3A_334, %dma_wait3A_337] : memref<8x128xf32, #tpu.memory_space<vmem>> -> memref<1x128xf32, #tpu.memory_space<vmem>>
    %dma_wait3A_339 = tpu.memref_squeeze %dma_wait3A_338 : memref<1x128xf32, #tpu.memory_space<vmem>> -> memref<128xf32, #tpu.memory_space<vmem>>
    tpu.wait_dma2 semaphore(%arg8 : memref<!tpu.dma_semaphore, #tpu.memory_space<semaphore_mem>>) src(%dma_wait3A_339 : memref<128xf32, #tpu.memory_space<vmem>>) dst(%dma_wait3A_336 : memref<128xf32, #tpu.memory_space<any>>)
    %dma_wait3A_340 = arith.constant 0 : i32
    %dma_wait3A_341 = arith.constant 8000512 : i32
    %dma_wait3A_342 = tpu.memref_slice %arg1[%dma_wait3A_341] : memref<10000640xf32, #tpu.memory_space<any>> -> memref<999936xf32, #tpu.memory_space<any>>
    %dma_wait3A_343 = arith.constant 0 : i32
    %dma_wait3A_344 = tpu.memref_slice %arg3[%dma_wait3A_340, %dma_wait3A_343] : memref<8x1000000xf32, #tpu.memory_space<vmem>> -> memref<1x999936xf32, #tpu.memory_space<vmem>>
    %dma_wait3A_345 = tpu.memref_squeeze %dma_wait3A_344 : memref<1x999936xf32, #tpu.memory_space<vmem>> -> memref<999936xf32, #tpu.memory_space<vmem>>
    tpu.wait_dma2 semaphore(%arg7 : memref<!tpu.dma_semaphore, #tpu.memory_space<semaphore_mem>>) src(%dma_wait3A_345 : memref<999936xf32, #tpu.memory_space<vmem>>) dst(%dma_wait3A_342 : memref<999936xf32, #tpu.memory_space<any>>)
    %dma_wait3A_346 = arith.constant 0 : i32
    %dma_wait3A_347 = arith.constant 9000448 : i32
    %dma_wait3A_348 = tpu.memref_slice %arg1[%dma_wait3A_347] : memref<10000640xf32, #tpu.memory_space<any>> -> memref<128xf32, #tpu.memory_space<any>>
    %dma_wait3A_349 = arith.constant 0 : i32
    %dma_wait3A_350 = tpu.memref_slice %arg5[%dma_wait3A_346, %dma_wait3A_349] : memref<8x128xf32, #tpu.memory_space<vmem>> -> memref<1x128xf32, #tpu.memory_space<vmem>>
    %dma_wait3A_351 = tpu.memref_squeeze %dma_wait3A_350 : memref<1x128xf32, #tpu.memory_space<vmem>> -> memref<128xf32, #tpu.memory_space<vmem>>
    tpu.wait_dma2 semaphore(%arg8 : memref<!tpu.dma_semaphore, #tpu.memory_space<semaphore_mem>>) src(%dma_wait3A_351 : memref<128xf32, #tpu.memory_space<vmem>>) dst(%dma_wait3A_348 : memref<128xf32, #tpu.memory_space<any>>)
    %dma_wait3A_352 = arith.constant 1 : i32
    %dma_wait3A_353 = arith.constant 9000576 : i32
    %dma_wait3A_354 = tpu.memref_slice %arg1[%dma_wait3A_353] : memref<10000640xf32, #tpu.memory_space<any>> -> memref<999936xf32, #tpu.memory_space<any>>
    %dma_wait3A_355 = arith.constant 0 : i32
    %dma_wait3A_356 = tpu.memref_slice %arg3[%dma_wait3A_352, %dma_wait3A_355] : memref<8x1000000xf32, #tpu.memory_space<vmem>> -> memref<1x999936xf32, #tpu.memory_space<vmem>>
    %dma_wait3A_357 = tpu.memref_squeeze %dma_wait3A_356 : memref<1x999936xf32, #tpu.memory_space<vmem>> -> memref<999936xf32, #tpu.memory_space<vmem>>
    tpu.wait_dma2 semaphore(%arg7 : memref<!tpu.dma_semaphore, #tpu.memory_space<semaphore_mem>>) src(%dma_wait3A_357 : memref<999936xf32, #tpu.memory_space<vmem>>) dst(%dma_wait3A_354 : memref<999936xf32, #tpu.memory_space<any>>)
    %dma_wait3A_358 = arith.constant 1 : i32
    %dma_wait3A_359 = arith.constant 10000512 : i32
    %dma_wait3A_360 = tpu.memref_slice %arg1[%dma_wait3A_359] : memref<10000640xf32, #tpu.memory_space<any>> -> memref<128xf32, #tpu.memory_space<any>>
    %dma_wait3A_361 = arith.constant 0 : i32
    %dma_wait3A_362 = tpu.memref_slice %arg5[%dma_wait3A_358, %dma_wait3A_361] : memref<8x128xf32, #tpu.memory_space<vmem>> -> memref<1x128xf32, #tpu.memory_space<vmem>>
    %dma_wait3A_363 = tpu.memref_squeeze %dma_wait3A_362 : memref<1x128xf32, #tpu.memory_space<vmem>> -> memref<128xf32, #tpu.memory_space<vmem>>
    tpu.wait_dma2 semaphore(%arg8 : memref<!tpu.dma_semaphore, #tpu.memory_space<semaphore_mem>>) src(%dma_wait3A_363 : memref<128xf32, #tpu.memory_space<vmem>>) dst(%dma_wait3A_360 : memref<128xf32, #tpu.memory_space<any>>)
    return
  }
}

</mosaic_0001>

<sc_bundles>
// kernel: kernel.6.cloned.1.call-start
scs
__scs_entry_jumppad:
0x0: {  	(pc) =	sbr.rel $0x88, $3  }
0x1: {  	(tag) =	ssettag $0x0;
	lr =	simm.s32 $0x1  }
0x2: {  	[smem:$0x3F9F] =	sst lr;
	_ =	strace $0xD0000000  }
0x3: {  	_ = 	snop  }
0x4: {  	_ = 	snop  }
0x5: {  	_ = 	snop  }
0x6: {  	_ = 	snop  }
0x7: {  	_ = 	snop  }
__scs_overlays_trampoline_lowered:
0x8: {  	[smem:$0x3FAE] =	sst s0  }
0x9: {  	[smem:$0x3FAF] =	sst s1  }
0xa: {  	[smem:$0x3FB0] =	sst s2  }
0xb: {  	[smem:$0x3FB1] =	sst s3  }
0xc: {  	[smem:$0x3FB2] =	sst s4  }
0xd: {  	[smem:$0x3FB3] =	sst s5  }
0xe: {  	[smem:$0x3FB4] =	sst s6  }
0xf: {  	[smem:$0x3FB5] =	sst s7  }
0x10: {  	[smem:$0x3FB6] =	sst s8  }
0x11: {  	[smem:$0x3FB7] =	sst s9;
	s0 =	simm.s32 @!p0 $0x0  }
0x12: {  	s1 =	sld [smem:$0x3F9D];
	s0 =	simm.s32 @p0 $0x1  }
0x13: {  	[smem:$0x3FB8] =	sst s0;
	s0 =	simm.s32 @!p1 $0x0  }
0x14: {  	s2 =	sld [smem:$0x3F9C];
	s0 =	simm.s32 @p1 $0x1  }
0x15: {  	[smem:$0x3FB9] =	sst s0;
	s0 =	simm.s32 @!p2 $0x0  }
0x16: {  	s3 =	sld [smem:$0x3FDB];
	s0 =	simm.s32 @p2 $0x1  }
0x17: {  	s4 =	simm.s32 $0x1BF5;
	[smem:$0x3FBB] =	sst s0  }
0x18: {  	s0 =	sld [smem:$0x3F9E];
	_ =	swait.ge [sflag:s4], $0x0  }
0x19: {  	s7 =	sld [smem:$0x3F9F]  }
0x1a: {  	s8 =	sadd.s32 $0xFFFFE003, lr  }
0x1b: {  	s9 =	sadd.s32 $0xFFFFFEF7, lr;
	s5 =	simm.s32 $0xFFFFFFFF;
	p2 =	slt.u32 s8, $0xFFFFF086  }
0x1c: {  	p1 =	slt.u32 s9, $0xF7A;
	s5 =	simm.s32 @!p2 $0x0  }
0x1d: {  	s5 =	simm.s32 @p1 $0x1;
	p0 =	seq.s32 s7, s2  }
0x1e: {  	s7 =	smul.u32 @!p0 $0xF7A, s2;
	p2 =	seq.s32 @!p0 s5, $0x0  }
0x1f: {  	s9 =	smul.u32 $0xF7A, s1;
	s8 =	simm.s32 @!p0 $0x1BF5;
	p2 =	por !p2, p0  }
0x20: {  	[sflag:s8] =	ssyncset.s32 @!p0 $0xFFFFF086;
	s6 =	sadd.s32 @!p0 s3, s7;
	s7 =	simm.s32 @!p0 $0x108  }
0x21: {  	s3 =	sadd.s32 s3, s9;
	s6 =	sadd.s32 @!p0 $0x88, s6;
	s7 =	simm.s32 @p2 $0x1082  }
0x22: {  	[simem:s7], [sflag:s8] =	dma.local @!p0 [hbm:s6], $0xF7A  }
0x23: {  	s9 =	sor.u32 $0xD0000000, s2;
	s6 =	simm.s32 $0x108;
	_ =	swait.ge @!p0 [sflag:s8], $0x0  }
0x24: {  	s3 =	sadd.s32 $0x88, s3;
	s6 =	simm.s32 @!p1 $0x1082;
	[sflag:s4] =	ssyncset.s32 $0xFFFFF086  }
0x25: {  	[simem:s6], [sflag:s4] =	dma.local [hbm:s3], $0xF7A  }
0x26: {  	[smem:$0x3F9F] =	sst s1;
	(tag) =	ssettag s2;
	_ =	strace s9  }
0x27: {  	s1 =	sld [smem:$0x3FAF]  }
0x28: {  	s2 =	sld [smem:$0x3FB0]  }
0x29: {  	s4 =	sld [smem:$0x3FB2]  }
0x2a: {  	p0 =	seq.s32 s5, $0x0;
	s5 =	sld [smem:$0x3FB3]  }
0x2b: {  	s6 =	sld [smem:$0x3FB4]  }
0x2c: {  	s7 =	sld [smem:$0x3FB5]  }
0x2d: {  	s3 =	simm.s32 $0x108;
	s8 =	sld [smem:$0x3FB6]  }
0x2e: {  	s3 =	simm.s32 @!p0 $0x1082;
	s9 =	sld [smem:$0x3FB7]  }
0x2f: {  	lr =	sadd.s32 s0, s3;
	s0 =	sld [smem:$0x3FAE]  }
0x30: {  	s3 =	sld [smem:$0x3FB1]  }
0x31: {  	[smem:$0x3FBA] =	sst s10  }
0x32: {  	s10 =	sld [smem:$0x3FB8];
	_ =	sdelay $0x3  }
0x33: {  	p0 =	seq.s32 s10, $0x1;
	s10 =	sld [smem:$0x3FBA];
	_ =	sdelay $0x3  }
0x34: {  	[smem:$0x3FBA] =	sst s10  }
0x35: {  	s10 =	sld [smem:$0x3FB9];
	_ =	sdelay $0x3  }
0x36: {  	p1 =	seq.s32 s10, $0x1;
	s10 =	sld [smem:$0x3FBA];
	_ =	sdelay $0x3  }
0x37: {  	[smem:$0x3FBA] =	sst s10  }
0x38: {  	s10 =	sld [smem:$0x3FBB]  }
0x39: {  	_ = 	snop;
	(pc) =	sbr.ind lr, $3  }
0x3a: {  	_ = 	snop  }
0x3b: {  	_ = 	snop  }
0x3c: {  	p2 =	seq.s32 s10, $0x1;
	s10 =	sld [smem:$0x3FBA]  }
0x3d: {  	_ =	shalt  }
0x3e: {  	_ =	shalt  }
0x3f: {  	_ =	shalt  }
0x40: {  	_ =	shalt  }
0x41: {  	_ =	shalt  }
0x42: {  	_ =	shalt  }
0x43: {  	_ =	shalt  }
0x44: {  	_ =	shalt  }
0x45: {  	_ =	shalt  }
0x46: {  	_ =	shalt  }
0x47: {  	_ =	shalt  }
0x48: {  	_ =	shalt  }
0x49: {  	_ =	shalt  }
0x4a: {  	_ =	shalt  }
0x4b: {  	_ =	shalt  }
0x4c: {  	_ =	shalt  }
0x4d: {  	_ =	shalt  }
0x4e: {  	_ =	shalt  }
0x4f: {  	_ =	shalt  }
0x50: {  	_ =	shalt  }
0x51: {  	_ =	shalt  }
0x52: {  	_ =	shalt  }
0x53: {  	_ =	shalt  }
0x54: {  	_ =	shalt  }
0x55: {  	_ =	shalt  }
0x56: {  	_ =	shalt  }
0x57: {  	_ =	shalt  }
0x58: {  	_ =	shalt  }
0x59: {  	_ =	shalt  }
0x5a: {  	_ =	shalt  }
0x5b: {  	_ =	shalt  }
0x5c: {  	_ =	shalt  }
0x5d: {  	_ =	shalt  }
0x5e: {  	_ =	shalt  }
0x5f: {  	_ =	shalt  }
0x60: {  	_ =	shalt  }
0x61: {  	_ =	shalt  }
0x62: {  	_ =	shalt  }
0x63: {  	_ =	shalt  }
0x64: {  	_ =	shalt  }
0x65: {  	_ =	shalt  }
0x66: {  	_ =	shalt  }
0x67: {  	_ =	shalt  }
0x68: {  	_ =	shalt  }
0x69: {  	_ =	shalt  }
0x6a: {  	_ =	shalt  }
0x6b: {  	_ =	shalt  }
0x6c: {  	_ =	shalt  }
0x6d: {  	_ =	shalt  }
0x6e: {  	_ =	shalt  }
0x6f: {  	_ =	shalt  }
0x70: {  	_ =	shalt  }
0x71: {  	_ =	shalt  }
0x72: {  	_ =	shalt  }
0x73: {  	_ =	shalt  }
0x74: {  	_ =	shalt  }
0x75: {  	_ =	shalt  }
0x76: {  	_ =	shalt  }
0x77: {  	_ =	shalt  }
0x78: {  	_ =	shalt  }
0x79: {  	_ =	shalt  }
0x7a: {  	_ =	shalt  }
0x7b: {  	_ =	shalt  }
0x7c: {  	_ =	shalt  }
0x7d: {  	_ =	shalt  }
0x7e: {  	_ =	shalt  }
0x7f: {  	_ =	shalt  }
0x80: {  	_ =	shalt  }
0x81: {  	_ =	shalt  }
0x82: {  	_ =	shalt  }
0x83: {  	_ =	shalt  }
0x84: {  	_ =	shalt  }
0x85: {  	_ =	shalt  }
0x86: {  	_ =	shalt  }
0x87: {  	_ =	shalt  }
.Lfunc_end0:
.L_simem_size_0:
called_computation_lowered:
.L_overlay_start_0:
0x88: {  	s2 =	sld [smem:$0x3FD9]  }
0x89: {  	s3 =	sld [smem:$0x3FFE];
	_ =	sdelay $0x1  }
0x8a: {  	s1 =	srdreg.scid  }
0x8b: {  	s0 =	sand.u32 $0x1, s1  }
0x8c: {  	s16 =	sshll.u32 s0, $0xA;
	s2 =	sadd.s32 s3, s2  }
0x8d: {  	s2 =	sadd.s32 s2, s16  }
0x8e: {  	[smem:$0x3FC6] =	sst s2  }
0x8f: {  	_ = 	snop  }
0x90: {  	(tm) =	ssettm $0x1  }
0x91: {  	s17 =	sld [smem:$0x3FFB];
	_ =	sdelay $0x3  }
0x92: {  	_ =	strace s17  }
0x93: {  	s2 =	sld [smem:$0x3FFC];
	_ =	sdelay $0x3  }
0x94: {  	_ =	strace s2  }
0x95: {  	s2 =	sld [smem:$0x3FFD];
	_ =	sdelay $0x3  }
0x96: {  	_ =	strace s2  }
0x97: {  	_ =	strace $0x8FFFFFFF  }
0x98: {  	s18 =	sld [smem:$0x3FDB];
	_ =	sdelay $0x1  }
0x99: {  	s19 =	simm.s32 $_scs_section_size  }
0x9a: {  	s4 =	simm.s32 $_size__tile_overlayer_lowered;
	s5 =	simm.s32 $_tile_overlayer_lowered  }
0x9b: {  	s22 =	simm.s32 $0x1BFF;
	s21 =	sshll.u32 s5, $0x1;
	s2 =	sadd.s32 s19, s18  }
0x9c: {  	s6 =	simm.s32 $0x0;
	s20 =	sshll.u32 s4, $0x1;
	s4 =	sadd.s32 s21, s2  }
0x9d: {  	[timem:s6], [sflag:s22] =	dma.local [hbm:s4], s20  }
0x9e: {  	_ =	swait.ge [sflag:s22], s20  }
0x9f: {  	s3 =	ssub.s32 $0x0, s20;
	[sflag:s22] =	ssyncset.done $0x0  }
0xa0: {  	[sflag:s22] =	ssyncadd.s32 s3;
	_ =	sdelay $0x1  }
0xa1: {  	s23 =	simm.s32 $0x1B8B  }
0xa2: {  	_ =	swait.ge [sflag:s23], $0x1  }
0xa3: {  	[sflag:s23] =	ssyncset.done $0x0  }
0xa4: {  	s25 =	simm.s32 $0x1B8E;
	s24 =	sld [smem:$0x3FFE];
	[sflag:s23] =	ssyncadd.s32 $0xFFFFFFFF  }
0xa5: {  	s26 =	simm.s32 $execute0_lowered;
	[smem:$0x3FD2] =	sst s25  }
0xa6: {  	s4 =	sshll.u32 s26, $0x1;
	_ =	strace $0x80000046;
	[dreg:$0x1] =	wrdreg $0xFFFFFFFF  }
0xa7: {  	s28 =	simm.s32 $_size_execute0_lowered;
	s2 =	sadd.s32 s2, s4;
	[dreg:$0x0] =	wrdreg $0x0  }
0xa8: {  	s4 =	sshll.u32 s28, $0x1;
	[dreg:$0x2] =	wrdreg s2  }
0xa9: {  	[dreg:$0x3] =	wrdreg s4  }
0xaa: {  	[dreg:$0x4] =	wrdreg $0xC0  }
0xab: {  	_ =	task [dreg:s6], $0x5FFFF  }
0xac: {  	[dreg:$0x1] =	wrdreg $0xFFFFFFFF  }
0xad: {  	[dreg:$0x0] =	wrdreg $0x60  }
0xae: {  	[dreg:$0x2] =	wrdreg s24  }
0xaf: {  	[dreg:$0x3] =	wrdreg $0x9  }
0xb0: {  	_ =	task.clear_ibuf [dreg:s6], $0x4FFFF;
	_ =	strace $0x90000046  }
0xb1: {  	s29 =	simm.s32 $0x9;
	_ =	strace $0x80000048  }
0xb2: {  	_ =	swait.ge [sflag:s29], $0x1  }
0xb3: {  	[sflag:s29] =	ssyncadd.s32 $0xFFFFFFFF  }
0xb4: {  	_ =	strace $0x90000048  }
0xb5: {  	_ =	sfence  }
0xb6: {  	s30 =	sld [smem:$0x0];
	_ =	sdelay $0x2  }
0xb7: {  	s31 =	sshll.u32 s1, $0xD;
	s1 =	sshrl.u32 s1, $0x2  }
0xb8: {  	s3 =	sand.u32 $0x4000, s31;
	s1 =	sadd.s32 s1, s30  }
0xb9: {  	s0 =	sor.u32 s3, s0;
	s1 =	sshll.u32 s1, $0x11  }
0xba: {  	s0 =	sor.u32 s1, s0  }
0xbb: {  	s0 =	sadd.s32 $0x8F2B, s0  }
0xbc: {  	[sflag:s0] =	ssyncadd.remote.s32 $0x1  }
0xbd: {  	_ =	sfence.sel $0xFFFF  }
0xbe: {  	[dreg:$0x0] =	wrdreg $0xFFFFFFFF;
	(pc) =	sbr.abs _section_cstart, $3  }
0xbf: {  	[dreg:$0x1] =	wrdreg $0xFFFFFFFF  }
0xc0: {  	_ =	task.clear_ibuf [dreg:s6], $0x2FFFF;
	_ =	strace $0x9FFFFFFF  }
0xc1: {  	(tm) =	ssettm $0x7FFFFFFF  }
tec
execute0_lowered:
.L_overlay_start_1:
0x0: {  	(tag) =	ssettag $0x1  }
0x1: {  	s4 =	rddreg [dreg:$0x0];
	s2 =	srdreg.scid  }
0x2: {  	s0 =	rddreg [dreg:$0x1];
	s1 =	stileid.u32  }
0x3: {  	s9 =	simm.s32 $0x10000;
	s10 =	simm.s32 $0x1;
	s11 =	simm.s32 $0x14000  }
0x4: {  	s12 =	simm.s32 $0x0;
	s3 =	sand.u32 $0x1, s2;
	s2 =	simm.s32 $0x0  }
0x5: {  	s5 =	sshll.u32 s1, $0xA;
	s6 =	sshll.u32 s3, $0x9;
	[smem:$0x7FF] =	sst s2  }
0x6: {  	s7 =	ssub.s32 $0x2, s3;
	s3 =	sadd.s32 $0x40800, s4;
	s5 =	sor.u32 s6, s5  }
0x7: {  	_ =	strace $0x80000047;
	s8 =	sshrl.u32 s7, $0x1;
	s6 =	sshll.u32 s5, $0x4  }
0x8: {  	s5 =	sshrl.u32 s5, $0x3;
	s7 =	ssub.s32 s7, s8;
	s6 =	sadd.s32 s6, s4  }
0x9: {  	v0 =	vlaneseq.u32;
	s8 =	simm.s32 $0x2000;
	s5 =	sadd.s32 s5, s4;
	s4 =	sadd.s32 $0x800, s6  }
0xa: {  	v0 =	vmul.u32 $0x80, v0;
	s5 =	sadd.s32 $0x228E00, s5;
	s6 =	smax.u32 s7, $0x1;
	s7 =	simm.s32 $0x2  }
.LBB2_1:
0xb: {  	v1 =	vmov s2  }
0xc: {  	v1 =	vshll.u32 v1, $0x7  }
0xd: {  	v1 =	vor.u32 v0, v1  }
0xe: {  	[tilespmem:s2], [sflag:$0x2] =	stream.linear.gather [hbm4b:s4+s2], $0x10000, $0x38;
	[tilespmem:$0x14200] =	vst v63  }
0xf: {  	_ =	swait.ge [sflag:s7], $0x10000  }
0x10: {  	[sflag:s7] =	ssyncset.done $0x0  }
0x11: {  	[sflag:s7] =	ssyncadd.s32 $0xFFFF0000  }
0x12: {  	v2 =	vld.idx.msk [tilespmem:v1+s2+$0x0], $0xffff  }
0x13: {  	v3 =	vor.u32 $0x1, v1;
	_ =	sdelay $0x3  }
0x14: {  	[tilespmem:s9+$0x0] =	vst v2  }
0x15: {  	v2 =	vld.idx.msk [tilespmem:v3+s2+$0x0], $0xffff;
	_ =	sdelay $0x1  }
0x16: {  	v3 =	vor.u32 $0x2, v1;
	_ =	sdelay $0x2  }
0x17: {  	s13 =	sand.u32 $0x1F0, s2;
	v2 =	vadd.s32 $0xF4280, v2  }
0x18: {  	[tilespmem:s13+$0x10200] =	vst v2  }
0x19: {  	v2 =	vld.idx.msk [tilespmem:v3+s2+$0x0], $0xffff;
	_ =	sdelay $0x1  }
0x1a: {  	v3 =	vor.u32 $0x3, v1;
	_ =	sdelay $0x2  }
0x1b: {  	v2 =	vadd.s32 $0x1E8500, v2  }
0x1c: {  	[tilespmem:s13+$0x10400] =	vst v2  }
0x1d: {  	v2 =	vld.idx.msk [tilespmem:v3+s2+$0x0], $0xffff;
	_ =	sdelay $0x1  }
0x1e: {  	v3 =	vor.u32 $0x4, v1;
	_ =	sdelay $0x2  }
0x1f: {  	v2 =	vadd.s32 $0x2DC780, v2  }
0x20: {  	[tilespmem:s13+$0x10600] =	vst v2  }
0x21: {  	v2 =	vld.idx.msk [tilespmem:v3+s2+$0x0], $0xffff;
	_ =	sdelay $0x1  }
0x22: {  	v3 =	vor.u32 $0x5, v1;
	_ =	sdelay $0x2  }
0x23: {  	v2 =	vadd.s32 $0x3D0A00, v2  }
0x24: {  	[tilespmem:s13+$0x10800] =	vst v2  }
0x25: {  	v2 =	vld.idx.msk [tilespmem:v3+s2+$0x0], $0xffff;
	_ =	sdelay $0x1  }
0x26: {  	v3 =	vor.u32 $0x6, v1;
	_ =	sdelay $0x2  }
0x27: {  	v2 =	vadd.s32 $0x4C4C80, v2  }
0x28: {  	[tilespmem:s13+$0x10A00] =	vst v2  }
0x29: {  	v2 =	vld.idx.msk [tilespmem:v3+s2+$0x0], $0xffff;
	_ =	sdelay $0x1  }
0x2a: {  	v3 =	vor.u32 $0x7, v1;
	_ =	sdelay $0x2  }
0x2b: {  	v2 =	vadd.s32 $0x5B8F00, v2  }
0x2c: {  	[tilespmem:s13+$0x10C00] =	vst v2  }
0x2d: {  	v2 =	vld.idx.msk [tilespmem:v3+s2+$0x0], $0xffff;
	_ =	sdelay $0x1  }
0x2e: {  	v3 =	vor.u32 $0x8, v1;
	_ =	sdelay $0x2  }
0x2f: {  	v2 =	vadd.s32 $0x6AD180, v2  }
0x30: {  	[tilespmem:s13+$0x10E00] =	vst v2  }
0x31: {  	v2 =	vld.idx.msk [tilespmem:v3+s2+$0x0], $0xffff;
	_ =	sdelay $0x1  }
0x32: {  	v3 =	vor.u32 $0x9, v1;
	_ =	sdelay $0x2  }
0x33: {  	v2 =	vadd.s32 $0x7A1400, v2  }
0x34: {  	[tilespmem:s13+$0x11000] =	vst v2  }
0x35: {  	v2 =	vld.idx.msk [tilespmem:v3+s2+$0x0], $0xffff;
	_ =	sdelay $0x1  }
0x36: {  	v3 =	vor.u32 $0xA, v1;
	_ =	sdelay $0x2  }
0x37: {  	v2 =	vadd.s32 $0x895680, v2  }
0x38: {  	[tilespmem:s13+$0x11200] =	vst v2  }
0x39: {  	v2 =	vld.idx.msk [tilespmem:v3+s2+$0x0], $0xffff;
	_ =	sdelay $0x1  }
0x3a: {  	v3 =	vor.u32 $0xB, v1;
	_ =	sdelay $0x2  }
0x3b: {  	v2 =	vadd.s32 $0x989900, v2  }
0x3c: {  	[tilespmem:s13+$0x11400] =	vst v2  }
0x3d: {  	v2 =	vld.idx.msk [tilespmem:v3+s2+$0x0], $0xffff;
	_ =	sdelay $0x1  }
0x3e: {  	v3 =	vor.u32 $0xC, v1;
	_ =	sdelay $0x2  }
0x3f: {  	v2 =	vadd.s32 $0xA7DB80, v2  }
0x40: {  	[tilespmem:s13+$0x11600] =	vst v2  }
0x41: {  	v2 =	vld.idx.msk [tilespmem:v3+s2+$0x0], $0xffff;
	_ =	sdelay $0x1  }
0x42: {  	v3 =	vor.u32 $0xD, v1;
	_ =	sdelay $0x2  }
0x43: {  	v2 =	vadd.s32 $0xB71E00, v2  }
0x44: {  	[tilespmem:s13+$0x11800] =	vst v2  }
0x45: {  	v2 =	vld.idx.msk [tilespmem:v3+s2+$0x0], $0xffff;
	_ =	sdelay $0x1  }
0x46: {  	v3 =	vor.u32 $0xE, v1;
	_ =	sdelay $0x2  }
0x47: {  	v2 =	vadd.s32 $0xC66080, v2  }
0x48: {  	[tilespmem:s13+$0x11A00] =	vst v2  }
0x49: {  	v2 =	vld.idx.msk [tilespmem:v3+s2+$0x0], $0xffff;
	_ =	sdelay $0x1  }
0x4a: {  	v1 =	vor.u32 $0xF, v1;
	_ =	sdelay $0x2  }
0x4b: {  	v2 =	vadd.s32 $0xD5A300, v2  }
0x4c: {  	s14 =	simm.s32 $0x10;
	[tilespmem:s13+$0x11C00] =	vst v2  }
0x4d: {  	s16 =	simm.s32 $0x20;
	s15 =	simm.s32 $0x10000;
	v2 =	vld.idx.msk [tilespmem:v1+s2+$0x0], $0xffff;
	v1 =	vmov s14  }
.LBB2_2:
0x4e: {  	p0 =	sne.s32 s16, $0x1F0;
	v1 =	vshll.u32 v1, $0x7  }
0x4f: {  	v1 =	vor.u32 v0, v1;
	_ =	sdelay $0x2  }
0x50: {  	v2 =	vadd.s32 $0xE4E580, v2  }
0x51: {  	[tilespmem:s13+$0x11E00] =	vst v2  }
0x52: {  	v2 =	vld.idx.msk [tilespmem:v1+s2+$0x0], $0xffff;
	_ =	sdelay $0x1  }
0x53: {  	v3 =	vor.u32 $0x1, v1;
	_ =	sdelay $0x2  }
0x54: {  	s15 =	sadd.s32 $0x10, s15  }
0x55: {  	[tilespmem:s15+$0x0] =	vst v2  }
0x56: {  	v2 =	vld.idx.msk [tilespmem:v3+s2+$0x0], $0xffff;
	_ =	sdelay $0x2  }
0x57: {  	v3 =	vor.u32 $0x2, v1;
	_ =	sdelay $0x2  }
0x58: {  	s13 =	sand.u32 $0x1F0, s14;
	s14 =	smov.u32 s16;
	v2 =	vadd.s32 $0xF4280, v2  }
0x59: {  	[tilespmem:s13+$0x10200] =	vst v2  }
0x5a: {  	v2 =	vld.idx.msk [tilespmem:v3+s2+$0x0], $0xffff;
	_ =	sdelay $0x2  }
0x5b: {  	v3 =	vor.u32 $0x3, v1;
	_ =	sdelay $0x2  }
0x5c: {  	v2 =	vadd.s32 $0x1E8500, v2  }
0x5d: {  	[tilespmem:s13+$0x10400] =	vst v2  }
0x5e: {  	v2 =	vld.idx.msk [tilespmem:v3+s2+$0x0], $0xffff;
	_ =	sdelay $0x2  }
0x5f: {  	v3 =	vor.u32 $0x4, v1;
	_ =	sdelay $0x2  }
0x60: {  	v2 =	vadd.s32 $0x2DC780, v2  }
0x61: {  	[tilespmem:s13+$0x10600] =	vst v2  }
0x62: {  	v2 =	vld.idx.msk [tilespmem:v3+s2+$0x0], $0xffff;
	_ =	sdelay $0x2  }
0x63: {  	v3 =	vor.u32 $0x5, v1;
	_ =	sdelay $0x2  }
0x64: {  	v2 =	vadd.s32 $0x3D0A00, v2  }
0x65: {  	[tilespmem:s13+$0x10800] =	vst v2  }
0x66: {  	v2 =	vld.idx.msk [tilespmem:v3+s2+$0x0], $0xffff;
	_ =	sdelay $0x2  }
0x67: {  	v3 =	vor.u32 $0x6, v1;
	_ =	sdelay $0x2  }
0x68: {  	v2 =	vadd.s32 $0x4C4C80, v2  }
0x69: {  	[tilespmem:s13+$0x10A00] =	vst v2  }
0x6a: {  	v2 =	vld.idx.msk [tilespmem:v3+s2+$0x0], $0xffff;
	_ =	sdelay $0x2  }
0x6b: {  	v3 =	vor.u32 $0x7, v1;
	_ =	sdelay $0x2  }
0x6c: {  	v2 =	vadd.s32 $0x5B8F00, v2  }
0x6d: {  	[tilespmem:s13+$0x10C00] =	vst v2  }
0x6e: {  	v2 =	vld.idx.msk [tilespmem:v3+s2+$0x0], $0xffff;
	_ =	sdelay $0x2  }
0x6f: {  	v3 =	vor.u32 $0x8, v1;
	_ =	sdelay $0x2  }
0x70: {  	v2 =	vadd.s32 $0x6AD180, v2  }
0x71: {  	[tilespmem:s13+$0x10E00] =	vst v2  }
0x72: {  	v2 =	vld.idx.msk [tilespmem:v3+s2+$0x0], $0xffff;
	_ =	sdelay $0x2  }
0x73: {  	v3 =	vor.u32 $0x9, v1;
	_ =	sdelay $0x2  }
0x74: {  	v2 =	vadd.s32 $0x7A1400, v2  }
0x75: {  	[tilespmem:s13+$0x11000] =	vst v2  }
0x76: {  	v2 =	vld.idx.msk [tilespmem:v3+s2+$0x0], $0xffff;
	_ =	sdelay $0x2  }
0x77: {  	v3 =	vor.u32 $0xA, v1;
	_ =	sdelay $0x2  }
0x78: {  	v2 =	vadd.s32 $0x895680, v2  }
0x79: {  	[tilespmem:s13+$0x11200] =	vst v2  }
0x7a: {  	v2 =	vld.idx.msk [tilespmem:v3+s2+$0x0], $0xffff;
	_ =	sdelay $0x2  }
0x7b: {  	v3 =	vor.u32 $0xB, v1;
	_ =	sdelay $0x2  }
0x7c: {  	v2 =	vadd.s32 $0x989900, v2  }
0x7d: {  	[tilespmem:s13+$0x11400] =	vst v2  }
0x7e: {  	v2 =	vld.idx.msk [tilespmem:v3+s2+$0x0], $0xffff;
	_ =	sdelay $0x2  }
0x7f: {  	v3 =	vor.u32 $0xC, v1;
	_ =	sdelay $0x2  }
0x80: {  	v2 =	vadd.s32 $0xA7DB80, v2  }
0x81: {  	[tilespmem:s13+$0x11600] =	vst v2  }
0x82: {  	v2 =	vld.idx.msk [tilespmem:v3+s2+$0x0], $0xffff;
	_ =	sdelay $0x2  }
0x83: {  	v3 =	vor.u32 $0xD, v1;
	_ =	sdelay $0x2  }
0x84: {  	v2 =	vadd.s32 $0xB71E00, v2  }
0x85: {  	[tilespmem:s13+$0x11800] =	vst v2  }
0x86: {  	v2 =	vld.idx.msk [tilespmem:v3+s2+$0x0], $0xffff;
	_ =	sdelay $0x2  }
0x87: {  	v3 =	vor.u32 $0xE, v1;
	_ =	sdelay $0x2  }
0x88: {  	v2 =	vadd.s32 $0xC66080, v2  }
0x89: {  	[tilespmem:s13+$0x11A00] =	vst v2  }
0x8a: {  	v2 =	vld.idx.msk [tilespmem:v3+s2+$0x0], $0xffff;
	_ =	sdelay $0x2  }
0x8b: {  	v1 =	vor.u32 $0xF, v1;
	_ =	sdelay $0x1  }
.Ltmp0:
0x8c: {  	(pc) =	sbr.rel @p0 .LBB2_2-.Ltmp0, $4  }
0x8d: {  	v2 =	vadd.s32 $0xD5A300, v2  }
0x8e: {  	[tilespmem:s13+$0x11C00] =	vst v2  }
0x8f: {  	v2 =	vld.idx.msk [tilespmem:v1+s2+$0x0], $0xffff  }
0x90: {  	s16 =	sadd.s32 $0x10, s16;
	v1 =	vmov s14  }
0x91: {  	v1 =	vshll.u32 v1, $0x7  }
0x92: {  	v1 =	vor.u32 v0, v1;
	_ =	sdelay $0x2  }
0x93: {  	v2 =	vadd.s32 $0xE4E580, v2  }
0x94: {  	[tilespmem:s13+$0x11E00] =	vst v2  }
0x95: {  	v2 =	vld.idx.msk [tilespmem:v1+s2+$0x0], $0xffff  }
0x96: {  	v3 =	vor.u32 $0x1, v1;
	_ =	sdelay $0x2  }
0x97: {  	s26 =	sadd.s32 $0x10, s15  }
0x98: {  	[tilespmem:s26+$0x0] =	vst v2  }
0x99: {  	v2 =	vld.idx.msk [tilespmem:v3+s2+$0x0], $0xffff;
	_ =	sdelay $0x1  }
0x9a: {  	v3 =	vor.u32 $0x2, v1;
	_ =	sdelay $0x2  }
0x9b: {  	s28 =	sand.u32 $0x1F0, s14;
	v2 =	vadd.s32 $0xF4280, v2  }
0x9c: {  	[tilespmem:s28+$0x10200] =	vst v2  }
0x9d: {  	v2 =	vld.idx.msk [tilespmem:v3+s2+$0x0], $0xffff;
	_ =	sdelay $0x1  }
0x9e: {  	v3 =	vor.u32 $0x3, v1;
	_ =	sdelay $0x2  }
0x9f: {  	v2 =	vadd.s32 $0x1E8500, v2  }
0xa0: {  	[tilespmem:s28+$0x10400] =	vst v2  }
0xa1: {  	v2 =	vld.idx.msk [tilespmem:v3+s2+$0x0], $0xffff;
	_ =	sdelay $0x1  }
0xa2: {  	v3 =	vor.u32 $0x4, v1;
	_ =	sdelay $0x2  }
0xa3: {  	v2 =	vadd.s32 $0x2DC780, v2  }
0xa4: {  	[tilespmem:s28+$0x10600] =	vst v2  }
0xa5: {  	v2 =	vld.idx.msk [tilespmem:v3+s2+$0x0], $0xffff;
	_ =	sdelay $0x1  }
0xa6: {  	v3 =	vor.u32 $0x5, v1;
	_ =	sdelay $0x2  }
0xa7: {  	v2 =	vadd.s32 $0x3D0A00, v2  }
0xa8: {  	[tilespmem:s28+$0x10800] =	vst v2  }
0xa9: {  	v2 =	vld.idx.msk [tilespmem:v3+s2+$0x0], $0xffff;
	_ =	sdelay $0x1  }
0xaa: {  	v3 =	vor.u32 $0x6, v1;
	_ =	sdelay $0x2  }
0xab: {  	v2 =	vadd.s32 $0x4C4C80, v2  }
0xac: {  	[tilespmem:s28+$0x10A00] =	vst v2  }
0xad: {  	v2 =	vld.idx.msk [tilespmem:v3+s2+$0x0], $0xffff;
	_ =	sdelay $0x1  }
0xae: {  	v3 =	vor.u32 $0x7, v1;
	_ =	sdelay $0x2  }
0xaf: {  	v2 =	vadd.s32 $0x5B8F00, v2  }
0xb0: {  	[tilespmem:s28+$0x10C00] =	vst v2  }
0xb1: {  	v2 =	vld.idx.msk [tilespmem:v3+s2+$0x0], $0xffff;
	_ =	sdelay $0x1  }
0xb2: {  	v3 =	vor.u32 $0x8, v1;
	_ =	sdelay $0x2  }
0xb3: {  	v2 =	vadd.s32 $0x6AD180, v2  }
0xb4: {  	[tilespmem:s28+$0x10E00] =	vst v2  }
0xb5: {  	v2 =	vld.idx.msk [tilespmem:v3+s2+$0x0], $0xffff;
	_ =	sdelay $0x1  }
0xb6: {  	v3 =	vor.u32 $0x9, v1;
	_ =	sdelay $0x2  }
0xb7: {  	v2 =	vadd.s32 $0x7A1400, v2  }
0xb8: {  	[tilespmem:s28+$0x11000] =	vst v2  }
0xb9: {  	v2 =	vld.idx.msk [tilespmem:v3+s2+$0x0], $0xffff;
	_ =	sdelay $0x1  }
0xba: {  	v3 =	vor.u32 $0xA, v1;
	_ =	sdelay $0x2  }
0xbb: {  	v2 =	vadd.s32 $0x895680, v2  }
0xbc: {  	[tilespmem:s28+$0x11200] =	vst v2  }
0xbd: {  	v2 =	vld.idx.msk [tilespmem:v3+s2+$0x0], $0xffff;
	_ =	sdelay $0x1  }
0xbe: {  	v3 =	vor.u32 $0xB, v1;
	_ =	sdelay $0x2  }
0xbf: {  	v2 =	vadd.s32 $0x989900, v2  }
0xc0: {  	[tilespmem:s28+$0x11400] =	vst v2  }
0xc1: {  	v2 =	vld.idx.msk [tilespmem:v3+s2+$0x0], $0xffff;
	_ =	sdelay $0x1  }
0xc2: {  	v3 =	vor.u32 $0xC, v1;
	_ =	sdelay $0x2  }
0xc3: {  	v2 =	vadd.s32 $0xA7DB80, v2  }
0xc4: {  	[tilespmem:s28+$0x11600] =	vst v2  }
0xc5: {  	v2 =	vld.idx.msk [tilespmem:v3+s2+$0x0], $0xffff;
	_ =	sdelay $0x1  }
0xc6: {  	v3 =	vor.u32 $0xD, v1;
	_ =	sdelay $0x2  }
0xc7: {  	v2 =	vadd.s32 $0xB71E00, v2  }
0xc8: {  	[tilespmem:s28+$0x11800] =	vst v2  }
0xc9: {  	v2 =	vld.idx.msk [tilespmem:v3+s2+$0x0], $0xffff;
	_ =	sdelay $0x1  }
0xca: {  	v3 =	vor.u32 $0xE, v1;
	_ =	sdelay $0x2  }
0xcb: {  	v2 =	vadd.s32 $0xC66080, v2  }
0xcc: {  	[tilespmem:s28+$0x11A00] =	vst v2  }
0xcd: {  	v2 =	vld.idx.msk [tilespmem:v3+s2+$0x0], $0xffff;
	_ =	sdelay $0x1  }
0xce: {  	v1 =	vor.u32 $0xF, v1;
	_ =	sdelay $0x2  }
0xcf: {  	v2 =	vadd.s32 $0xD5A300, v2  }
0xd0: {  	[tilespmem:s28+$0x11C00] =	vst v2  }
0xd1: {  	v1 =	vld.idx.msk [tilespmem:v1+s2+$0x0], $0xffff;
	_ =	sdelay $0x4  }
0xd2: {  	v1 =	vadd.s32 $0xE4E580, v1  }
0xd3: {  	s29 =	simm.s32 $0x12000;
	[tilespmem:s28+$0x11E00] =	vst v1  }
0xd4: {  	[tilespmem:s29], [sflag:$0x1] =	stream.indirect.gather [hbm4b:s3+s8], $0x1, s9, s8, $0xb8;
	[tilespmem:$0x14200] =	vst v63  }
0xd5: {  	_ =	swait.ge [sflag:s10], $0x2000  }
0xd6: {  	s30 =	simm.s32 $0x0;
	[sflag:s10] =	ssyncset.done $0x0  }
0xd7: {  	s14 =	sand.u32 $0x1F0, s30;
	[sflag:s10] =	ssyncadd.s32 $0xFFFFE000  }
0xd8: {  	v1 =	vld [tilespmem:s14+$0x12200]  }
0xd9: {  	v2 =	vld [tilespmem:s29+$0x0];
	_ =	sdelay $0x1  }
0xda: {  	v3 =	vld [tilespmem:s14+$0x12400];
	_ =	sdelay $0x1  }
0xdb: {  	v4 =	vld [tilespmem:s14+$0x12600]  }
0xdc: {  	v1 =	vadd.f32 v1, v2  }
0xdd: {  	v2 =	vld [tilespmem:s14+$0x12800]  }
0xde: {  	v1 =	vadd.f32 v3, v1  }
0xdf: {  	v3 =	vld [tilespmem:s14+$0x12A00]  }
0xe0: {  	v1 =	vadd.f32 v4, v1  }
0xe1: {  	v60 =	vld [tilespmem:s14+$0x12C00]  }
0xe2: {  	v1 =	vadd.f32 v2, v1  }
0xe3: {  	v2 =	vld [tilespmem:s14+$0x12E00]  }
0xe4: {  	v1 =	vadd.f32 v3, v1  }
0xe5: {  	v3 =	vld [tilespmem:s14+$0x13000]  }
0xe6: {  	v1 =	vadd.f32 v60, v1  }
0xe7: {  	v61 =	vld [tilespmem:s14+$0x13200]  }
0xe8: {  	v1 =	vadd.f32 v2, v1  }
0xe9: {  	v2 =	vld [tilespmem:s14+$0x13400]  }
0xea: {  	v1 =	vadd.f32 v3, v1  }
0xeb: {  	v3 =	vld [tilespmem:s14+$0x13600]  }
0xec: {  	v1 =	vadd.f32 v61, v1  }
0xed: {  	v62 =	vld [tilespmem:s14+$0x13800]  }
0xee: {  	v1 =	vadd.f32 v2, v1  }
0xef: {  	v2 =	vld [tilespmem:s14+$0x13A00]  }
0xf0: {  	v1 =	vadd.f32 v3, v1  }
0xf1: {  	v3 =	vld [tilespmem:s14+$0x13C00]  }
0xf2: {  	v1 =	vadd.f32 v62, v1  }
0xf3: {  	v63 =	vld [tilespmem:s14+$0x13E00]  }
0xf4: {  	v1 =	vadd.f32 v2, v1;
	_ =	sdelay $0x1  }
0xf5: {  	v1 =	vadd.f32 v3, v1;
	_ =	sdelay $0x1  }
0xf6: {  	v1 =	vadd.f32 v63, v1  }
0xf7: {  	s31 =	simm.s32 $0x10;
	s13 =	simm.s32 $0x14000  }
0xf8: {  	s14 =	sand.u32 $0x1F0, s31;
	[tilespmem:s13+$0x0] =	vst v1  }
0xf9: {  	s16 =	simm.s32 $0x20;
	s15 =	simm.s32 $0x12010;
	v1 =	vld [tilespmem:s14+$0x12200]  }
.LBB2_4:
0xfa: {  	p0 =	sne.s32 s16, $0x1F0;
	v2 =	vld [tilespmem:s15+$0x0];
	_ =	sdelay $0x1  }
0xfb: {  	v3 =	vld [tilespmem:s14+$0x12400];
	_ =	sdelay $0x1  }
0xfc: {  	v4 =	vld [tilespmem:s14+$0x12600]  }
0xfd: {  	v1 =	vadd.f32 v1, v2  }
0xfe: {  	v2 =	vld [tilespmem:s14+$0x12800]  }
0xff: {  	v1 =	vadd.f32 v3, v1  }
0x100: {  	v3 =	vld [tilespmem:s14+$0x12A00]  }
0x101: {  	v1 =	vadd.f32 v4, v1  }
0x102: {  	v4 =	vld [tilespmem:s14+$0x12C00]  }
0x103: {  	v1 =	vadd.f32 v2, v1  }
0x104: {  	v2 =	vld [tilespmem:s14+$0x12E00]  }
0x105: {  	v1 =	vadd.f32 v3, v1  }
0x106: {  	v3 =	vld [tilespmem:s14+$0x13000]  }
0x107: {  	v1 =	vadd.f32 v4, v1  }
0x108: {  	v4 =	vld [tilespmem:s14+$0x13200]  }
0x109: {  	v1 =	vadd.f32 v2, v1  }
0x10a: {  	v2 =	vld [tilespmem:s14+$0x13400]  }
0x10b: {  	v1 =	vadd.f32 v3, v1  }
0x10c: {  	v3 =	vld [tilespmem:s14+$0x13600]  }
0x10d: {  	v1 =	vadd.f32 v4, v1  }
0x10e: {  	v4 =	vld [tilespmem:s14+$0x13800]  }
0x10f: {  	v1 =	vadd.f32 v2, v1  }
0x110: {  	v2 =	vld [tilespmem:s14+$0x13A00]  }
0x111: {  	v1 =	vadd.f32 v3, v1  }
0x112: {  	v3 =	vld [tilespmem:s14+$0x13C00]  }
0x113: {  	v1 =	vadd.f32 v4, v1  }
0x114: {  	v4 =	vld [tilespmem:s14+$0x13E00]  }
0x115: {  	v1 =	vadd.f32 v2, v1;
	_ =	sdelay $0x1  }
0x116: {  	v1 =	vadd.f32 v3, v1  }
.Ltmp1:
0x117: {  	(pc) =	sbr.rel @p0 .LBB2_4-.Ltmp1, $4  }
0x118: {  	v1 =	vadd.f32 v4, v1  }
0x119: {  	s13 =	sadd.s32 $0x10, s13  }
0x11a: {  	s14 =	sand.u32 $0x1F0, s16;
	[tilespmem:s13+$0x0] =	vst v1  }
0x11b: {  	s15 =	sadd.s32 $0x10, s15;
	s16 =	sadd.s32 $0x10, s16;
	v1 =	vld [tilespmem:s14+$0x12200]  }
0x11c: {  	v2 =	vld [tilespmem:s15+$0x0];
	_ =	sdelay $0x1  }
0x11d: {  	v3 =	vld [tilespmem:s14+$0x12400];
	_ =	sdelay $0x1  }
0x11e: {  	v4 =	vld [tilespmem:s14+$0x12600]  }
0x11f: {  	v1 =	vadd.f32 v1, v2  }
0x120: {  	v2 =	vld [tilespmem:s14+$0x12800]  }
0x121: {  	v1 =	vadd.f32 v3, v1  }
0x122: {  	v3 =	vld [tilespmem:s14+$0x12A00]  }
0x123: {  	v1 =	vadd.f32 v4, v1  }
0x124: {  	v60 =	vld [tilespmem:s14+$0x12C00]  }
0x125: {  	v1 =	vadd.f32 v2, v1  }
0x126: {  	v2 =	vld [tilespmem:s14+$0x12E00]  }
0x127: {  	v1 =	vadd.f32 v3, v1  }
0x128: {  	v3 =	vld [tilespmem:s14+$0x13000]  }
0x129: {  	v1 =	vadd.f32 v60, v1  }
0x12a: {  	v61 =	vld [tilespmem:s14+$0x13200]  }
0x12b: {  	v1 =	vadd.f32 v2, v1  }
0x12c: {  	v2 =	vld [tilespmem:s14+$0x13400]  }
0x12d: {  	v1 =	vadd.f32 v3, v1  }
0x12e: {  	v3 =	vld [tilespmem:s14+$0x13600]  }
0x12f: {  	v1 =	vadd.f32 v61, v1  }
0x130: {  	v62 =	vld [tilespmem:s14+$0x13800]  }
0x131: {  	v1 =	vadd.f32 v2, v1  }
0x132: {  	v2 =	vld [tilespmem:s14+$0x13A00]  }
0x133: {  	v1 =	vadd.f32 v3, v1  }
0x134: {  	v3 =	vld [tilespmem:s14+$0x13C00]  }
0x135: {  	v1 =	vadd.f32 v62, v1  }
0x136: {  	v63 =	vld [tilespmem:s14+$0x13E00]  }
0x137: {  	v1 =	vadd.f32 v2, v1;
	_ =	sdelay $0x1  }
0x138: {  	v1 =	vadd.f32 v3, v1;
	_ =	sdelay $0x1  }
0x139: {  	s12 =	sadd.s32 $0x1, s12;
	v1 =	vadd.f32 v63, v1  }
0x13a: {  	s13 =	sadd.s32 $0x10, s13;
	p0 =	sne.s32 s12, s6  }
.Ltmp2:
0x13b: {  	[tilespmem:s13+$0x0] =	vst v1;
	(pc) =	sbr.rel @p0 .LBB2_1-.Ltmp2, $4  }
0x13c: {  	[hbm4b:s5+s2] =	stream.linear.scatter [tilespmem:s11], [sflag:$0x2], $0x200, $0x38;
	[tilespmem:$0x14200] =	vst v63  }
0x13d: {  	_ =	swait.ge [sflag:s7], $0x200  }
0x13e: {  	[sflag:s7] =	ssyncset.done $0x0  }
0x13f: {  	[sflag:s7] =	ssyncadd.s32 $0xFFFFFE00  }
0x140: {  	_ =	sfence.sel $0x180000  }
0x141: {  	[bflag:$0x0] =	sbarrier.arrive $0xFFFF  }
0x142: {  	p0 =	sne.s32 s1, $0x0;
	_ =	strace $0x90000047  }
0x143: {  	s0 =	sadd.s32 @!p0 $0x100000, s0;
	[bflag:$0x2] =	sbarrier.arrive $0xFFFF  }
0x144: {  	[sflag:s0] =	ssyncadd.tile.s32 @!p0 $0x1;
	_ =	shalt  }
.Lfunc_end2:
_tile_overlayer_lowered:
.L_overlay_start_2:
0x145: {  	(tag) =	ssettag $0x2  }
0x146: {  	s0 =	rddreg [dreg:$0x0];
	s2 =	stileid.u32  }
0x147: {  	s1 =	rddreg [dreg:$0x1];
	p0 =	sne.s32 s2, $0x0  }
0x148: {  	s3 =	rddreg [dreg:$0x2];
	[bflag:$0x3] =	sbarrier.arrive $0xFFFF;
	s2 =	simm.s32 @!p0 $0x1C02  }
0x149: {  	[timem:s3], [sflag:s2] =	dma.local @!p0 [hbm:s0], s1  }
0x14a: {  	s0 =	simm.s32 @!p0 $0x2  }
0x14b: {  	_ =	swait.ge @!p0 [sflag:s0], s1  }
0x14c: {  	s1 =	ssub.s32 @!p0 $0x0, s1;
	[sflag:s0] =	ssyncset.done @!p0 $0x0  }
0x14d: {  	[sflag:s0] =	ssyncadd.s32 @!p0 s1  }
0x14e: {  	[bflag:$0x3] =	sbarrier.arrive $0xFFFF  }
0x14f: {  	_ =	shalt  }

// kernel: kernel.9.cloned.1.call-start
scs
__scs_entry_jumppad:
0x0: {  	(pc) =	sbr.rel $0x88, $3  }
0x1: {  	(tag) =	ssettag $0x0;
	lr =	simm.s32 $0x1  }
0x2: {  	[smem:$0x3F9F] =	sst lr;
	_ =	strace $0xD0000000  }
0x3: {  	_ = 	snop  }
0x4: {  	_ = 	snop  }
0x5: {  	_ = 	snop  }
0x6: {  	_ = 	snop  }
0x7: {  	_ = 	snop  }
__scs_overlays_trampoline_lowered:
0x8: {  	[smem:$0x3FAE] =	sst s0  }
0x9: {  	[smem:$0x3FAF] =	sst s1  }
0xa: {  	[smem:$0x3FB0] =	sst s2  }
0xb: {  	[smem:$0x3FB1] =	sst s3  }
0xc: {  	[smem:$0x3FB2] =	sst s4  }
0xd: {  	[smem:$0x3FB3] =	sst s5  }
0xe: {  	[smem:$0x3FB4] =	sst s6  }
0xf: {  	[smem:$0x3FB5] =	sst s7  }
0x10: {  	[smem:$0x3FB6] =	sst s8  }
0x11: {  	[smem:$0x3FB7] =	sst s9;
	s0 =	simm.s32 @!p0 $0x0  }
0x12: {  	s1 =	sld [smem:$0x3F9D];
	s0 =	simm.s32 @p0 $0x1  }
0x13: {  	[smem:$0x3FB8] =	sst s0;
	s0 =	simm.s32 @!p1 $0x0  }
0x14: {  	s2 =	sld [smem:$0x3F9C];
	s0 =	simm.s32 @p1 $0x1  }
0x15: {  	[smem:$0x3FB9] =	sst s0;
	s0 =	simm.s32 @!p2 $0x0  }
0x16: {  	s3 =	sld [smem:$0x3FDB];
	s0 =	simm.s32 @p2 $0x1  }
0x17: {  	s4 =	simm.s32 $0x1BF5;
	[smem:$0x3FBB] =	sst s0  }
0x18: {  	s0 =	sld [smem:$0x3F9E];
	_ =	swait.ge [sflag:s4], $0x0  }
0x19: {  	s7 =	sld [smem:$0x3F9F]  }
0x1a: {  	s8 =	sadd.s32 $0xFFFFE003, lr  }
0x1b: {  	s9 =	sadd.s32 $0xFFFFFEF7, lr;
	s5 =	simm.s32 $0xFFFFFFFF;
	p2 =	slt.u32 s8, $0xFFFFF086  }
0x1c: {  	p1 =	slt.u32 s9, $0xF7A;
	s5 =	simm.s32 @!p2 $0x0  }
0x1d: {  	s5 =	simm.s32 @p1 $0x1;
	p0 =	seq.s32 s7, s2  }
0x1e: {  	s7 =	smul.u32 @!p0 $0xF7A, s2;
	p2 =	seq.s32 @!p0 s5, $0x0  }
0x1f: {  	s9 =	smul.u32 $0xF7A, s1;
	s8 =	simm.s32 @!p0 $0x1BF5;
	p2 =	por !p2, p0  }
0x20: {  	[sflag:s8] =	ssyncset.s32 @!p0 $0xFFFFF086;
	s6 =	sadd.s32 @!p0 s3, s7;
	s7 =	simm.s32 @!p0 $0x108  }
0x21: {  	s3 =	sadd.s32 s3, s9;
	s6 =	sadd.s32 @!p0 $0x88, s6;
	s7 =	simm.s32 @p2 $0x1082  }
0x22: {  	[simem:s7], [sflag:s8] =	dma.local @!p0 [hbm:s6], $0xF7A  }
0x23: {  	s9 =	sor.u32 $0xD0000000, s2;
	s6 =	simm.s32 $0x108;
	_ =	swait.ge @!p0 [sflag:s8], $0x0  }
0x24: {  	s3 =	sadd.s32 $0x88, s3;
	s6 =	simm.s32 @!p1 $0x1082;
	[sflag:s4] =	ssyncset.s32 $0xFFFFF086  }
0x25: {  	[simem:s6], [sflag:s4] =	dma.local [hbm:s3], $0xF7A  }
0x26: {  	[smem:$0x3F9F] =	sst s1;
	(tag) =	ssettag s2;
	_ =	strace s9  }
0x27: {  	s1 =	sld [smem:$0x3FAF]  }
0x28: {  	s2 =	sld [smem:$0x3FB0]  }
0x29: {  	s4 =	sld [smem:$0x3FB2]  }
0x2a: {  	p0 =	seq.s32 s5, $0x0;
	s5 =	sld [smem:$0x3FB3]  }
0x2b: {  	s6 =	sld [smem:$0x3FB4]  }
0x2c: {  	s7 =	sld [smem:$0x3FB5]  }
0x2d: {  	s3 =	simm.s32 $0x108;
	s8 =	sld [smem:$0x3FB6]  }
0x2e: {  	s3 =	simm.s32 @!p0 $0x1082;
	s9 =	sld [smem:$0x3FB7]  }
0x2f: {  	lr =	sadd.s32 s0, s3;
	s0 =	sld [smem:$0x3FAE]  }
0x30: {  	s3 =	sld [smem:$0x3FB1]  }
0x31: {  	[smem:$0x3FBA] =	sst s10  }
0x32: {  	s10 =	sld [smem:$0x3FB8];
	_ =	sdelay $0x3  }
0x33: {  	p0 =	seq.s32 s10, $0x1;
	s10 =	sld [smem:$0x3FBA];
	_ =	sdelay $0x3  }
0x34: {  	[smem:$0x3FBA] =	sst s10  }
0x35: {  	s10 =	sld [smem:$0x3FB9];
	_ =	sdelay $0x3  }
0x36: {  	p1 =	seq.s32 s10, $0x1;
	s10 =	sld [smem:$0x3FBA];
	_ =	sdelay $0x3  }
0x37: {  	[smem:$0x3FBA] =	sst s10  }
0x38: {  	s10 =	sld [smem:$0x3FBB]  }
0x39: {  	_ = 	snop;
	(pc) =	sbr.ind lr, $3  }
0x3a: {  	_ = 	snop  }
0x3b: {  	_ = 	snop  }
0x3c: {  	p2 =	seq.s32 s10, $0x1;
	s10 =	sld [smem:$0x3FBA]  }
0x3d: {  	_ =	shalt  }
0x3e: {  	_ =	shalt  }
0x3f: {  	_ =	shalt  }
0x40: {  	_ =	shalt  }
0x41: {  	_ =	shalt  }
0x42: {  	_ =	shalt  }
0x43: {  	_ =	shalt  }
0x44: {  	_ =	shalt  }
0x45: {  	_ =	shalt  }
0x46: {  	_ =	shalt  }
0x47: {  	_ =	shalt  }
0x48: {  	_ =	shalt  }
0x49: {  	_ =	shalt  }
0x4a: {  	_ =	shalt  }
0x4b: {  	_ =	shalt  }
0x4c: {  	_ =	shalt  }
0x4d: {  	_ =	shalt  }
0x4e: {  	_ =	shalt  }
0x4f: {  	_ =	shalt  }
0x50: {  	_ =	shalt  }
0x51: {  	_ =	shalt  }
0x52: {  	_ =	shalt  }
0x53: {  	_ =	shalt  }
0x54: {  	_ =	shalt  }
0x55: {  	_ =	shalt  }
0x56: {  	_ =	shalt  }
0x57: {  	_ =	shalt  }
0x58: {  	_ =	shalt  }
0x59: {  	_ =	shalt  }
0x5a: {  	_ =	shalt  }
0x5b: {  	_ =	shalt  }
0x5c: {  	_ =	shalt  }
0x5d: {  	_ =	shalt  }
0x5e: {  	_ =	shalt  }
0x5f: {  	_ =	shalt  }
0x60: {  	_ =	shalt  }
0x61: {  	_ =	shalt  }
0x62: {  	_ =	shalt  }
0x63: {  	_ =	shalt  }
0x64: {  	_ =	shalt  }
0x65: {  	_ =	shalt  }
0x66: {  	_ =	shalt  }
0x67: {  	_ =	shalt  }
0x68: {  	_ =	shalt  }
0x69: {  	_ =	shalt  }
0x6a: {  	_ =	shalt  }
0x6b: {  	_ =	shalt  }
0x6c: {  	_ =	shalt  }
0x6d: {  	_ =	shalt  }
0x6e: {  	_ =	shalt  }
0x6f: {  	_ =	shalt  }
0x70: {  	_ =	shalt  }
0x71: {  	_ =	shalt  }
0x72: {  	_ =	shalt  }
0x73: {  	_ =	shalt  }
0x74: {  	_ =	shalt  }
0x75: {  	_ =	shalt  }
0x76: {  	_ =	shalt  }
0x77: {  	_ =	shalt  }
0x78: {  	_ =	shalt  }
0x79: {  	_ =	shalt  }
0x7a: {  	_ =	shalt  }
0x7b: {  	_ =	shalt  }
0x7c: {  	_ =	shalt  }
0x7d: {  	_ =	shalt  }
0x7e: {  	_ =	shalt  }
0x7f: {  	_ =	shalt  }
0x80: {  	_ =	shalt  }
0x81: {  	_ =	shalt  }
0x82: {  	_ =	shalt  }
0x83: {  	_ =	shalt  }
0x84: {  	_ =	shalt  }
0x85: {  	_ =	shalt  }
0x86: {  	_ =	shalt  }
0x87: {  	_ =	shalt  }
.Lfunc_end0:
.L_simem_size_0:
called_computation.1_lowered:
.L_overlay_start_0:
0x88: {  	s2 =	sld [smem:$0x3FD9]  }
0x89: {  	s3 =	sld [smem:$0x3FFE];
	_ =	sdelay $0x1  }
0x8a: {  	s1 =	srdreg.scid  }
0x8b: {  	s0 =	sand.u32 $0x1, s1  }
0x8c: {  	s17 =	sshll.u32 s0, $0xA;
	s2 =	sadd.s32 s3, s2  }
0x8d: {  	s2 =	sadd.s32 s2, s17  }
0x8e: {  	[smem:$0x3FC6] =	sst s2  }
0x8f: {  	_ = 	snop  }
0x90: {  	s18 =	sld [smem:$0x3FD0];
	(tm) =	ssettm $0x1  }
0x91: {  	s19 =	sld [smem:$0x3FFB];
	_ =	sdelay $0x3  }
0x92: {  	_ =	strace s19  }
0x93: {  	s2 =	sld [smem:$0x3FFC];
	_ =	sdelay $0x3  }
0x94: {  	_ =	strace s2  }
0x95: {  	s2 =	sld [smem:$0x3FFD];
	_ =	sdelay $0x3  }
0x96: {  	_ =	strace s2  }
0x97: {  	_ =	strace $0x8FFFFFFF  }
0x98: {  	s20 =	sld [smem:$0x3FDB];
	_ =	sdelay $0x1  }
0x99: {  	s4 =	simm.s32 $_scs_section_size  }
0x9a: {  	s5 =	simm.s32 $_size__tile_overlayer_lowered;
	s6 =	simm.s32 $_tile_overlayer_lowered  }
0x9b: {  	s7 =	simm.s32 $0x1BFF;
	s21 =	sshll.u32 s6, $0x1;
	s4 =	sadd.s32 s4, s20  }
0x9c: {  	s22 =	simm.s32 $0x0;
	s5 =	sshll.u32 s5, $0x1;
	s6 =	sadd.s32 s21, s4  }
0x9d: {  	[timem:s22], [sflag:s7] =	dma.local [hbm:s6], s5  }
0x9e: {  	_ =	swait.ge [sflag:s7], s5  }
0x9f: {  	s5 =	ssub.s32 $0x0, s5;
	[sflag:s7] =	ssyncset.done $0x0  }
0xa0: {  	[sflag:s7] =	ssyncadd.s32 s5;
	_ =	sdelay $0x1  }
0xa1: {  	s23 =	simm.s32 $0x1B8B  }
0xa2: {  	_ =	swait.ge [sflag:s23], $0x1  }
0xa3: {  	[sflag:s23] =	ssyncset.done $0x0  }
0xa4: {  	[sflag:s23] =	ssyncadd.s32 $0xFFFFFFFF  }
0xa5: {  	s5 =	sld [smem:$0x0]  }
0xa6: {  	s6 =	sand.u32 $0xFFFFFFFE, s1  }
0xa7: {  	p0 =	sne.s32 s1, s6  }
0xa8: {  	s6 =	sshll.u32 @p0 s6, $0xE  }
0xa9: {  	s6 =	sadd.s32 @p0 $0x11B8D, s6;
	s7 =	sshll.u32 @p0 s5, $0x11  }
0xaa: {  	s6 =	sor.u32 @p0 s7, s6  }
0xab: {  	[sflag:s6] =	ssyncadd.remote.s32 @p0 $0x1;
	_ =	sdelay $0x1  }
0xac: {  	s6 =	simm.s32 @p0 $0x1B8D  }
0xad: {  	_ =	swait.eq @p0 [sflag:s6], $0x1  }
0xae: {  	[sflag:s6] =	ssyncadd.s32 @p0 $0xFFFFFFFF  }
0xaf: {  	s7 =	sshll.u32 @!p0 s1, $0xE  }
0xb0: {  	s7 =	sor.u32 @!p0 $0x4000, s7;
	s6 =	simm.s32 @!p0 $0x1B8D  }
0xb1: {  	s5 =	sshll.u32 @!p0 s5, $0x11;
	s7 =	sadd.s32 @!p0 $0x11B8D, s7;
	_ =	swait.eq @!p0 [sflag:s6], $0x1  }
0xb2: {  	s5 =	sor.u32 @!p0 s5, s7;
	[sflag:s6] =	ssyncadd.s32 @!p0 $0xFFFFFFFF  }
0xb3: {  	s25 =	simm.s32 $0x1B8E;
	s24 =	sld [smem:$0x3FFE];
	[sflag:s5] =	ssyncadd.remote.s32 @!p0 $0x1  }
0xb4: {  	s26 =	simm.s32 $execute0_lowered;
	[smem:$0x3FD2] =	sst s25  }
0xb5: {  	s6 =	sshll.u32 s26, $0x1;
	_ =	strace $0x80000049;
	[dreg:$0x1] =	wrdreg $0xFFFFFFFF  }
0xb6: {  	s28 =	simm.s32 $_size_execute0_lowered;
	s4 =	sadd.s32 s4, s6;
	[dreg:$0x0] =	wrdreg $0x0  }
0xb7: {  	s6 =	sshll.u32 s28, $0x1;
	[dreg:$0x2] =	wrdreg s4  }
0xb8: {  	[dreg:$0x3] =	wrdreg s6  }
0xb9: {  	[dreg:$0x4] =	wrdreg $0xC0  }
0xba: {  	_ =	task [dreg:s22], $0x5FFFF  }
0xbb: {  	[dreg:$0x1] =	wrdreg $0xFFFFFFFF  }
0xbc: {  	[dreg:$0x0] =	wrdreg $0x60  }
0xbd: {  	[dreg:$0x2] =	wrdreg s24  }
0xbe: {  	[dreg:$0x3] =	wrdreg s18  }
0xbf: {  	[dreg:$0x4] =	wrdreg $0xA  }
0xc0: {  	_ =	task.clear_ibuf [dreg:s22], $0x5FFFF;
	_ =	strace $0x90000049  }
0xc1: {  	s29 =	simm.s32 $0xA;
	_ =	strace $0x8000004B  }
0xc2: {  	_ =	swait.ge [sflag:s29], $0x1  }
0xc3: {  	[sflag:s29] =	ssyncadd.s32 $0xFFFFFFFF  }
0xc4: {  	_ =	strace $0x9000004B  }
0xc5: {  	_ =	sfence  }
0xc6: {  	s30 =	sld [smem:$0x0];
	_ =	sdelay $0x2  }
0xc7: {  	s31 =	sshll.u32 s1, $0xD;
	s1 =	sshrl.u32 s1, $0x2  }
0xc8: {  	s4 =	sand.u32 $0x4000, s31;
	s1 =	sadd.s32 s1, s30  }
0xc9: {  	s0 =	sor.u32 s4, s0;
	s1 =	sshll.u32 s1, $0x11  }
0xca: {  	s0 =	sor.u32 s1, s0  }
0xcb: {  	s0 =	sadd.s32 $0x8F2B, s0  }
0xcc: {  	[sflag:s0] =	ssyncadd.remote.s32 $0x1  }
0xcd: {  	_ =	sfence.sel $0xFFFF  }
0xce: {  	[dreg:$0x0] =	wrdreg $0xFFFFFFFF;
	(pc) =	sbr.abs _section_cstart, $3  }
0xcf: {  	[dreg:$0x1] =	wrdreg $0xFFFFFFFF  }
0xd0: {  	_ =	task.clear_ibuf [dreg:s22], $0x2FFFF;
	_ =	strace $0x9FFFFFFF  }
0xd1: {  	(tm) =	ssettm $0x7FFFFFFF  }
tec
execute0_lowered:
.L_overlay_start_1:
0x0: {  	(tag) =	ssettag $0x1  }
0x1: {  	s1 =	srdreg.scid;
	s3 =	rddreg [dreg:$0x0]  }
0x2: {  	s0 =	stileid.u32;
	s5 =	rddreg [dreg:$0x1]  }
0x3: {  	s2 =	simm.s32 $0x0;
	s9 =	simm.s32 $0x10000;
	s10 =	simm.s32 $0x1  }
0x4: {  	s11 =	simm.s32 $0x12800;
	s12 =	simm.s32 $0x0;
	s4 =	sand.u32 $0x1, s1  }
0x5: {  	s6 =	sshll.u32 s0, $0xA;
	s1 =	rddreg [dreg:$0x2];
	s7 =	sshll.u32 s4, $0x9  }
0x6: {  	[smem:$0x7FF] =	sst s2;
	s4 =	ssub.s32 $0x2, s4;
	s6 =	sor.u32 s7, s6  }
0x7: {  	_ =	strace $0x8000004A;
	s8 =	sshrl.u32 s4, $0x1;
	s7 =	sshll.u32 s6, $0x4  }
0x8: {  	s8 =	ssub.s32 s4, s8;
	s6 =	sshrl.u32 s6, $0x3;
	s7 =	sadd.s32 s7, s3  }
0x9: {  	v0 =	vlaneseq.u32;
	s3 =	sadd.s32 $0x229600, s3;
	s5 =	sadd.s32 s5, s6;
	s6 =	smax.u32 s8, $0x1  }
0xa: {  	v0 =	vmul.u32 $0x80, v0;
	s8 =	simm.s32 $0x1400;
	s4 =	sadd.s32 $0x800, s7;
	s7 =	simm.s32 $0x2  }
.LBB2_1:
0xb: {  	v1 =	vmov s2  }
0xc: {  	v1 =	vshll.u32 v1, $0x7  }
0xd: {  	v1 =	vor.u32 v0, v1  }
0xe: {  	v2 =	vor.u32 $0x10, v1  }
0xf: {  	[tilespmem:s2], [sflag:$0x2] =	stream.linear.gather [hbm4b:s4+s2], $0x10000, $0x38;
	[tilespmem:$0x12A00] =	vst v63  }
0x10: {  	_ =	swait.ge [sflag:s7], $0x10000  }
0x11: {  	[sflag:s7] =	ssyncset.done $0x0  }
0x12: {  	[sflag:s7] =	ssyncadd.s32 $0xFFFF0000  }
0x13: {  	v2 =	vld.idx.msk [tilespmem:v2+s2+$0x0], $0xffff  }
0x14: {  	v3 =	vor.u32 $0x11, v1;
	_ =	sdelay $0x3  }
0x15: {  	[tilespmem:s9+$0x0] =	vst v2  }
0x16: {  	v2 =	vld.idx.msk [tilespmem:v3+s2+$0x0], $0xffff;
	_ =	sdelay $0x1  }
0x17: {  	v3 =	vor.u32 $0x12, v1;
	_ =	sdelay $0x2  }
0x18: {  	s14 =	sand.u32 $0x1F0, s2;
	v2 =	vadd.s32 $0xF4280, v2  }
0x19: {  	[tilespmem:s14+$0x10200] =	vst v2  }
0x1a: {  	v2 =	vld.idx.msk [tilespmem:v3+s2+$0x0], $0xffff;
	_ =	sdelay $0x1  }
0x1b: {  	v3 =	vor.u32 $0x13, v1;
	_ =	sdelay $0x2  }
0x1c: {  	v2 =	vadd.s32 $0x1E8500, v2  }
0x1d: {  	[tilespmem:s14+$0x10400] =	vst v2  }
0x1e: {  	v2 =	vld.idx.msk [tilespmem:v3+s2+$0x0], $0xffff;
	_ =	sdelay $0x1  }
0x1f: {  	v3 =	vor.u32 $0x14, v1;
	_ =	sdelay $0x2  }
0x20: {  	v2 =	vadd.s32 $0x2DC780, v2  }
0x21: {  	[tilespmem:s14+$0x10600] =	vst v2  }
0x22: {  	v2 =	vld.idx.msk [tilespmem:v3+s2+$0x0], $0xffff;
	_ =	sdelay $0x1  }
0x23: {  	v3 =	vor.u32 $0x15, v1;
	_ =	sdelay $0x2  }
0x24: {  	v2 =	vadd.s32 $0x3D0A00, v2  }
0x25: {  	[tilespmem:s14+$0x10800] =	vst v2  }
0x26: {  	v2 =	vld.idx.msk [tilespmem:v3+s2+$0x0], $0xffff;
	_ =	sdelay $0x1  }
0x27: {  	v3 =	vor.u32 $0x16, v1;
	_ =	sdelay $0x2  }
0x28: {  	v2 =	vadd.s32 $0x4C4C80, v2  }
0x29: {  	[tilespmem:s14+$0x10A00] =	vst v2  }
0x2a: {  	v2 =	vld.idx.msk [tilespmem:v3+s2+$0x0], $0xffff;
	_ =	sdelay $0x1  }
0x2b: {  	v3 =	vor.u32 $0x17, v1;
	_ =	sdelay $0x2  }
0x2c: {  	v2 =	vadd.s32 $0x5B8F00, v2  }
0x2d: {  	[tilespmem:s14+$0x10C00] =	vst v2  }
0x2e: {  	v2 =	vld.idx.msk [tilespmem:v3+s2+$0x0], $0xffff;
	_ =	sdelay $0x1  }
0x2f: {  	v3 =	vor.u32 $0x18, v1;
	_ =	sdelay $0x2  }
0x30: {  	v2 =	vadd.s32 $0x6AD180, v2  }
0x31: {  	[tilespmem:s14+$0x10E00] =	vst v2  }
0x32: {  	v2 =	vld.idx.msk [tilespmem:v3+s2+$0x0], $0xffff;
	_ =	sdelay $0x1  }
0x33: {  	v1 =	vor.u32 $0x19, v1;
	_ =	sdelay $0x2  }
0x34: {  	v2 =	vadd.s32 $0x7A1400, v2  }
0x35: {  	s13 =	simm.s32 $0x10;
	[tilespmem:s14+$0x11000] =	vst v2  }
0x36: {  	s16 =	simm.s32 $0x20;
	s15 =	simm.s32 $0x10000;
	v2 =	vmov s13;
	v1 =	vld.idx.msk [tilespmem:v1+s2+$0x0], $0xffff  }
.LBB2_2:
0x37: {  	p0 =	sne.s32 s16, $0x1F0;
	v2 =	vshll.u32 v2, $0x7  }
0x38: {  	v2 =	vor.u32 v0, v2  }
0x39: {  	v3 =	vor.u32 $0x10, v2;
	_ =	sdelay $0x2  }
0x3a: {  	v1 =	vadd.s32 $0x895680, v1  }
0x3b: {  	[tilespmem:s14+$0x11200] =	vst v1  }
0x3c: {  	v1 =	vld.idx.msk [tilespmem:v3+s2+$0x0], $0xffff;
	_ =	sdelay $0x1  }
0x3d: {  	v3 =	vor.u32 $0x11, v2;
	_ =	sdelay $0x2  }
0x3e: {  	s15 =	sadd.s32 $0x10, s15  }
0x3f: {  	[tilespmem:s15+$0x0] =	vst v1  }
0x40: {  	v1 =	vld.idx.msk [tilespmem:v3+s2+$0x0], $0xffff;
	_ =	sdelay $0x2  }
0x41: {  	v3 =	vor.u32 $0x12, v2;
	_ =	sdelay $0x2  }
0x42: {  	s14 =	sand.u32 $0x1F0, s13;
	s13 =	smov.u32 s16;
	v1 =	vadd.s32 $0xF4280, v1  }
0x43: {  	[tilespmem:s14+$0x10200] =	vst v1  }
0x44: {  	v1 =	vld.idx.msk [tilespmem:v3+s2+$0x0], $0xffff;
	_ =	sdelay $0x2  }
0x45: {  	v3 =	vor.u32 $0x13, v2;
	_ =	sdelay $0x2  }
0x46: {  	v1 =	vadd.s32 $0x1E8500, v1  }
0x47: {  	[tilespmem:s14+$0x10400] =	vst v1  }
0x48: {  	v1 =	vld.idx.msk [tilespmem:v3+s2+$0x0], $0xffff;
	_ =	sdelay $0x2  }
0x49: {  	v3 =	vor.u32 $0x14, v2;
	_ =	sdelay $0x2  }
0x4a: {  	v1 =	vadd.s32 $0x2DC780, v1  }
0x4b: {  	[tilespmem:s14+$0x10600] =	vst v1  }
0x4c: {  	v1 =	vld.idx.msk [tilespmem:v3+s2+$0x0], $0xffff;
	_ =	sdelay $0x2  }
0x4d: {  	v3 =	vor.u32 $0x15, v2;
	_ =	sdelay $0x2  }
0x4e: {  	v1 =	vadd.s32 $0x3D0A00, v1  }
0x4f: {  	[tilespmem:s14+$0x10800] =	vst v1  }
0x50: {  	v1 =	vld.idx.msk [tilespmem:v3+s2+$0x0], $0xffff;
	_ =	sdelay $0x2  }
0x51: {  	v3 =	vor.u32 $0x16, v2;
	_ =	sdelay $0x2  }
0x52: {  	v1 =	vadd.s32 $0x4C4C80, v1  }
0x53: {  	[tilespmem:s14+$0x10A00] =	vst v1  }
0x54: {  	v1 =	vld.idx.msk [tilespmem:v3+s2+$0x0], $0xffff;
	_ =	sdelay $0x2  }
0x55: {  	v3 =	vor.u32 $0x17, v2;
	_ =	sdelay $0x2  }
0x56: {  	v1 =	vadd.s32 $0x5B8F00, v1  }
0x57: {  	[tilespmem:s14+$0x10C00] =	vst v1  }
0x58: {  	v1 =	vld.idx.msk [tilespmem:v3+s2+$0x0], $0xffff;
	_ =	sdelay $0x2  }
0x59: {  	v3 =	vor.u32 $0x18, v2;
	_ =	sdelay $0x2  }
0x5a: {  	v1 =	vadd.s32 $0x6AD180, v1  }
0x5b: {  	[tilespmem:s14+$0x10E00] =	vst v1  }
0x5c: {  	v1 =	vld.idx.msk [tilespmem:v3+s2+$0x0], $0xffff;
	_ =	sdelay $0x2  }
0x5d: {  	v3 =	vor.u32 $0x19, v2  }
.Ltmp0:
0x5e: {  	(pc) =	sbr.rel @p0 .LBB2_2-.Ltmp0, $4  }
0x5f: {  	_ = 	snop  }
0x60: {  	v1 =	vadd.s32 $0x7A1400, v1  }
0x61: {  	[tilespmem:s14+$0x11000] =	vst v1  }
0x62: {  	s16 =	sadd.s32 $0x10, s16;
	v2 =	vmov s13;
	v1 =	vld.idx.msk [tilespmem:v3+s2+$0x0], $0xffff  }
0x63: {  	v2 =	vshll.u32 v2, $0x7  }
0x64: {  	v2 =	vor.u32 v0, v2  }
0x65: {  	v3 =	vor.u32 $0x10, v2;
	_ =	sdelay $0x2  }
0x66: {  	v1 =	vadd.s32 $0x895680, v1  }
0x67: {  	[tilespmem:s14+$0x11200] =	vst v1  }
0x68: {  	v1 =	vld.idx.msk [tilespmem:v3+s2+$0x0], $0xffff  }
0x69: {  	v3 =	vor.u32 $0x11, v2;
	_ =	sdelay $0x2  }
0x6a: {  	s28 =	sadd.s32 $0x10, s15  }
0x6b: {  	[tilespmem:s28+$0x0] =	vst v1  }
0x6c: {  	v1 =	vld.idx.msk [tilespmem:v3+s2+$0x0], $0xffff;
	_ =	sdelay $0x1  }
0x6d: {  	v3 =	vor.u32 $0x12, v2;
	_ =	sdelay $0x2  }
0x6e: {  	s13 =	sand.u32 $0x1F0, s13;
	v1 =	vadd.s32 $0xF4280, v1  }
0x6f: {  	[tilespmem:s13+$0x10200] =	vst v1  }
0x70: {  	v1 =	vld.idx.msk [tilespmem:v3+s2+$0x0], $0xffff;
	_ =	sdelay $0x1  }
0x71: {  	v3 =	vor.u32 $0x13, v2;
	_ =	sdelay $0x2  }
0x72: {  	v1 =	vadd.s32 $0x1E8500, v1  }
0x73: {  	[tilespmem:s13+$0x10400] =	vst v1  }
0x74: {  	v1 =	vld.idx.msk [tilespmem:v3+s2+$0x0], $0xffff;
	_ =	sdelay $0x1  }
0x75: {  	v3 =	vor.u32 $0x14, v2;
	_ =	sdelay $0x2  }
0x76: {  	v1 =	vadd.s32 $0x2DC780, v1  }
0x77: {  	[tilespmem:s13+$0x10600] =	vst v1  }
0x78: {  	v1 =	vld.idx.msk [tilespmem:v3+s2+$0x0], $0xffff;
	_ =	sdelay $0x1  }
0x79: {  	v3 =	vor.u32 $0x15, v2;
	_ =	sdelay $0x2  }
0x7a: {  	v1 =	vadd.s32 $0x3D0A00, v1  }
0x7b: {  	[tilespmem:s13+$0x10800] =	vst v1  }
0x7c: {  	v1 =	vld.idx.msk [tilespmem:v3+s2+$0x0], $0xffff;
	_ =	sdelay $0x1  }
0x7d: {  	v3 =	vor.u32 $0x16, v2;
	_ =	sdelay $0x2  }
0x7e: {  	v1 =	vadd.s32 $0x4C4C80, v1  }
0x7f: {  	[tilespmem:s13+$0x10A00] =	vst v1  }
0x80: {  	v1 =	vld.idx.msk [tilespmem:v3+s2+$0x0], $0xffff;
	_ =	sdelay $0x1  }
0x81: {  	v3 =	vor.u32 $0x17, v2;
	_ =	sdelay $0x2  }
0x82: {  	v1 =	vadd.s32 $0x5B8F00, v1  }
0x83: {  	[tilespmem:s13+$0x10C00] =	vst v1  }
0x84: {  	v1 =	vld.idx.msk [tilespmem:v3+s2+$0x0], $0xffff;
	_ =	sdelay $0x1  }
0x85: {  	v3 =	vor.u32 $0x18, v2;
	_ =	sdelay $0x2  }
0x86: {  	v1 =	vadd.s32 $0x6AD180, v1  }
0x87: {  	[tilespmem:s13+$0x10E00] =	vst v1  }
0x88: {  	v1 =	vld.idx.msk [tilespmem:v3+s2+$0x0], $0xffff;
	_ =	sdelay $0x1  }
0x89: {  	v2 =	vor.u32 $0x19, v2;
	_ =	sdelay $0x2  }
0x8a: {  	v1 =	vadd.s32 $0x7A1400, v1  }
0x8b: {  	[tilespmem:s13+$0x11000] =	vst v1  }
0x8c: {  	v1 =	vld.idx.msk [tilespmem:v2+s2+$0x0], $0xffff;
	_ =	sdelay $0x4  }
0x8d: {  	v1 =	vadd.s32 $0x895680, v1  }
0x8e: {  	s29 =	simm.s32 $0x11400;
	[tilespmem:s13+$0x11200] =	vst v1  }
0x8f: {  	[tilespmem:s29], [sflag:$0x1] =	stream.indirect.gather [hbm4b:s3+s8], $0x1, s9, s8, $0xb8;
	[tilespmem:$0x12A00] =	vst v63  }
0x90: {  	_ =	swait.ge [sflag:s10], $0x1400  }
0x91: {  	s30 =	simm.s32 $0x0;
	[sflag:s10] =	ssyncset.done $0x0  }
0x92: {  	s14 =	sand.u32 $0x1F0, s30;
	[sflag:s10] =	ssyncadd.s32 $0xFFFFEC00  }
0x93: {  	v1 =	vld [tilespmem:s14+$0x11600]  }
0x94: {  	v2 =	vld [tilespmem:s29+$0x0];
	_ =	sdelay $0x1  }
0x95: {  	v3 =	vld [tilespmem:s14+$0x11800];
	_ =	sdelay $0x1  }
0x96: {  	v4 =	vld [tilespmem:s14+$0x11A00]  }
0x97: {  	v1 =	vadd.f32 v1, v2  }
0x98: {  	v2 =	vld [tilespmem:s14+$0x11C00]  }
0x99: {  	v1 =	vadd.f32 v3, v1  }
0x9a: {  	v3 =	vld [tilespmem:s14+$0x11E00]  }
0x9b: {  	v1 =	vadd.f32 v4, v1  }
0x9c: {  	v62 =	vld [tilespmem:s14+$0x12000]  }
0x9d: {  	v1 =	vadd.f32 v2, v1  }
0x9e: {  	v2 =	vld [tilespmem:s14+$0x12200]  }
0x9f: {  	v1 =	vadd.f32 v3, v1  }
0xa0: {  	v3 =	vld [tilespmem:s14+$0x12400]  }
0xa1: {  	v1 =	vadd.f32 v62, v1  }
0xa2: {  	v63 =	vld [tilespmem:s14+$0x12600]  }
0xa3: {  	v1 =	vadd.f32 v2, v1;
	_ =	sdelay $0x1  }
0xa4: {  	v1 =	vadd.f32 v3, v1;
	_ =	sdelay $0x1  }
0xa5: {  	v1 =	vadd.f32 v63, v1  }
0xa6: {  	s31 =	simm.s32 $0x10;
	s13 =	simm.s32 $0x12800  }
0xa7: {  	s14 =	sand.u32 $0x1F0, s31;
	[tilespmem:s13+$0x0] =	vst v1  }
0xa8: {  	s16 =	simm.s32 $0x20;
	s15 =	simm.s32 $0x11410;
	v1 =	vld [tilespmem:s14+$0x11600]  }
.LBB2_4:
0xa9: {  	p0 =	sne.s32 s16, $0x1F0;
	v2 =	vld [tilespmem:s15+$0x0];
	_ =	sdelay $0x1  }
0xaa: {  	v3 =	vld [tilespmem:s14+$0x11800];
	_ =	sdelay $0x1  }
0xab: {  	v4 =	vld [tilespmem:s14+$0x11A00]  }
0xac: {  	v1 =	vadd.f32 v1, v2  }
0xad: {  	v2 =	vld [tilespmem:s14+$0x11C00]  }
0xae: {  	v1 =	vadd.f32 v3, v1  }
0xaf: {  	v3 =	vld [tilespmem:s14+$0x11E00]  }
0xb0: {  	v1 =	vadd.f32 v4, v1  }
0xb1: {  	v4 =	vld [tilespmem:s14+$0x12000]  }
0xb2: {  	v1 =	vadd.f32 v2, v1  }
0xb3: {  	v2 =	vld [tilespmem:s14+$0x12200]  }
0xb4: {  	v1 =	vadd.f32 v3, v1  }
0xb5: {  	v3 =	vld [tilespmem:s14+$0x12400]  }
0xb6: {  	v1 =	vadd.f32 v4, v1  }
0xb7: {  	v4 =	vld [tilespmem:s14+$0x12600]  }
0xb8: {  	v1 =	vadd.f32 v2, v1;
	_ =	sdelay $0x1  }
0xb9: {  	v1 =	vadd.f32 v3, v1  }
.Ltmp1:
0xba: {  	(pc) =	sbr.rel @p0 .LBB2_4-.Ltmp1, $4  }
0xbb: {  	v1 =	vadd.f32 v4, v1  }
0xbc: {  	s13 =	sadd.s32 $0x10, s13  }
0xbd: {  	s14 =	sand.u32 $0x1F0, s16;
	[tilespmem:s13+$0x0] =	vst v1  }
0xbe: {  	s15 =	sadd.s32 $0x10, s15;
	s16 =	sadd.s32 $0x10, s16;
	v1 =	vld [tilespmem:s14+$0x11600]  }
0xbf: {  	v2 =	vld [tilespmem:s15+$0x0];
	_ =	sdelay $0x1  }
0xc0: {  	v3 =	vld [tilespmem:s14+$0x11800];
	_ =	sdelay $0x1  }
0xc1: {  	v4 =	vld [tilespmem:s14+$0x11A00]  }
0xc2: {  	v1 =	vadd.f32 v1, v2  }
0xc3: {  	v2 =	vld [tilespmem:s14+$0x11C00]  }
0xc4: {  	v1 =	vadd.f32 v3, v1  }
0xc5: {  	v3 =	vld [tilespmem:s14+$0x11E00]  }
0xc6: {  	v1 =	vadd.f32 v4, v1  }
0xc7: {  	v62 =	vld [tilespmem:s14+$0x12000]  }
0xc8: {  	v1 =	vadd.f32 v2, v1  }
0xc9: {  	v2 =	vld [tilespmem:s14+$0x12200]  }
0xca: {  	v1 =	vadd.f32 v3, v1  }
0xcb: {  	v3 =	vld [tilespmem:s14+$0x12400]  }
0xcc: {  	v1 =	vadd.f32 v62, v1  }
0xcd: {  	v63 =	vld [tilespmem:s14+$0x12600]  }
0xce: {  	v1 =	vadd.f32 v2, v1;
	_ =	sdelay $0x1  }
0xcf: {  	v1 =	vadd.f32 v3, v1;
	_ =	sdelay $0x1  }
0xd0: {  	s12 =	sadd.s32 $0x1, s12;
	v1 =	vadd.f32 v63, v1  }
0xd1: {  	s13 =	sadd.s32 $0x10, s13;
	p0 =	sne.s32 s12, s6  }
.Ltmp2:
0xd2: {  	[tilespmem:s13+$0x0] =	vst v1;
	(pc) =	sbr.rel @p0 .LBB2_1-.Ltmp2, $4  }
0xd3: {  	[hbm4b:s5+s2] =	stream.linear.scatter [tilespmem:s11], [sflag:$0x2], $0x200, $0x38;
	[tilespmem:$0x12A00] =	vst v63  }
0xd4: {  	_ =	swait.ge [sflag:s7], $0x200  }
0xd5: {  	[sflag:s7] =	ssyncset.done $0x0  }
0xd6: {  	[sflag:s7] =	ssyncadd.s32 $0xFFFFFE00  }
0xd7: {  	_ =	sfence.sel $0x180000  }
0xd8: {  	[bflag:$0x0] =	sbarrier.arrive $0xFFFF  }
0xd9: {  	p0 =	sne.s32 s0, $0x0;
	_ =	strace $0x9000004A  }
0xda: {  	s0 =	sadd.s32 @!p0 $0x100000, s1;
	[bflag:$0x2] =	sbarrier.arrive $0xFFFF  }
0xdb: {  	[sflag:s0] =	ssyncadd.tile.s32 @!p0 $0x1;
	_ =	shalt  }
.Lfunc_end2:
_tile_overlayer_lowered:
.L_overlay_start_2:
0xdc: {  	(tag) =	ssettag $0x2  }
0xdd: {  	s0 =	rddreg [dreg:$0x0];
	s2 =	stileid.u32  }
0xde: {  	s1 =	rddreg [dreg:$0x1];
	p0 =	sne.s32 s2, $0x0  }
0xdf: {  	s3 =	rddreg [dreg:$0x2];
	[bflag:$0x3] =	sbarrier.arrive $0xFFFF;
	s2 =	simm.s32 @!p0 $0x1C02  }
0xe0: {  	[timem:s3], [sflag:s2] =	dma.local @!p0 [hbm:s0], s1  }
0xe1: {  	s0 =	simm.s32 @!p0 $0x2  }
0xe2: {  	_ =	swait.ge @!p0 [sflag:s0], s1  }
0xe3: {  	s1 =	ssub.s32 @!p0 $0x0, s1;
	[sflag:s0] =	ssyncset.done @!p0 $0x0  }
0xe4: {  	[sflag:s0] =	ssyncadd.s32 @!p0 s1  }
0xe5: {  	[bflag:$0x3] =	sbarrier.arrive $0xFFFF  }
0xe6: {  	_ =	shalt  }

</sc_bundles>
